<compile_context>
chip_gen: v7x
topology: tpu7x:2x2x1
jax: 0.10.2.dev20260603
libtpu: 0.0.44.dev20260713+nightly
codegen_flags: <defaults>
</compile_context>

<pallas_src>
import functools

import jax
import jax.numpy as jnp
from jax import lax
from jax.experimental import pallas as pl
from jax.experimental.pallas import tpu as pltpu
from jax.experimental.pallas import tpu_sc as plsc

SEQ = 200
DIM = 32
BATCH = 1024
VOCAB = 1000000
LANES = 16
NW = 32
OPAD = 1025


def _sc_body(idx_hbm, tok_hbm, pos_hbm, out_hbm,
             idx_v, pos_v, rows_v, out_v, sem):
    cid = lax.axis_index("c")
    sid = lax.axis_index("s")
    w = sid * 2 + cid

    pltpu.sync_copy(pos_hbm, pos_v)
    dlanes = lax.iota(jnp.int32, LANES)

    def do_l(l):
        pltpu.sync_copy(idx_hbm.at[l], idx_v)
        copies = [
            pltpu.async_copy(
                tok_hbm.at[idx_v.at[pl.ds(j * 128, 128)]],
                rows_v.at[pl.ds(j * 128, 128)],
                sem,
            )
            for j in range(BATCH // 128)
        ]
        for cp in copies:
            cp.wait()

        p0 = plsc.load_gather(pos_v, [dlanes, jnp.full((LANES,), l, jnp.int32)])
        p1 = plsc.load_gather(
            pos_v, [dlanes + LANES, jnp.full((LANES,), l, jnp.int32)])

        def tr_j(j, _):
            v0 = rows_v[j, pl.ds(0, LANES)] + p0
            v1 = rows_v[j, pl.ds(LANES, LANES)] + p1
            jb = jnp.full((LANES,), j, jnp.int32)
            plsc.store_scatter(out_v, [dlanes, jb], v0)
            plsc.store_scatter(out_v, [dlanes + LANES, jb], v1)
            return 0

        lax.fori_loop(0, BATCH, tr_j, 0)
        pltpu.sync_copy(out_v.at[:, pl.ds(0, BATCH)], out_hbm.at[l])

    for k in range(6):
        do_l(w + NW * k)

    @pl.when(w < SEQ - 6 * NW)
    def _():
        do_l(w + NW * 6)


@jax.jit
def _run(idx_t, tok, pos_t):
    mesh = plsc.VectorSubcoreMesh(core_axis_name="c", subcore_axis_name="s")
    return pl.kernel(
        _sc_body,
        out_type=jax.ShapeDtypeStruct((SEQ, DIM, BATCH), jnp.float32),
        mesh=mesh,
        scratch_types=[
            pltpu.VMEM((BATCH,), jnp.int32),
            pltpu.VMEM((DIM, SEQ), jnp.float32),
            pltpu.VMEM((BATCH, DIM), jnp.float32),
            pltpu.VMEM((DIM, OPAD), jnp.float32),
            pltpu.SemaphoreType.DMA,
        ],
        compiler_params=pltpu.CompilerParams(
            use_tc_tiling_on_sc=False, needs_layout_passes=False),
    )(idx_t, tok, pos_t)


def kernel(inputs, token_table, pos_table):
    idx_t = inputs.astype(jnp.int32).T
    out = _run(idx_t, token_table, pos_table.T)
    return jnp.transpose(out, (2, 0, 1))

# --- scband reference (transcript-rebuilt; emitter-appended) ---
"""Pipeline reference for scband-positional-embedding-37830071943169 (READ-ONLY COPY).

The authoritative reference and input builder live on the scoring server;
editing this copy changes nothing except your own understanding.
"""

import jax, jax.numpy as jnp
import numpy as np

SEQ_LEN = 200
VOCAB = 1000000
DIM = 32
BATCH = 1024

def setup_inputs(seed: int = 0) -> dict:
    key = jax.random.key(seed)
    k1, k2, k3 = jax.random.split(key, 3)
    inputs = jax.random.randint(k1, (BATCH, SEQ_LEN), 0, VOCAB, dtype=jnp.int64 if jax.config.jax_enable_x64 else jnp.int32)
    token_table = jax.random.normal(k2, (VOCAB, DIM), dtype=jnp.float32) * 0.02
    pos_table = jax.random.normal(k3, (SEQ_LEN, DIM), dtype=jnp.float32) * 0.02
    return {"inputs": inputs, "token_table": token_table, "pos_table": pos_table}

def reference(inputs, token_table, pos_table):
    # token embedding lookup: gather rows from table
    embedded_tokens = jnp.take(token_table, inputs, axis=0)  # [B, L, D]
    length = inputs.shape[-1]
    positions = jnp.arange(0, length, 1)
    embedded_positions = jnp.take(pos_table, positions, axis=0)  # [L, D]
    return embedded_tokens + embedded_positions[None, :, :]

if __name__ == "__main__":
    import jax
    _d = setup_inputs()
    print(jax.jit(kernel)(*tuple(_d.values())))

</pallas_src>

<mosaic_0001>
#map = affine_map<(d0, d1) -> (0, 0)>
#map1 = affine_map<(d0, d1) -> (0, 0, 0)>
module attributes {stable_mosaic.version = 14 : i64} {
  func.func @_sc_body(%arg0: i32, %arg1: i32, %arg2: memref<200x1024xi32, #tpu.memory_space<hbm>>, %arg3: memref<1000000x32xf32, #tpu.memory_space<hbm>>, %arg4: memref<32x200xf32, #tpu.memory_space<hbm>>, %arg5: memref<200x32x1024xf32, #tpu.memory_space<hbm>>, %arg6: memref<1024xi32, #tpu.memory_space<vmem>>, %arg7: memref<32x200xf32, #tpu.memory_space<vmem>>, %arg8: memref<1024x32xf32, #tpu.memory_space<vmem>>, %arg9: memref<32x1025xf32, #tpu.memory_space<vmem>>, %arg10: memref<!tpu.dma_semaphore, #tpu.memory_space<semaphore_mem>>) attributes {dimension_semantics = [#tpu.dimension_semantics<core_parallel>, #tpu.dimension_semantics<subcore_parallel>], iteration_bounds = array<i64: 2, 16>, scalar_prefetch = 0 : i64, scratch_operands = 5 : i64, tpu.core_type = #tpu.core_type<sc_vector_subcore>, window_params = [{transform_indices = #map}, {transform_indices = #map}, {transform_indices = #map}, {transform_indices = #map1}]} {
    %mul3A = arith.constant 2 : i32
    %mul3A_0 = arith.muli %arg1, %mul3A : i32
    %add3A = arith.addi %mul3A_0, %arg0 : i32
    "tpu.region"() ({
      %run_scoped3A = tpu.sem_alloc : memref<!tpu.dma_semaphore, #tpu.memory_space<semaphore_mem>>
      tpu.enqueue_dma source(%arg4 : memref<32x200xf32, #tpu.memory_space<hbm>>) target(%arg7 : memref<32x200xf32, #tpu.memory_space<vmem>>) target_semaphore(%run_scoped3A : memref<!tpu.dma_semaphore, #tpu.memory_space<semaphore_mem>>)
      tpu.wait_dma2 semaphore(%run_scoped3A : memref<!tpu.dma_semaphore, #tpu.memory_space<semaphore_mem>>) src(%arg4 : memref<32x200xf32, #tpu.memory_space<hbm>>) dst(%arg7 : memref<32x200xf32, #tpu.memory_space<vmem>>)
      tpu.yield
    }) : () -> ()
    %iota3A = tpu.iota {dimensions = array<i32: 0>} : vector<16xi32>
    %add3A_1 = arith.constant 0 : i32
    %add3A_2 = arith.addi %add3A, %add3A_1 : i32
    "tpu.region"() ({
      %run_scoped3A = tpu.sem_alloc : memref<!tpu.dma_semaphore, #tpu.memory_space<semaphore_mem>>
      %dma_start3A_862 = arith.constant 0 : i32
      %dma_start3A_863 = tpu.memref_slice %arg2[%add3A_2, %dma_start3A_862] : memref<200x1024xi32, #tpu.memory_space<hbm>> -> memref<1x1024xi32, #tpu.memory_space<hbm>>
      %dma_start3A_864 = tpu.memref_squeeze %dma_start3A_863 : memref<1x1024xi32, #tpu.memory_space<hbm>> -> memref<1024xi32, #tpu.memory_space<hbm>>
      %dma_start3A_865 = arith.constant 0 : i32
      %dma_start3A_866 = tpu.memref_slice %arg2[%add3A_2, %dma_start3A_865] : memref<200x1024xi32, #tpu.memory_space<hbm>> -> memref<1x1024xi32, #tpu.memory_space<hbm>>
      %dma_start3A_867 = tpu.memref_squeeze %dma_start3A_866 : memref<1x1024xi32, #tpu.memory_space<hbm>> -> memref<1024xi32, #tpu.memory_space<hbm>>
      tpu.enqueue_dma source(%dma_start3A_867 : memref<1024xi32, #tpu.memory_space<hbm>>) target(%arg6 : memref<1024xi32, #tpu.memory_space<vmem>>) target_semaphore(%run_scoped3A : memref<!tpu.dma_semaphore, #tpu.memory_space<semaphore_mem>>)
      %dma_wait3A_868 = arith.constant 0 : i32
      %dma_wait3A_869 = tpu.memref_slice %arg2[%add3A_2, %dma_wait3A_868] : memref<200x1024xi32, #tpu.memory_space<hbm>> -> memref<1x1024xi32, #tpu.memory_space<hbm>>
      %dma_wait3A_870 = tpu.memref_squeeze %dma_wait3A_869 : memref<1x1024xi32, #tpu.memory_space<hbm>> -> memref<1024xi32, #tpu.memory_space<hbm>>
      %dma_wait3A_871 = arith.constant 0 : i32
      %dma_wait3A_872 = tpu.memref_slice %arg2[%add3A_2, %dma_wait3A_871] : memref<200x1024xi32, #tpu.memory_space<hbm>> -> memref<1x1024xi32, #tpu.memory_space<hbm>>
      %dma_wait3A_873 = tpu.memref_squeeze %dma_wait3A_872 : memref<1x1024xi32, #tpu.memory_space<hbm>> -> memref<1024xi32, #tpu.memory_space<hbm>>
      tpu.wait_dma2 semaphore(%run_scoped3A : memref<!tpu.dma_semaphore, #tpu.memory_space<semaphore_mem>>) src(%dma_wait3A_873 : memref<1024xi32, #tpu.memory_space<hbm>>) dst(%arg6 : memref<1024xi32, #tpu.memory_space<vmem>>)
      tpu.yield
    }) : () -> ()
    %dma_start3A = arith.constant 0 : i32
    %dma_start3A_3 = arith.constant 0 : i32
    %dma_start3A_4 = tpu.memref_slice %arg8[%dma_start3A, %dma_start3A_3] : memref<1024x32xf32, #tpu.memory_space<vmem>> -> memref<128x32xf32, #tpu.memory_space<vmem>>
    %dma_start3A_5 = arith.constant 0 : i32
    %dma_start3A_6 = tpu.memref_slice %arg6[%dma_start3A_5] : memref<1024xi32, #tpu.memory_space<vmem>> -> memref<128xi32, #tpu.memory_space<vmem>>
    %dma_start3A_7 = arith.constant 0 : i32
    %dma_start3A_8 = arith.constant 0 : i32
    %dma_start3A_9 = tpu.memref_slice %arg3[%dma_start3A_7, %dma_start3A_8] : memref<1000000x32xf32, #tpu.memory_space<hbm>> -> memref<1000000x32xf32, #tpu.memory_space<hbm>>
    tpu.enqueue_indirect_dma source(%dma_start3A_9 : memref<1000000x32xf32, #tpu.memory_space<hbm>>) target(%dma_start3A_4 : memref<128x32xf32, #tpu.memory_space<vmem>>) offsets(%dma_start3A_6 : memref<128xi32, #tpu.memory_space<vmem>>) semaphore(%arg10 : memref<!tpu.dma_semaphore, #tpu.memory_space<semaphore_mem>>)
    %dma_start3A_10 = arith.constant 128 : i32
    %dma_start3A_11 = arith.constant 0 : i32
    %dma_start3A_12 = tpu.memref_slice %arg8[%dma_start3A_10, %dma_start3A_11] : memref<1024x32xf32, #tpu.memory_space<vmem>> -> memref<128x32xf32, #tpu.memory_space<vmem>>
    %dma_start3A_13 = arith.constant 128 : i32
    %dma_start3A_14 = tpu.memref_slice %arg6[%dma_start3A_13] : memref<1024xi32, #tpu.memory_space<vmem>> -> memref<128xi32, #tpu.memory_space<vmem>>
    %dma_start3A_15 = arith.constant 0 : i32
    %dma_start3A_16 = arith.constant 0 : i32
    %dma_start3A_17 = tpu.memref_slice %arg3[%dma_start3A_15, %dma_start3A_16] : memref<1000000x32xf32, #tpu.memory_space<hbm>> -> memref<1000000x32xf32, #tpu.memory_space<hbm>>
    tpu.enqueue_indirect_dma source(%dma_start3A_17 : memref<1000000x32xf32, #tpu.memory_space<hbm>>) target(%dma_start3A_12 : memref<128x32xf32, #tpu.memory_space<vmem>>) offsets(%dma_start3A_14 : memref<128xi32, #tpu.memory_space<vmem>>) semaphore(%arg10 : memref<!tpu.dma_semaphore, #tpu.memory_space<semaphore_mem>>)
    %dma_start3A_18 = arith.constant 256 : i32
    %dma_start3A_19 = arith.constant 0 : i32
    %dma_start3A_20 = tpu.memref_slice %arg8[%dma_start3A_18, %dma_start3A_19] : memref<1024x32xf32, #tpu.memory_space<vmem>> -> memref<128x32xf32, #tpu.memory_space<vmem>>
    %dma_start3A_21 = arith.constant 256 : i32
    %dma_start3A_22 = tpu.memref_slice %arg6[%dma_start3A_21] : memref<1024xi32, #tpu.memory_space<vmem>> -> memref<128xi32, #tpu.memory_space<vmem>>
    %dma_start3A_23 = arith.constant 0 : i32
    %dma_start3A_24 = arith.constant 0 : i32
    %dma_start3A_25 = tpu.memref_slice %arg3[%dma_start3A_23, %dma_start3A_24] : memref<1000000x32xf32, #tpu.memory_space<hbm>> -> memref<1000000x32xf32, #tpu.memory_space<hbm>>
    tpu.enqueue_indirect_dma source(%dma_start3A_25 : memref<1000000x32xf32, #tpu.memory_space<hbm>>) target(%dma_start3A_20 : memref<128x32xf32, #tpu.memory_space<vmem>>) offsets(%dma_start3A_22 : memref<128xi32, #tpu.memory_space<vmem>>) semaphore(%arg10 : memref<!tpu.dma_semaphore, #tpu.memory_space<semaphore_mem>>)
    %dma_start3A_26 = arith.constant 384 : i32
    %dma_start3A_27 = arith.constant 0 : i32
    %dma_start3A_28 = tpu.memref_slice %arg8[%dma_start3A_26, %dma_start3A_27] : memref<1024x32xf32, #tpu.memory_space<vmem>> -> memref<128x32xf32, #tpu.memory_space<vmem>>
    %dma_start3A_29 = arith.constant 384 : i32
    %dma_start3A_30 = tpu.memref_slice %arg6[%dma_start3A_29] : memref<1024xi32, #tpu.memory_space<vmem>> -> memref<128xi32, #tpu.memory_space<vmem>>
    %dma_start3A_31 = arith.constant 0 : i32
    %dma_start3A_32 = arith.constant 0 : i32
    %dma_start3A_33 = tpu.memref_slice %arg3[%dma_start3A_31, %dma_start3A_32] : memref<1000000x32xf32, #tpu.memory_space<hbm>> -> memref<1000000x32xf32, #tpu.memory_space<hbm>>
    tpu.enqueue_indirect_dma source(%dma_start3A_33 : memref<1000000x32xf32, #tpu.memory_space<hbm>>) target(%dma_start3A_28 : memref<128x32xf32, #tpu.memory_space<vmem>>) offsets(%dma_start3A_30 : memref<128xi32, #tpu.memory_space<vmem>>) semaphore(%arg10 : memref<!tpu.dma_semaphore, #tpu.memory_space<semaphore_mem>>)
    %dma_start3A_34 = arith.constant 512 : i32
    %dma_start3A_35 = arith.constant 0 : i32
    %dma_start3A_36 = tpu.memref_slice %arg8[%dma_start3A_34, %dma_start3A_35] : memref<1024x32xf32, #tpu.memory_space<vmem>> -> memref<128x32xf32, #tpu.memory_space<vmem>>
    %dma_start3A_37 = arith.constant 512 : i32
    %dma_start3A_38 = tpu.memref_slice %arg6[%dma_start3A_37] : memref<1024xi32, #tpu.memory_space<vmem>> -> memref<128xi32, #tpu.memory_space<vmem>>
    %dma_start3A_39 = arith.constant 0 : i32
    %dma_start3A_40 = arith.constant 0 : i32
    %dma_start3A_41 = tpu.memref_slice %arg3[%dma_start3A_39, %dma_start3A_40] : memref<1000000x32xf32, #tpu.memory_space<hbm>> -> memref<1000000x32xf32, #tpu.memory_space<hbm>>
    tpu.enqueue_indirect_dma source(%dma_start3A_41 : memref<1000000x32xf32, #tpu.memory_space<hbm>>) target(%dma_start3A_36 : memref<128x32xf32, #tpu.memory_space<vmem>>) offsets(%dma_start3A_38 : memref<128xi32, #tpu.memory_space<vmem>>) semaphore(%arg10 : memref<!tpu.dma_semaphore, #tpu.memory_space<semaphore_mem>>)
    %dma_start3A_42 = arith.constant 640 : i32
    %dma_start3A_43 = arith.constant 0 : i32
    %dma_start3A_44 = tpu.memref_slice %arg8[%dma_start3A_42, %dma_start3A_43] : memref<1024x32xf32, #tpu.memory_space<vmem>> -> memref<128x32xf32, #tpu.memory_space<vmem>>
    %dma_start3A_45 = arith.constant 640 : i32
    %dma_start3A_46 = tpu.memref_slice %arg6[%dma_start3A_45] : memref<1024xi32, #tpu.memory_space<vmem>> -> memref<128xi32, #tpu.memory_space<vmem>>
    %dma_start3A_47 = arith.constant 0 : i32
    %dma_start3A_48 = arith.constant 0 : i32
    %dma_start3A_49 = tpu.memref_slice %arg3[%dma_start3A_47, %dma_start3A_48] : memref<1000000x32xf32, #tpu.memory_space<hbm>> -> memref<1000000x32xf32, #tpu.memory_space<hbm>>
    tpu.enqueue_indirect_dma source(%dma_start3A_49 : memref<1000000x32xf32, #tpu.memory_space<hbm>>) target(%dma_start3A_44 : memref<128x32xf32, #tpu.memory_space<vmem>>) offsets(%dma_start3A_46 : memref<128xi32, #tpu.memory_space<vmem>>) semaphore(%arg10 : memref<!tpu.dma_semaphore, #tpu.memory_space<semaphore_mem>>)
    %dma_start3A_50 = arith.constant 768 : i32
    %dma_start3A_51 = arith.constant 0 : i32
    %dma_start3A_52 = tpu.memref_slice %arg8[%dma_start3A_50, %dma_start3A_51] : memref<1024x32xf32, #tpu.memory_space<vmem>> -> memref<128x32xf32, #tpu.memory_space<vmem>>
    %dma_start3A_53 = arith.constant 768 : i32
    %dma_start3A_54 = tpu.memref_slice %arg6[%dma_start3A_53] : memref<1024xi32, #tpu.memory_space<vmem>> -> memref<128xi32, #tpu.memory_space<vmem>>
    %dma_start3A_55 = arith.constant 0 : i32
    %dma_start3A_56 = arith.constant 0 : i32
    %dma_start3A_57 = tpu.memref_slice %arg3[%dma_start3A_55, %dma_start3A_56] : memref<1000000x32xf32, #tpu.memory_space<hbm>> -> memref<1000000x32xf32, #tpu.memory_space<hbm>>
    tpu.enqueue_indirect_dma source(%dma_start3A_57 : memref<1000000x32xf32, #tpu.memory_space<hbm>>) target(%dma_start3A_52 : memref<128x32xf32, #tpu.memory_space<vmem>>) offsets(%dma_start3A_54 : memref<128xi32, #tpu.memory_space<vmem>>) semaphore(%arg10 : memref<!tpu.dma_semaphore, #tpu.memory_space<semaphore_mem>>)
    %dma_start3A_58 = arith.constant 896 : i32
    %dma_start3A_59 = arith.constant 0 : i32
    %dma_start3A_60 = tpu.memref_slice %arg8[%dma_start3A_58, %dma_start3A_59] : memref<1024x32xf32, #tpu.memory_space<vmem>> -> memref<128x32xf32, #tpu.memory_space<vmem>>
    %dma_start3A_61 = arith.constant 896 : i32
    %dma_start3A_62 = tpu.memref_slice %arg6[%dma_start3A_61] : memref<1024xi32, #tpu.memory_space<vmem>> -> memref<128xi32, #tpu.memory_space<vmem>>
    %dma_start3A_63 = arith.constant 0 : i32
    %dma_start3A_64 = arith.constant 0 : i32
    %dma_start3A_65 = tpu.memref_slice %arg3[%dma_start3A_63, %dma_start3A_64] : memref<1000000x32xf32, #tpu.memory_space<hbm>> -> memref<1000000x32xf32, #tpu.memory_space<hbm>>
    tpu.enqueue_indirect_dma source(%dma_start3A_65 : memref<1000000x32xf32, #tpu.memory_space<hbm>>) target(%dma_start3A_60 : memref<128x32xf32, #tpu.memory_space<vmem>>) offsets(%dma_start3A_62 : memref<128xi32, #tpu.memory_space<vmem>>) semaphore(%arg10 : memref<!tpu.dma_semaphore, #tpu.memory_space<semaphore_mem>>)
    %dma_wait3A = arith.constant 0 : i32
    %dma_wait3A_66 = arith.constant 0 : i32
    %dma_wait3A_67 = tpu.memref_slice %arg8[%dma_wait3A, %dma_wait3A_66] : memref<1024x32xf32, #tpu.memory_space<vmem>> -> memref<128x32xf32, #tpu.memory_space<vmem>>
    %dma_wait3A_68 = arith.constant 0 : i32
    %dma_wait3A_69 = tpu.memref_slice %arg6[%dma_wait3A_68] : memref<1024xi32, #tpu.memory_space<vmem>> -> memref<128xi32, #tpu.memory_space<vmem>>
    %dma_wait3A_70 = arith.constant 0 : i32
    %dma_wait3A_71 = arith.constant 0 : i32
    %dma_wait3A_72 = tpu.memref_slice %arg3[%dma_wait3A_70, %dma_wait3A_71] : memref<1000000x32xf32, #tpu.memory_space<hbm>> -> memref<1000000x32xf32, #tpu.memory_space<hbm>>
    tpu.wait_indirect_dma semaphore(%arg10 : memref<!tpu.dma_semaphore, #tpu.memory_space<semaphore_mem>>) src(%dma_wait3A_72 : memref<1000000x32xf32, #tpu.memory_space<hbm>>) dst(%dma_wait3A_67 : memref<128x32xf32, #tpu.memory_space<vmem>>)
    %dma_wait3A_73 = arith.constant 128 : i32
    %dma_wait3A_74 = arith.constant 0 : i32
    %dma_wait3A_75 = tpu.memref_slice %arg8[%dma_wait3A_73, %dma_wait3A_74] : memref<1024x32xf32, #tpu.memory_space<vmem>> -> memref<128x32xf32, #tpu.memory_space<vmem>>
    %dma_wait3A_76 = arith.constant 128 : i32
    %dma_wait3A_77 = tpu.memref_slice %arg6[%dma_wait3A_76] : memref<1024xi32, #tpu.memory_space<vmem>> -> memref<128xi32, #tpu.memory_space<vmem>>
    %dma_wait3A_78 = arith.constant 0 : i32
    %dma_wait3A_79 = arith.constant 0 : i32
    %dma_wait3A_80 = tpu.memref_slice %arg3[%dma_wait3A_78, %dma_wait3A_79] : memref<1000000x32xf32, #tpu.memory_space<hbm>> -> memref<1000000x32xf32, #tpu.memory_space<hbm>>
    tpu.wait_indirect_dma semaphore(%arg10 : memref<!tpu.dma_semaphore, #tpu.memory_space<semaphore_mem>>) src(%dma_wait3A_80 : memref<1000000x32xf32, #tpu.memory_space<hbm>>) dst(%dma_wait3A_75 : memref<128x32xf32, #tpu.memory_space<vmem>>)
    %dma_wait3A_81 = arith.constant 256 : i32
    %dma_wait3A_82 = arith.constant 0 : i32
    %dma_wait3A_83 = tpu.memref_slice %arg8[%dma_wait3A_81, %dma_wait3A_82] : memref<1024x32xf32, #tpu.memory_space<vmem>> -> memref<128x32xf32, #tpu.memory_space<vmem>>
    %dma_wait3A_84 = arith.constant 256 : i32
    %dma_wait3A_85 = tpu.memref_slice %arg6[%dma_wait3A_84] : memref<1024xi32, #tpu.memory_space<vmem>> -> memref<128xi32, #tpu.memory_space<vmem>>
    %dma_wait3A_86 = arith.constant 0 : i32
    %dma_wait3A_87 = arith.constant 0 : i32
    %dma_wait3A_88 = tpu.memref_slice %arg3[%dma_wait3A_86, %dma_wait3A_87] : memref<1000000x32xf32, #tpu.memory_space<hbm>> -> memref<1000000x32xf32, #tpu.memory_space<hbm>>
    tpu.wait_indirect_dma semaphore(%arg10 : memref<!tpu.dma_semaphore, #tpu.memory_space<semaphore_mem>>) src(%dma_wait3A_88 : memref<1000000x32xf32, #tpu.memory_space<hbm>>) dst(%dma_wait3A_83 : memref<128x32xf32, #tpu.memory_space<vmem>>)
    %dma_wait3A_89 = arith.constant 384 : i32
    %dma_wait3A_90 = arith.constant 0 : i32
    %dma_wait3A_91 = tpu.memref_slice %arg8[%dma_wait3A_89, %dma_wait3A_90] : memref<1024x32xf32, #tpu.memory_space<vmem>> -> memref<128x32xf32, #tpu.memory_space<vmem>>
    %dma_wait3A_92 = arith.constant 384 : i32
    %dma_wait3A_93 = tpu.memref_slice %arg6[%dma_wait3A_92] : memref<1024xi32, #tpu.memory_space<vmem>> -> memref<128xi32, #tpu.memory_space<vmem>>
    %dma_wait3A_94 = arith.constant 0 : i32
    %dma_wait3A_95 = arith.constant 0 : i32
    %dma_wait3A_96 = tpu.memref_slice %arg3[%dma_wait3A_94, %dma_wait3A_95] : memref<1000000x32xf32, #tpu.memory_space<hbm>> -> memref<1000000x32xf32, #tpu.memory_space<hbm>>
    tpu.wait_indirect_dma semaphore(%arg10 : memref<!tpu.dma_semaphore, #tpu.memory_space<semaphore_mem>>) src(%dma_wait3A_96 : memref<1000000x32xf32, #tpu.memory_space<hbm>>) dst(%dma_wait3A_91 : memref<128x32xf32, #tpu.memory_space<vmem>>)
    %dma_wait3A_97 = arith.constant 512 : i32
    %dma_wait3A_98 = arith.constant 0 : i32
    %dma_wait3A_99 = tpu.memref_slice %arg8[%dma_wait3A_97, %dma_wait3A_98] : memref<1024x32xf32, #tpu.memory_space<vmem>> -> memref<128x32xf32, #tpu.memory_space<vmem>>
    %dma_wait3A_100 = arith.constant 512 : i32
    %dma_wait3A_101 = tpu.memref_slice %arg6[%dma_wait3A_100] : memref<1024xi32, #tpu.memory_space<vmem>> -> memref<128xi32, #tpu.memory_space<vmem>>
    %dma_wait3A_102 = arith.constant 0 : i32
    %dma_wait3A_103 = arith.constant 0 : i32
    %dma_wait3A_104 = tpu.memref_slice %arg3[%dma_wait3A_102, %dma_wait3A_103] : memref<1000000x32xf32, #tpu.memory_space<hbm>> -> memref<1000000x32xf32, #tpu.memory_space<hbm>>
    tpu.wait_indirect_dma semaphore(%arg10 : memref<!tpu.dma_semaphore, #tpu.memory_space<semaphore_mem>>) src(%dma_wait3A_104 : memref<1000000x32xf32, #tpu.memory_space<hbm>>) dst(%dma_wait3A_99 : memref<128x32xf32, #tpu.memory_space<vmem>>)
    %dma_wait3A_105 = arith.constant 640 : i32
    %dma_wait3A_106 = arith.constant 0 : i32
    %dma_wait3A_107 = tpu.memref_slice %arg8[%dma_wait3A_105, %dma_wait3A_106] : memref<1024x32xf32, #tpu.memory_space<vmem>> -> memref<128x32xf32, #tpu.memory_space<vmem>>
    %dma_wait3A_108 = arith.constant 640 : i32
    %dma_wait3A_109 = tpu.memref_slice %arg6[%dma_wait3A_108] : memref<1024xi32, #tpu.memory_space<vmem>> -> memref<128xi32, #tpu.memory_space<vmem>>
    %dma_wait3A_110 = arith.constant 0 : i32
    %dma_wait3A_111 = arith.constant 0 : i32
    %dma_wait3A_112 = tpu.memref_slice %arg3[%dma_wait3A_110, %dma_wait3A_111] : memref<1000000x32xf32, #tpu.memory_space<hbm>> -> memref<1000000x32xf32, #tpu.memory_space<hbm>>
    tpu.wait_indirect_dma semaphore(%arg10 : memref<!tpu.dma_semaphore, #tpu.memory_space<semaphore_mem>>) src(%dma_wait3A_112 : memref<1000000x32xf32, #tpu.memory_space<hbm>>) dst(%dma_wait3A_107 : memref<128x32xf32, #tpu.memory_space<vmem>>)
    %dma_wait3A_113 = arith.constant 768 : i32
    %dma_wait3A_114 = arith.constant 0 : i32
    %dma_wait3A_115 = tpu.memref_slice %arg8[%dma_wait3A_113, %dma_wait3A_114] : memref<1024x32xf32, #tpu.memory_space<vmem>> -> memref<128x32xf32, #tpu.memory_space<vmem>>
    %dma_wait3A_116 = arith.constant 768 : i32
    %dma_wait3A_117 = tpu.memref_slice %arg6[%dma_wait3A_116] : memref<1024xi32, #tpu.memory_space<vmem>> -> memref<128xi32, #tpu.memory_space<vmem>>
    %dma_wait3A_118 = arith.constant 0 : i32
    %dma_wait3A_119 = arith.constant 0 : i32
    %dma_wait3A_120 = tpu.memref_slice %arg3[%dma_wait3A_118, %dma_wait3A_119] : memref<1000000x32xf32, #tpu.memory_space<hbm>> -> memref<1000000x32xf32, #tpu.memory_space<hbm>>
    tpu.wait_indirect_dma semaphore(%arg10 : memref<!tpu.dma_semaphore, #tpu.memory_space<semaphore_mem>>) src(%dma_wait3A_120 : memref<1000000x32xf32, #tpu.memory_space<hbm>>) dst(%dma_wait3A_115 : memref<128x32xf32, #tpu.memory_space<vmem>>)
    %dma_wait3A_121 = arith.constant 896 : i32
    %dma_wait3A_122 = arith.constant 0 : i32
    %dma_wait3A_123 = tpu.memref_slice %arg8[%dma_wait3A_121, %dma_wait3A_122] : memref<1024x32xf32, #tpu.memory_space<vmem>> -> memref<128x32xf32, #tpu.memory_space<vmem>>
    %dma_wait3A_124 = arith.constant 896 : i32
    %dma_wait3A_125 = tpu.memref_slice %arg6[%dma_wait3A_124] : memref<1024xi32, #tpu.memory_space<vmem>> -> memref<128xi32, #tpu.memory_space<vmem>>
    %dma_wait3A_126 = arith.constant 0 : i32
    %dma_wait3A_127 = arith.constant 0 : i32
    %dma_wait3A_128 = tpu.memref_slice %arg3[%dma_wait3A_126, %dma_wait3A_127] : memref<1000000x32xf32, #tpu.memory_space<hbm>> -> memref<1000000x32xf32, #tpu.memory_space<hbm>>
    tpu.wait_indirect_dma semaphore(%arg10 : memref<!tpu.dma_semaphore, #tpu.memory_space<semaphore_mem>>) src(%dma_wait3A_128 : memref<1000000x32xf32, #tpu.memory_space<hbm>>) dst(%dma_wait3A_123 : memref<128x32xf32, #tpu.memory_space<vmem>>)
    %broadcast_in_dim3A = vector.broadcast %add3A_2 : i32 to vector<16xi32>
    %gather3A = tpu.vector_load_idx %arg7[%iota3A, %broadcast_in_dim3A] : memref<32x200xf32, #tpu.memory_space<vmem>>[vector<16xi32>, vector<16xi32>], vector<16xf32>,
    %add3A_129 = arith.constant 16 : i32
    %add3A_130 = vector.broadcast %add3A_129 : i32 to vector<16xi32>
    %add3A_131 = arith.addi %iota3A, %add3A_130 : vector<16xi32>
    %broadcast_in_dim3A_132 = vector.broadcast %add3A_2 : i32 to vector<16xi32>
    %gather3A_133 = tpu.vector_load_idx %arg7[%add3A_131, %broadcast_in_dim3A_132] : memref<32x200xf32, #tpu.memory_space<vmem>>[vector<16xi32>, vector<16xi32>], vector<16xf32>,
    %scan3A = arith.constant 0 : i32
    %scan3A_134 = arith.constant 0 : i32
    %scan3A_135 = arith.constant 1024 : i32
    %scan3A_136 = arith.addi %scan3A_134, %scan3A_135 : i32
    %scan3A_137 = arith.constant 1 : i32
    %scan3A_138 = scf.for %scan3A_862 = %scan3A_134 to %scan3A_136 step %scan3A_137 iter_args(%scan3A_863 = %scan3A) -> (i32)  : i32 {
      %get3A = arith.index_cast %scan3A_862 : i32 to index
      %get3A_864 = arith.constant 0 : index
      %get3A_865 = tpu.vector_load %arg8[%get3A, %get3A_864] {strides = array<i32>} : memref<1024x32xf32, #tpu.memory_space<vmem>>, vector<16xf32>,
      %add3A_866 = arith.addf %get3A_865, %gather3A : vector<16xf32>
      %get3A_867 = arith.index_cast %scan3A_862 : i32 to index
      %get3A_868 = arith.constant 16 : index
      %get3A_869 = tpu.vector_load %arg8[%get3A_867, %get3A_868] {strides = array<i32>} : memref<1024x32xf32, #tpu.memory_space<vmem>>, vector<16xf32>,
      %add3A_870 = arith.addf %get3A_869, %gather3A_133 : vector<16xf32>
      %broadcast_in_dim3A_871 = vector.broadcast %scan3A_862 : i32 to vector<16xi32>
      tpu.vector_store_idx %arg9[%iota3A, %broadcast_in_dim3A_871], %add3A_866 : memref<32x1025xf32, #tpu.memory_space<vmem>>[vector<16xi32>, vector<16xi32>], vector<16xf32>,
      %add3A_872 = arith.constant 16 : i32
      %add3A_873 = vector.broadcast %add3A_872 : i32 to vector<16xi32>
      %add3A_874 = arith.addi %iota3A, %add3A_873 : vector<16xi32>
      tpu.vector_store_idx %arg9[%add3A_874, %broadcast_in_dim3A_871], %add3A_870 : memref<32x1025xf32, #tpu.memory_space<vmem>>[vector<16xi32>, vector<16xi32>], vector<16xf32>,
      %scan3A_875 = arith.constant 0 : i32
      scf.yield %scan3A_875 : i32
    }
    %scan3A_139 = arith.constant 1024 : i32
    "tpu.region"() ({
      %run_scoped3A = tpu.sem_alloc : memref<!tpu.dma_semaphore, #tpu.memory_space<semaphore_mem>>
      %dma_start3A_862 = arith.constant 0 : i32
      %dma_start3A_863 = arith.constant 0 : i32
      %dma_start3A_864 = tpu.memref_slice %arg9[%dma_start3A_862, %dma_start3A_863] : memref<32x1025xf32, #tpu.memory_space<vmem>> -> memref<32x1024xf32, #tpu.memory_space<vmem>>
      %dma_start3A_865 = arith.constant 0 : i32
      %dma_start3A_866 = arith.constant 0 : i32
      %dma_start3A_867 = tpu.memref_slice %arg5[%add3A_2, %dma_start3A_865, %dma_start3A_866] : memref<200x32x1024xf32, #tpu.memory_space<hbm>> -> memref<1x32x1024xf32, #tpu.memory_space<hbm>>
      %dma_start3A_868 = tpu.memref_squeeze %dma_start3A_867 : memref<1x32x1024xf32, #tpu.memory_space<hbm>> -> memref<32x1024xf32, #tpu.memory_space<hbm>>
      %dma_start3A_869 = arith.constant 0 : i32
      %dma_start3A_870 = arith.constant 0 : i32
      %dma_start3A_871 = tpu.memref_slice %arg5[%add3A_2, %dma_start3A_869, %dma_start3A_870] : memref<200x32x1024xf32, #tpu.memory_space<hbm>> -> memref<1x32x1024xf32, #tpu.memory_space<hbm>>
      %dma_start3A_872 = tpu.memref_squeeze %dma_start3A_871 : memref<1x32x1024xf32, #tpu.memory_space<hbm>> -> memref<32x1024xf32, #tpu.memory_space<hbm>>
      %dma_start3A_873 = arith.constant 0 : i32
      %dma_start3A_874 = arith.constant 0 : i32
      %dma_start3A_875 = tpu.memref_slice %arg9[%dma_start3A_873, %dma_start3A_874] : memref<32x1025xf32, #tpu.memory_space<vmem>> -> memref<32x1024xf32, #tpu.memory_space<vmem>>
      tpu.enqueue_dma source(%dma_start3A_875 : memref<32x1024xf32, #tpu.memory_space<vmem>>) target(%dma_start3A_872 : memref<32x1024xf32, #tpu.memory_space<hbm>>) target_semaphore(%run_scoped3A : memref<!tpu.dma_semaphore, #tpu.memory_space<semaphore_mem>>)
      %dma_wait3A_876 = arith.constant 0 : i32
      %dma_wait3A_877 = arith.constant 0 : i32
      %dma_wait3A_878 = tpu.memref_slice %arg9[%dma_wait3A_876, %dma_wait3A_877] : memref<32x1025xf32, #tpu.memory_space<vmem>> -> memref<32x1024xf32, #tpu.memory_space<vmem>>
      %dma_wait3A_879 = arith.constant 0 : i32
      %dma_wait3A_880 = arith.constant 0 : i32
      %dma_wait3A_881 = tpu.memref_slice %arg5[%add3A_2, %dma_wait3A_879, %dma_wait3A_880] : memref<200x32x1024xf32, #tpu.memory_space<hbm>> -> memref<1x32x1024xf32, #tpu.memory_space<hbm>>
      %dma_wait3A_882 = tpu.memref_squeeze %dma_wait3A_881 : memref<1x32x1024xf32, #tpu.memory_space<hbm>> -> memref<32x1024xf32, #tpu.memory_space<hbm>>
      %dma_wait3A_883 = arith.constant 0 : i32
      %dma_wait3A_884 = arith.constant 0 : i32
      %dma_wait3A_885 = tpu.memref_slice %arg5[%add3A_2, %dma_wait3A_883, %dma_wait3A_884] : memref<200x32x1024xf32, #tpu.memory_space<hbm>> -> memref<1x32x1024xf32, #tpu.memory_space<hbm>>
      %dma_wait3A_886 = tpu.memref_squeeze %dma_wait3A_885 : memref<1x32x1024xf32, #tpu.memory_space<hbm>> -> memref<32x1024xf32, #tpu.memory_space<hbm>>
      %dma_wait3A_887 = arith.constant 0 : i32
      %dma_wait3A_888 = arith.constant 0 : i32
      %dma_wait3A_889 = tpu.memref_slice %arg9[%dma_wait3A_887, %dma_wait3A_888] : memref<32x1025xf32, #tpu.memory_space<vmem>> -> memref<32x1024xf32, #tpu.memory_space<vmem>>
      tpu.wait_dma2 semaphore(%run_scoped3A : memref<!tpu.dma_semaphore, #tpu.memory_space<semaphore_mem>>) src(%dma_wait3A_889 : memref<32x1024xf32, #tpu.memory_space<vmem>>) dst(%dma_wait3A_886 : memref<32x1024xf32, #tpu.memory_space<hbm>>)
      tpu.yield
    }) : () -> ()
    %add3A_140 = arith.constant 32 : i32
    %add3A_141 = arith.addi %add3A, %add3A_140 : i32
    "tpu.region"() ({
      %run_scoped3A = tpu.sem_alloc : memref<!tpu.dma_semaphore, #tpu.memory_space<semaphore_mem>>
      %dma_start3A_862 = arith.constant 0 : i32
      %dma_start3A_863 = tpu.memref_slice %arg2[%add3A_141, %dma_start3A_862] : memref<200x1024xi32, #tpu.memory_space<hbm>> -> memref<1x1024xi32, #tpu.memory_space<hbm>>
      %dma_start3A_864 = tpu.memref_squeeze %dma_start3A_863 : memref<1x1024xi32, #tpu.memory_space<hbm>> -> memref<1024xi32, #tpu.memory_space<hbm>>
      %dma_start3A_865 = arith.constant 0 : i32
      %dma_start3A_866 = tpu.memref_slice %arg2[%add3A_141, %dma_start3A_865] : memref<200x1024xi32, #tpu.memory_space<hbm>> -> memref<1x1024xi32, #tpu.memory_space<hbm>>
      %dma_start3A_867 = tpu.memref_squeeze %dma_start3A_866 : memref<1x1024xi32, #tpu.memory_space<hbm>> -> memref<1024xi32, #tpu.memory_space<hbm>>
      tpu.enqueue_dma source(%dma_start3A_867 : memref<1024xi32, #tpu.memory_space<hbm>>) target(%arg6 : memref<1024xi32, #tpu.memory_space<vmem>>) target_semaphore(%run_scoped3A : memref<!tpu.dma_semaphore, #tpu.memory_space<semaphore_mem>>)
      %dma_wait3A_868 = arith.constant 0 : i32
      %dma_wait3A_869 = tpu.memref_slice %arg2[%add3A_141, %dma_wait3A_868] : memref<200x1024xi32, #tpu.memory_space<hbm>> -> memref<1x1024xi32, #tpu.memory_space<hbm>>
      %dma_wait3A_870 = tpu.memref_squeeze %dma_wait3A_869 : memref<1x1024xi32, #tpu.memory_space<hbm>> -> memref<1024xi32, #tpu.memory_space<hbm>>
      %dma_wait3A_871 = arith.constant 0 : i32
      %dma_wait3A_872 = tpu.memref_slice %arg2[%add3A_141, %dma_wait3A_871] : memref<200x1024xi32, #tpu.memory_space<hbm>> -> memref<1x1024xi32, #tpu.memory_space<hbm>>
      %dma_wait3A_873 = tpu.memref_squeeze %dma_wait3A_872 : memref<1x1024xi32, #tpu.memory_space<hbm>> -> memref<1024xi32, #tpu.memory_space<hbm>>
      tpu.wait_dma2 semaphore(%run_scoped3A : memref<!tpu.dma_semaphore, #tpu.memory_space<semaphore_mem>>) src(%dma_wait3A_873 : memref<1024xi32, #tpu.memory_space<hbm>>) dst(%arg6 : memref<1024xi32, #tpu.memory_space<vmem>>)
      tpu.yield
    }) : () -> ()
    %dma_start3A_142 = arith.constant 0 : i32
    %dma_start3A_143 = arith.constant 0 : i32
    %dma_start3A_144 = tpu.memref_slice %arg8[%dma_start3A_142, %dma_start3A_143] : memref<1024x32xf32, #tpu.memory_space<vmem>> -> memref<128x32xf32, #tpu.memory_space<vmem>>
    %dma_start3A_145 = arith.constant 0 : i32
    %dma_start3A_146 = tpu.memref_slice %arg6[%dma_start3A_145] : memref<1024xi32, #tpu.memory_space<vmem>> -> memref<128xi32, #tpu.memory_space<vmem>>
    %dma_start3A_147 = arith.constant 0 : i32
    %dma_start3A_148 = arith.constant 0 : i32
    %dma_start3A_149 = tpu.memref_slice %arg3[%dma_start3A_147, %dma_start3A_148] : memref<1000000x32xf32, #tpu.memory_space<hbm>> -> memref<1000000x32xf32, #tpu.memory_space<hbm>>
    tpu.enqueue_indirect_dma source(%dma_start3A_149 : memref<1000000x32xf32, #tpu.memory_space<hbm>>) target(%dma_start3A_144 : memref<128x32xf32, #tpu.memory_space<vmem>>) offsets(%dma_start3A_146 : memref<128xi32, #tpu.memory_space<vmem>>) semaphore(%arg10 : memref<!tpu.dma_semaphore, #tpu.memory_space<semaphore_mem>>)
    %dma_start3A_150 = arith.constant 128 : i32
    %dma_start3A_151 = arith.constant 0 : i32
    %dma_start3A_152 = tpu.memref_slice %arg8[%dma_start3A_150, %dma_start3A_151] : memref<1024x32xf32, #tpu.memory_space<vmem>> -> memref<128x32xf32, #tpu.memory_space<vmem>>
    %dma_start3A_153 = arith.constant 128 : i32
    %dma_start3A_154 = tpu.memref_slice %arg6[%dma_start3A_153] : memref<1024xi32, #tpu.memory_space<vmem>> -> memref<128xi32, #tpu.memory_space<vmem>>
    %dma_start3A_155 = arith.constant 0 : i32
    %dma_start3A_156 = arith.constant 0 : i32
    %dma_start3A_157 = tpu.memref_slice %arg3[%dma_start3A_155, %dma_start3A_156] : memref<1000000x32xf32, #tpu.memory_space<hbm>> -> memref<1000000x32xf32, #tpu.memory_space<hbm>>
    tpu.enqueue_indirect_dma source(%dma_start3A_157 : memref<1000000x32xf32, #tpu.memory_space<hbm>>) target(%dma_start3A_152 : memref<128x32xf32, #tpu.memory_space<vmem>>) offsets(%dma_start3A_154 : memref<128xi32, #tpu.memory_space<vmem>>) semaphore(%arg10 : memref<!tpu.dma_semaphore, #tpu.memory_space<semaphore_mem>>)
    %dma_start3A_158 = arith.constant 256 : i32
    %dma_start3A_159 = arith.constant 0 : i32
    %dma_start3A_160 = tpu.memref_slice %arg8[%dma_start3A_158, %dma_start3A_159] : memref<1024x32xf32, #tpu.memory_space<vmem>> -> memref<128x32xf32, #tpu.memory_space<vmem>>
    %dma_start3A_161 = arith.constant 256 : i32
    %dma_start3A_162 = tpu.memref_slice %arg6[%dma_start3A_161] : memref<1024xi32, #tpu.memory_space<vmem>> -> memref<128xi32, #tpu.memory_space<vmem>>
    %dma_start3A_163 = arith.constant 0 : i32
    %dma_start3A_164 = arith.constant 0 : i32
    %dma_start3A_165 = tpu.memref_slice %arg3[%dma_start3A_163, %dma_start3A_164] : memref<1000000x32xf32, #tpu.memory_space<hbm>> -> memref<1000000x32xf32, #tpu.memory_space<hbm>>
    tpu.enqueue_indirect_dma source(%dma_start3A_165 : memref<1000000x32xf32, #tpu.memory_space<hbm>>) target(%dma_start3A_160 : memref<128x32xf32, #tpu.memory_space<vmem>>) offsets(%dma_start3A_162 : memref<128xi32, #tpu.memory_space<vmem>>) semaphore(%arg10 : memref<!tpu.dma_semaphore, #tpu.memory_space<semaphore_mem>>)
    %dma_start3A_166 = arith.constant 384 : i32
    %dma_start3A_167 = arith.constant 0 : i32
    %dma_start3A_168 = tpu.memref_slice %arg8[%dma_start3A_166, %dma_start3A_167] : memref<1024x32xf32, #tpu.memory_space<vmem>> -> memref<128x32xf32, #tpu.memory_space<vmem>>
    %dma_start3A_169 = arith.constant 384 : i32
    %dma_start3A_170 = tpu.memref_slice %arg6[%dma_start3A_169] : memref<1024xi32, #tpu.memory_space<vmem>> -> memref<128xi32, #tpu.memory_space<vmem>>
    %dma_start3A_171 = arith.constant 0 : i32
    %dma_start3A_172 = arith.constant 0 : i32
    %dma_start3A_173 = tpu.memref_slice %arg3[%dma_start3A_171, %dma_start3A_172] : memref<1000000x32xf32, #tpu.memory_space<hbm>> -> memref<1000000x32xf32, #tpu.memory_space<hbm>>
    tpu.enqueue_indirect_dma source(%dma_start3A_173 : memref<1000000x32xf32, #tpu.memory_space<hbm>>) target(%dma_start3A_168 : memref<128x32xf32, #tpu.memory_space<vmem>>) offsets(%dma_start3A_170 : memref<128xi32, #tpu.memory_space<vmem>>) semaphore(%arg10 : memref<!tpu.dma_semaphore, #tpu.memory_space<semaphore_mem>>)
    %dma_start3A_174 = arith.constant 512 : i32
    %dma_start3A_175 = arith.constant 0 : i32
    %dma_start3A_176 = tpu.memref_slice %arg8[%dma_start3A_174, %dma_start3A_175] : memref<1024x32xf32, #tpu.memory_space<vmem>> -> memref<128x32xf32, #tpu.memory_space<vmem>>
    %dma_start3A_177 = arith.constant 512 : i32
    %dma_start3A_178 = tpu.memref_slice %arg6[%dma_start3A_177] : memref<1024xi32, #tpu.memory_space<vmem>> -> memref<128xi32, #tpu.memory_space<vmem>>
    %dma_start3A_179 = arith.constant 0 : i32
    %dma_start3A_180 = arith.constant 0 : i32
    %dma_start3A_181 = tpu.memref_slice %arg3[%dma_start3A_179, %dma_start3A_180] : memref<1000000x32xf32, #tpu.memory_space<hbm>> -> memref<1000000x32xf32, #tpu.memory_space<hbm>>
    tpu.enqueue_indirect_dma source(%dma_start3A_181 : memref<1000000x32xf32, #tpu.memory_space<hbm>>) target(%dma_start3A_176 : memref<128x32xf32, #tpu.memory_space<vmem>>) offsets(%dma_start3A_178 : memref<128xi32, #tpu.memory_space<vmem>>) semaphore(%arg10 : memref<!tpu.dma_semaphore, #tpu.memory_space<semaphore_mem>>)
    %dma_start3A_182 = arith.constant 640 : i32
    %dma_start3A_183 = arith.constant 0 : i32
    %dma_start3A_184 = tpu.memref_slice %arg8[%dma_start3A_182, %dma_start3A_183] : memref<1024x32xf32, #tpu.memory_space<vmem>> -> memref<128x32xf32, #tpu.memory_space<vmem>>
    %dma_start3A_185 = arith.constant 640 : i32
    %dma_start3A_186 = tpu.memref_slice %arg6[%dma_start3A_185] : memref<1024xi32, #tpu.memory_space<vmem>> -> memref<128xi32, #tpu.memory_space<vmem>>
    %dma_start3A_187 = arith.constant 0 : i32
    %dma_start3A_188 = arith.constant 0 : i32
    %dma_start3A_189 = tpu.memref_slice %arg3[%dma_start3A_187, %dma_start3A_188] : memref<1000000x32xf32, #tpu.memory_space<hbm>> -> memref<1000000x32xf32, #tpu.memory_space<hbm>>
    tpu.enqueue_indirect_dma source(%dma_start3A_189 : memref<1000000x32xf32, #tpu.memory_space<hbm>>) target(%dma_start3A_184 : memref<128x32xf32, #tpu.memory_space<vmem>>) offsets(%dma_start3A_186 : memref<128xi32, #tpu.memory_space<vmem>>) semaphore(%arg10 : memref<!tpu.dma_semaphore, #tpu.memory_space<semaphore_mem>>)
    %dma_start3A_190 = arith.constant 768 : i32
    %dma_start3A_191 = arith.constant 0 : i32
    %dma_start3A_192 = tpu.memref_slice %arg8[%dma_start3A_190, %dma_start3A_191] : memref<1024x32xf32, #tpu.memory_space<vmem>> -> memref<128x32xf32, #tpu.memory_space<vmem>>
    %dma_start3A_193 = arith.constant 768 : i32
    %dma_start3A_194 = tpu.memref_slice %arg6[%dma_start3A_193] : memref<1024xi32, #tpu.memory_space<vmem>> -> memref<128xi32, #tpu.memory_space<vmem>>
    %dma_start3A_195 = arith.constant 0 : i32
    %dma_start3A_196 = arith.constant 0 : i32
    %dma_start3A_197 = tpu.memref_slice %arg3[%dma_start3A_195, %dma_start3A_196] : memref<1000000x32xf32, #tpu.memory_space<hbm>> -> memref<1000000x32xf32, #tpu.memory_space<hbm>>
    tpu.enqueue_indirect_dma source(%dma_start3A_197 : memref<1000000x32xf32, #tpu.memory_space<hbm>>) target(%dma_start3A_192 : memref<128x32xf32, #tpu.memory_space<vmem>>) offsets(%dma_start3A_194 : memref<128xi32, #tpu.memory_space<vmem>>) semaphore(%arg10 : memref<!tpu.dma_semaphore, #tpu.memory_space<semaphore_mem>>)
    %dma_start3A_198 = arith.constant 896 : i32
    %dma_start3A_199 = arith.constant 0 : i32
    %dma_start3A_200 = tpu.memref_slice %arg8[%dma_start3A_198, %dma_start3A_199] : memref<1024x32xf32, #tpu.memory_space<vmem>> -> memref<128x32xf32, #tpu.memory_space<vmem>>
    %dma_start3A_201 = arith.constant 896 : i32
    %dma_start3A_202 = tpu.memref_slice %arg6[%dma_start3A_201] : memref<1024xi32, #tpu.memory_space<vmem>> -> memref<128xi32, #tpu.memory_space<vmem>>
    %dma_start3A_203 = arith.constant 0 : i32
    %dma_start3A_204 = arith.constant 0 : i32
    %dma_start3A_205 = tpu.memref_slice %arg3[%dma_start3A_203, %dma_start3A_204] : memref<1000000x32xf32, #tpu.memory_space<hbm>> -> memref<1000000x32xf32, #tpu.memory_space<hbm>>
    tpu.enqueue_indirect_dma source(%dma_start3A_205 : memref<1000000x32xf32, #tpu.memory_space<hbm>>) target(%dma_start3A_200 : memref<128x32xf32, #tpu.memory_space<vmem>>) offsets(%dma_start3A_202 : memref<128xi32, #tpu.memory_space<vmem>>) semaphore(%arg10 : memref<!tpu.dma_semaphore, #tpu.memory_space<semaphore_mem>>)
    %dma_wait3A_206 = arith.constant 0 : i32
    %dma_wait3A_207 = arith.constant 0 : i32
    %dma_wait3A_208 = tpu.memref_slice %arg8[%dma_wait3A_206, %dma_wait3A_207] : memref<1024x32xf32, #tpu.memory_space<vmem>> -> memref<128x32xf32, #tpu.memory_space<vmem>>
    %dma_wait3A_209 = arith.constant 0 : i32
    %dma_wait3A_210 = tpu.memref_slice %arg6[%dma_wait3A_209] : memref<1024xi32, #tpu.memory_space<vmem>> -> memref<128xi32, #tpu.memory_space<vmem>>
    %dma_wait3A_211 = arith.constant 0 : i32
    %dma_wait3A_212 = arith.constant 0 : i32
    %dma_wait3A_213 = tpu.memref_slice %arg3[%dma_wait3A_211, %dma_wait3A_212] : memref<1000000x32xf32, #tpu.memory_space<hbm>> -> memref<1000000x32xf32, #tpu.memory_space<hbm>>
    tpu.wait_indirect_dma semaphore(%arg10 : memref<!tpu.dma_semaphore, #tpu.memory_space<semaphore_mem>>) src(%dma_wait3A_213 : memref<1000000x32xf32, #tpu.memory_space<hbm>>) dst(%dma_wait3A_208 : memref<128x32xf32, #tpu.memory_space<vmem>>)
    %dma_wait3A_214 = arith.constant 128 : i32
    %dma_wait3A_215 = arith.constant 0 : i32
    %dma_wait3A_216 = tpu.memref_slice %arg8[%dma_wait3A_214, %dma_wait3A_215] : memref<1024x32xf32, #tpu.memory_space<vmem>> -> memref<128x32xf32, #tpu.memory_space<vmem>>
    %dma_wait3A_217 = arith.constant 128 : i32
    %dma_wait3A_218 = tpu.memref_slice %arg6[%dma_wait3A_217] : memref<1024xi32, #tpu.memory_space<vmem>> -> memref<128xi32, #tpu.memory_space<vmem>>
    %dma_wait3A_219 = arith.constant 0 : i32
    %dma_wait3A_220 = arith.constant 0 : i32
    %dma_wait3A_221 = tpu.memref_slice %arg3[%dma_wait3A_219, %dma_wait3A_220] : memref<1000000x32xf32, #tpu.memory_space<hbm>> -> memref<1000000x32xf32, #tpu.memory_space<hbm>>
    tpu.wait_indirect_dma semaphore(%arg10 : memref<!tpu.dma_semaphore, #tpu.memory_space<semaphore_mem>>) src(%dma_wait3A_221 : memref<1000000x32xf32, #tpu.memory_space<hbm>>) dst(%dma_wait3A_216 : memref<128x32xf32, #tpu.memory_space<vmem>>)
    %dma_wait3A_222 = arith.constant 256 : i32
    %dma_wait3A_223 = arith.constant 0 : i32
    %dma_wait3A_224 = tpu.memref_slice %arg8[%dma_wait3A_222, %dma_wait3A_223] : memref<1024x32xf32, #tpu.memory_space<vmem>> -> memref<128x32xf32, #tpu.memory_space<vmem>>
    %dma_wait3A_225 = arith.constant 256 : i32
    %dma_wait3A_226 = tpu.memref_slice %arg6[%dma_wait3A_225] : memref<1024xi32, #tpu.memory_space<vmem>> -> memref<128xi32, #tpu.memory_space<vmem>>
    %dma_wait3A_227 = arith.constant 0 : i32
    %dma_wait3A_228 = arith.constant 0 : i32
    %dma_wait3A_229 = tpu.memref_slice %arg3[%dma_wait3A_227, %dma_wait3A_228] : memref<1000000x32xf32, #tpu.memory_space<hbm>> -> memref<1000000x32xf32, #tpu.memory_space<hbm>>
    tpu.wait_indirect_dma semaphore(%arg10 : memref<!tpu.dma_semaphore, #tpu.memory_space<semaphore_mem>>) src(%dma_wait3A_229 : memref<1000000x32xf32, #tpu.memory_space<hbm>>) dst(%dma_wait3A_224 : memref<128x32xf32, #tpu.memory_space<vmem>>)
    %dma_wait3A_230 = arith.constant 384 : i32
    %dma_wait3A_231 = arith.constant 0 : i32
    %dma_wait3A_232 = tpu.memref_slice %arg8[%dma_wait3A_230, %dma_wait3A_231] : memref<1024x32xf32, #tpu.memory_space<vmem>> -> memref<128x32xf32, #tpu.memory_space<vmem>>
    %dma_wait3A_233 = arith.constant 384 : i32
    %dma_wait3A_234 = tpu.memref_slice %arg6[%dma_wait3A_233] : memref<1024xi32, #tpu.memory_space<vmem>> -> memref<128xi32, #tpu.memory_space<vmem>>
    %dma_wait3A_235 = arith.constant 0 : i32
    %dma_wait3A_236 = arith.constant 0 : i32
    %dma_wait3A_237 = tpu.memref_slice %arg3[%dma_wait3A_235, %dma_wait3A_236] : memref<1000000x32xf32, #tpu.memory_space<hbm>> -> memref<1000000x32xf32, #tpu.memory_space<hbm>>
    tpu.wait_indirect_dma semaphore(%arg10 : memref<!tpu.dma_semaphore, #tpu.memory_space<semaphore_mem>>) src(%dma_wait3A_237 : memref<1000000x32xf32, #tpu.memory_space<hbm>>) dst(%dma_wait3A_232 : memref<128x32xf32, #tpu.memory_space<vmem>>)
    %dma_wait3A_238 = arith.constant 512 : i32
    %dma_wait3A_239 = arith.constant 0 : i32
    %dma_wait3A_240 = tpu.memref_slice %arg8[%dma_wait3A_238, %dma_wait3A_239] : memref<1024x32xf32, #tpu.memory_space<vmem>> -> memref<128x32xf32, #tpu.memory_space<vmem>>
    %dma_wait3A_241 = arith.constant 512 : i32
    %dma_wait3A_242 = tpu.memref_slice %arg6[%dma_wait3A_241] : memref<1024xi32, #tpu.memory_space<vmem>> -> memref<128xi32, #tpu.memory_space<vmem>>
    %dma_wait3A_243 = arith.constant 0 : i32
    %dma_wait3A_244 = arith.constant 0 : i32
    %dma_wait3A_245 = tpu.memref_slice %arg3[%dma_wait3A_243, %dma_wait3A_244] : memref<1000000x32xf32, #tpu.memory_space<hbm>> -> memref<1000000x32xf32, #tpu.memory_space<hbm>>
    tpu.wait_indirect_dma semaphore(%arg10 : memref<!tpu.dma_semaphore, #tpu.memory_space<semaphore_mem>>) src(%dma_wait3A_245 : memref<1000000x32xf32, #tpu.memory_space<hbm>>) dst(%dma_wait3A_240 : memref<128x32xf32, #tpu.memory_space<vmem>>)
    %dma_wait3A_246 = arith.constant 640 : i32
    %dma_wait3A_247 = arith.constant 0 : i32
    %dma_wait3A_248 = tpu.memref_slice %arg8[%dma_wait3A_246, %dma_wait3A_247] : memref<1024x32xf32, #tpu.memory_space<vmem>> -> memref<128x32xf32, #tpu.memory_space<vmem>>
    %dma_wait3A_249 = arith.constant 640 : i32
    %dma_wait3A_250 = tpu.memref_slice %arg6[%dma_wait3A_249] : memref<1024xi32, #tpu.memory_space<vmem>> -> memref<128xi32, #tpu.memory_space<vmem>>
    %dma_wait3A_251 = arith.constant 0 : i32
    %dma_wait3A_252 = arith.constant 0 : i32
    %dma_wait3A_253 = tpu.memref_slice %arg3[%dma_wait3A_251, %dma_wait3A_252] : memref<1000000x32xf32, #tpu.memory_space<hbm>> -> memref<1000000x32xf32, #tpu.memory_space<hbm>>
    tpu.wait_indirect_dma semaphore(%arg10 : memref<!tpu.dma_semaphore, #tpu.memory_space<semaphore_mem>>) src(%dma_wait3A_253 : memref<1000000x32xf32, #tpu.memory_space<hbm>>) dst(%dma_wait3A_248 : memref<128x32xf32, #tpu.memory_space<vmem>>)
    %dma_wait3A_254 = arith.constant 768 : i32
    %dma_wait3A_255 = arith.constant 0 : i32
    %dma_wait3A_256 = tpu.memref_slice %arg8[%dma_wait3A_254, %dma_wait3A_255] : memref<1024x32xf32, #tpu.memory_space<vmem>> -> memref<128x32xf32, #tpu.memory_space<vmem>>
    %dma_wait3A_257 = arith.constant 768 : i32
    %dma_wait3A_258 = tpu.memref_slice %arg6[%dma_wait3A_257] : memref<1024xi32, #tpu.memory_space<vmem>> -> memref<128xi32, #tpu.memory_space<vmem>>
    %dma_wait3A_259 = arith.constant 0 : i32
    %dma_wait3A_260 = arith.constant 0 : i32
    %dma_wait3A_261 = tpu.memref_slice %arg3[%dma_wait3A_259, %dma_wait3A_260] : memref<1000000x32xf32, #tpu.memory_space<hbm>> -> memref<1000000x32xf32, #tpu.memory_space<hbm>>
    tpu.wait_indirect_dma semaphore(%arg10 : memref<!tpu.dma_semaphore, #tpu.memory_space<semaphore_mem>>) src(%dma_wait3A_261 : memref<1000000x32xf32, #tpu.memory_space<hbm>>) dst(%dma_wait3A_256 : memref<128x32xf32, #tpu.memory_space<vmem>>)
    %dma_wait3A_262 = arith.constant 896 : i32
    %dma_wait3A_263 = arith.constant 0 : i32
    %dma_wait3A_264 = tpu.memref_slice %arg8[%dma_wait3A_262, %dma_wait3A_263] : memref<1024x32xf32, #tpu.memory_space<vmem>> -> memref<128x32xf32, #tpu.memory_space<vmem>>
    %dma_wait3A_265 = arith.constant 896 : i32
    %dma_wait3A_266 = tpu.memref_slice %arg6[%dma_wait3A_265] : memref<1024xi32, #tpu.memory_space<vmem>> -> memref<128xi32, #tpu.memory_space<vmem>>
    %dma_wait3A_267 = arith.constant 0 : i32
    %dma_wait3A_268 = arith.constant 0 : i32
    %dma_wait3A_269 = tpu.memref_slice %arg3[%dma_wait3A_267, %dma_wait3A_268] : memref<1000000x32xf32, #tpu.memory_space<hbm>> -> memref<1000000x32xf32, #tpu.memory_space<hbm>>
    tpu.wait_indirect_dma semaphore(%arg10 : memref<!tpu.dma_semaphore, #tpu.memory_space<semaphore_mem>>) src(%dma_wait3A_269 : memref<1000000x32xf32, #tpu.memory_space<hbm>>) dst(%dma_wait3A_264 : memref<128x32xf32, #tpu.memory_space<vmem>>)
    %broadcast_in_dim3A_270 = vector.broadcast %add3A_141 : i32 to vector<16xi32>
    %gather3A_271 = tpu.vector_load_idx %arg7[%iota3A, %broadcast_in_dim3A_270] : memref<32x200xf32, #tpu.memory_space<vmem>>[vector<16xi32>, vector<16xi32>], vector<16xf32>,
    %add3A_272 = arith.constant 16 : i32
    %add3A_273 = vector.broadcast %add3A_272 : i32 to vector<16xi32>
    %add3A_274 = arith.addi %iota3A, %add3A_273 : vector<16xi32>
    %broadcast_in_dim3A_275 = vector.broadcast %add3A_141 : i32 to vector<16xi32>
    %gather3A_276 = tpu.vector_load_idx %arg7[%add3A_274, %broadcast_in_dim3A_275] : memref<32x200xf32, #tpu.memory_space<vmem>>[vector<16xi32>, vector<16xi32>], vector<16xf32>,
    %scan3A_277 = arith.constant 0 : i32
    %scan3A_278 = arith.constant 0 : i32
    %scan3A_279 = arith.constant 1024 : i32
    %scan3A_280 = arith.addi %scan3A_278, %scan3A_279 : i32
    %scan3A_281 = arith.constant 1 : i32
    %scan3A_282 = scf.for %scan3A_862 = %scan3A_278 to %scan3A_280 step %scan3A_281 iter_args(%scan3A_863 = %scan3A_277) -> (i32)  : i32 {
      %get3A = arith.index_cast %scan3A_862 : i32 to index
      %get3A_864 = arith.constant 0 : index
      %get3A_865 = tpu.vector_load %arg8[%get3A, %get3A_864] {strides = array<i32>} : memref<1024x32xf32, #tpu.memory_space<vmem>>, vector<16xf32>,
      %add3A_866 = arith.addf %get3A_865, %gather3A_271 : vector<16xf32>
      %get3A_867 = arith.index_cast %scan3A_862 : i32 to index
      %get3A_868 = arith.constant 16 : index
      %get3A_869 = tpu.vector_load %arg8[%get3A_867, %get3A_868] {strides = array<i32>} : memref<1024x32xf32, #tpu.memory_space<vmem>>, vector<16xf32>,
      %add3A_870 = arith.addf %get3A_869, %gather3A_276 : vector<16xf32>
      %broadcast_in_dim3A_871 = vector.broadcast %scan3A_862 : i32 to vector<16xi32>
      tpu.vector_store_idx %arg9[%iota3A, %broadcast_in_dim3A_871], %add3A_866 : memref<32x1025xf32, #tpu.memory_space<vmem>>[vector<16xi32>, vector<16xi32>], vector<16xf32>,
      %add3A_872 = arith.constant 16 : i32
      %add3A_873 = vector.broadcast %add3A_872 : i32 to vector<16xi32>
      %add3A_874 = arith.addi %iota3A, %add3A_873 : vector<16xi32>
      tpu.vector_store_idx %arg9[%add3A_874, %broadcast_in_dim3A_871], %add3A_870 : memref<32x1025xf32, #tpu.memory_space<vmem>>[vector<16xi32>, vector<16xi32>], vector<16xf32>,
      %scan3A_875 = arith.constant 0 : i32
      scf.yield %scan3A_875 : i32
    }
    %scan3A_283 = arith.constant 1024 : i32
    "tpu.region"() ({
      %run_scoped3A = tpu.sem_alloc : memref<!tpu.dma_semaphore, #tpu.memory_space<semaphore_mem>>
      %dma_start3A_862 = arith.constant 0 : i32
      %dma_start3A_863 = arith.constant 0 : i32
      %dma_start3A_864 = tpu.memref_slice %arg9[%dma_start3A_862, %dma_start3A_863] : memref<32x1025xf32, #tpu.memory_space<vmem>> -> memref<32x1024xf32, #tpu.memory_space<vmem>>
      %dma_start3A_865 = arith.constant 0 : i32
      %dma_start3A_866 = arith.constant 0 : i32
      %dma_start3A_867 = tpu.memref_slice %arg5[%add3A_141, %dma_start3A_865, %dma_start3A_866] : memref<200x32x1024xf32, #tpu.memory_space<hbm>> -> memref<1x32x1024xf32, #tpu.memory_space<hbm>>
      %dma_start3A_868 = tpu.memref_squeeze %dma_start3A_867 : memref<1x32x1024xf32, #tpu.memory_space<hbm>> -> memref<32x1024xf32, #tpu.memory_space<hbm>>
      %dma_start3A_869 = arith.constant 0 : i32
      %dma_start3A_870 = arith.constant 0 : i32
      %dma_start3A_871 = tpu.memref_slice %arg5[%add3A_141, %dma_start3A_869, %dma_start3A_870] : memref<200x32x1024xf32, #tpu.memory_space<hbm>> -> memref<1x32x1024xf32, #tpu.memory_space<hbm>>
      %dma_start3A_872 = tpu.memref_squeeze %dma_start3A_871 : memref<1x32x1024xf32, #tpu.memory_space<hbm>> -> memref<32x1024xf32, #tpu.memory_space<hbm>>
      %dma_start3A_873 = arith.constant 0 : i32
      %dma_start3A_874 = arith.constant 0 : i32
      %dma_start3A_875 = tpu.memref_slice %arg9[%dma_start3A_873, %dma_start3A_874] : memref<32x1025xf32, #tpu.memory_space<vmem>> -> memref<32x1024xf32, #tpu.memory_space<vmem>>
      tpu.enqueue_dma source(%dma_start3A_875 : memref<32x1024xf32, #tpu.memory_space<vmem>>) target(%dma_start3A_872 : memref<32x1024xf32, #tpu.memory_space<hbm>>) target_semaphore(%run_scoped3A : memref<!tpu.dma_semaphore, #tpu.memory_space<semaphore_mem>>)
      %dma_wait3A_876 = arith.constant 0 : i32
      %dma_wait3A_877 = arith.constant 0 : i32
      %dma_wait3A_878 = tpu.memref_slice %arg9[%dma_wait3A_876, %dma_wait3A_877] : memref<32x1025xf32, #tpu.memory_space<vmem>> -> memref<32x1024xf32, #tpu.memory_space<vmem>>
      %dma_wait3A_879 = arith.constant 0 : i32
      %dma_wait3A_880 = arith.constant 0 : i32
      %dma_wait3A_881 = tpu.memref_slice %arg5[%add3A_141, %dma_wait3A_879, %dma_wait3A_880] : memref<200x32x1024xf32, #tpu.memory_space<hbm>> -> memref<1x32x1024xf32, #tpu.memory_space<hbm>>
      %dma_wait3A_882 = tpu.memref_squeeze %dma_wait3A_881 : memref<1x32x1024xf32, #tpu.memory_space<hbm>> -> memref<32x1024xf32, #tpu.memory_space<hbm>>
      %dma_wait3A_883 = arith.constant 0 : i32
      %dma_wait3A_884 = arith.constant 0 : i32
      %dma_wait3A_885 = tpu.memref_slice %arg5[%add3A_141, %dma_wait3A_883, %dma_wait3A_884] : memref<200x32x1024xf32, #tpu.memory_space<hbm>> -> memref<1x32x1024xf32, #tpu.memory_space<hbm>>
      %dma_wait3A_886 = tpu.memref_squeeze %dma_wait3A_885 : memref<1x32x1024xf32, #tpu.memory_space<hbm>> -> memref<32x1024xf32, #tpu.memory_space<hbm>>
      %dma_wait3A_887 = arith.constant 0 : i32
      %dma_wait3A_888 = arith.constant 0 : i32
      %dma_wait3A_889 = tpu.memref_slice %arg9[%dma_wait3A_887, %dma_wait3A_888] : memref<32x1025xf32, #tpu.memory_space<vmem>> -> memref<32x1024xf32, #tpu.memory_space<vmem>>
      tpu.wait_dma2 semaphore(%run_scoped3A : memref<!tpu.dma_semaphore, #tpu.memory_space<semaphore_mem>>) src(%dma_wait3A_889 : memref<32x1024xf32, #tpu.memory_space<vmem>>) dst(%dma_wait3A_886 : memref<32x1024xf32, #tpu.memory_space<hbm>>)
      tpu.yield
    }) : () -> ()
    %add3A_284 = arith.constant 64 : i32
    %add3A_285 = arith.addi %add3A, %add3A_284 : i32
    "tpu.region"() ({
      %run_scoped3A = tpu.sem_alloc : memref<!tpu.dma_semaphore, #tpu.memory_space<semaphore_mem>>
      %dma_start3A_862 = arith.constant 0 : i32
      %dma_start3A_863 = tpu.memref_slice %arg2[%add3A_285, %dma_start3A_862] : memref<200x1024xi32, #tpu.memory_space<hbm>> -> memref<1x1024xi32, #tpu.memory_space<hbm>>
      %dma_start3A_864 = tpu.memref_squeeze %dma_start3A_863 : memref<1x1024xi32, #tpu.memory_space<hbm>> -> memref<1024xi32, #tpu.memory_space<hbm>>
      %dma_start3A_865 = arith.constant 0 : i32
      %dma_start3A_866 = tpu.memref_slice %arg2[%add3A_285, %dma_start3A_865] : memref<200x1024xi32, #tpu.memory_space<hbm>> -> memref<1x1024xi32, #tpu.memory_space<hbm>>
      %dma_start3A_867 = tpu.memref_squeeze %dma_start3A_866 : memref<1x1024xi32, #tpu.memory_space<hbm>> -> memref<1024xi32, #tpu.memory_space<hbm>>
      tpu.enqueue_dma source(%dma_start3A_867 : memref<1024xi32, #tpu.memory_space<hbm>>) target(%arg6 : memref<1024xi32, #tpu.memory_space<vmem>>) target_semaphore(%run_scoped3A : memref<!tpu.dma_semaphore, #tpu.memory_space<semaphore_mem>>)
      %dma_wait3A_868 = arith.constant 0 : i32
      %dma_wait3A_869 = tpu.memref_slice %arg2[%add3A_285, %dma_wait3A_868] : memref<200x1024xi32, #tpu.memory_space<hbm>> -> memref<1x1024xi32, #tpu.memory_space<hbm>>
      %dma_wait3A_870 = tpu.memref_squeeze %dma_wait3A_869 : memref<1x1024xi32, #tpu.memory_space<hbm>> -> memref<1024xi32, #tpu.memory_space<hbm>>
      %dma_wait3A_871 = arith.constant 0 : i32
      %dma_wait3A_872 = tpu.memref_slice %arg2[%add3A_285, %dma_wait3A_871] : memref<200x1024xi32, #tpu.memory_space<hbm>> -> memref<1x1024xi32, #tpu.memory_space<hbm>>
      %dma_wait3A_873 = tpu.memref_squeeze %dma_wait3A_872 : memref<1x1024xi32, #tpu.memory_space<hbm>> -> memref<1024xi32, #tpu.memory_space<hbm>>
      tpu.wait_dma2 semaphore(%run_scoped3A : memref<!tpu.dma_semaphore, #tpu.memory_space<semaphore_mem>>) src(%dma_wait3A_873 : memref<1024xi32, #tpu.memory_space<hbm>>) dst(%arg6 : memref<1024xi32, #tpu.memory_space<vmem>>)
      tpu.yield
    }) : () -> ()
    %dma_start3A_286 = arith.constant 0 : i32
    %dma_start3A_287 = arith.constant 0 : i32
    %dma_start3A_288 = tpu.memref_slice %arg8[%dma_start3A_286, %dma_start3A_287] : memref<1024x32xf32, #tpu.memory_space<vmem>> -> memref<128x32xf32, #tpu.memory_space<vmem>>
    %dma_start3A_289 = arith.constant 0 : i32
    %dma_start3A_290 = tpu.memref_slice %arg6[%dma_start3A_289] : memref<1024xi32, #tpu.memory_space<vmem>> -> memref<128xi32, #tpu.memory_space<vmem>>
    %dma_start3A_291 = arith.constant 0 : i32
    %dma_start3A_292 = arith.constant 0 : i32
    %dma_start3A_293 = tpu.memref_slice %arg3[%dma_start3A_291, %dma_start3A_292] : memref<1000000x32xf32, #tpu.memory_space<hbm>> -> memref<1000000x32xf32, #tpu.memory_space<hbm>>
    tpu.enqueue_indirect_dma source(%dma_start3A_293 : memref<1000000x32xf32, #tpu.memory_space<hbm>>) target(%dma_start3A_288 : memref<128x32xf32, #tpu.memory_space<vmem>>) offsets(%dma_start3A_290 : memref<128xi32, #tpu.memory_space<vmem>>) semaphore(%arg10 : memref<!tpu.dma_semaphore, #tpu.memory_space<semaphore_mem>>)
    %dma_start3A_294 = arith.constant 128 : i32
    %dma_start3A_295 = arith.constant 0 : i32
    %dma_start3A_296 = tpu.memref_slice %arg8[%dma_start3A_294, %dma_start3A_295] : memref<1024x32xf32, #tpu.memory_space<vmem>> -> memref<128x32xf32, #tpu.memory_space<vmem>>
    %dma_start3A_297 = arith.constant 128 : i32
    %dma_start3A_298 = tpu.memref_slice %arg6[%dma_start3A_297] : memref<1024xi32, #tpu.memory_space<vmem>> -> memref<128xi32, #tpu.memory_space<vmem>>
    %dma_start3A_299 = arith.constant 0 : i32
    %dma_start3A_300 = arith.constant 0 : i32
    %dma_start3A_301 = tpu.memref_slice %arg3[%dma_start3A_299, %dma_start3A_300] : memref<1000000x32xf32, #tpu.memory_space<hbm>> -> memref<1000000x32xf32, #tpu.memory_space<hbm>>
    tpu.enqueue_indirect_dma source(%dma_start3A_301 : memref<1000000x32xf32, #tpu.memory_space<hbm>>) target(%dma_start3A_296 : memref<128x32xf32, #tpu.memory_space<vmem>>) offsets(%dma_start3A_298 : memref<128xi32, #tpu.memory_space<vmem>>) semaphore(%arg10 : memref<!tpu.dma_semaphore, #tpu.memory_space<semaphore_mem>>)
    %dma_start3A_302 = arith.constant 256 : i32
    %dma_start3A_303 = arith.constant 0 : i32
    %dma_start3A_304 = tpu.memref_slice %arg8[%dma_start3A_302, %dma_start3A_303] : memref<1024x32xf32, #tpu.memory_space<vmem>> -> memref<128x32xf32, #tpu.memory_space<vmem>>
    %dma_start3A_305 = arith.constant 256 : i32
    %dma_start3A_306 = tpu.memref_slice %arg6[%dma_start3A_305] : memref<1024xi32, #tpu.memory_space<vmem>> -> memref<128xi32, #tpu.memory_space<vmem>>
    %dma_start3A_307 = arith.constant 0 : i32
    %dma_start3A_308 = arith.constant 0 : i32
    %dma_start3A_309 = tpu.memref_slice %arg3[%dma_start3A_307, %dma_start3A_308] : memref<1000000x32xf32, #tpu.memory_space<hbm>> -> memref<1000000x32xf32, #tpu.memory_space<hbm>>
    tpu.enqueue_indirect_dma source(%dma_start3A_309 : memref<1000000x32xf32, #tpu.memory_space<hbm>>) target(%dma_start3A_304 : memref<128x32xf32, #tpu.memory_space<vmem>>) offsets(%dma_start3A_306 : memref<128xi32, #tpu.memory_space<vmem>>) semaphore(%arg10 : memref<!tpu.dma_semaphore, #tpu.memory_space<semaphore_mem>>)
    %dma_start3A_310 = arith.constant 384 : i32
    %dma_start3A_311 = arith.constant 0 : i32
    %dma_start3A_312 = tpu.memref_slice %arg8[%dma_start3A_310, %dma_start3A_311] : memref<1024x32xf32, #tpu.memory_space<vmem>> -> memref<128x32xf32, #tpu.memory_space<vmem>>
    %dma_start3A_313 = arith.constant 384 : i32
    %dma_start3A_314 = tpu.memref_slice %arg6[%dma_start3A_313] : memref<1024xi32, #tpu.memory_space<vmem>> -> memref<128xi32, #tpu.memory_space<vmem>>
    %dma_start3A_315 = arith.constant 0 : i32
    %dma_start3A_316 = arith.constant 0 : i32
    %dma_start3A_317 = tpu.memref_slice %arg3[%dma_start3A_315, %dma_start3A_316] : memref<1000000x32xf32, #tpu.memory_space<hbm>> -> memref<1000000x32xf32, #tpu.memory_space<hbm>>
    tpu.enqueue_indirect_dma source(%dma_start3A_317 : memref<1000000x32xf32, #tpu.memory_space<hbm>>) target(%dma_start3A_312 : memref<128x32xf32, #tpu.memory_space<vmem>>) offsets(%dma_start3A_314 : memref<128xi32, #tpu.memory_space<vmem>>) semaphore(%arg10 : memref<!tpu.dma_semaphore, #tpu.memory_space<semaphore_mem>>)
    %dma_start3A_318 = arith.constant 512 : i32
    %dma_start3A_319 = arith.constant 0 : i32
    %dma_start3A_320 = tpu.memref_slice %arg8[%dma_start3A_318, %dma_start3A_319] : memref<1024x32xf32, #tpu.memory_space<vmem>> -> memref<128x32xf32, #tpu.memory_space<vmem>>
    %dma_start3A_321 = arith.constant 512 : i32
    %dma_start3A_322 = tpu.memref_slice %arg6[%dma_start3A_321] : memref<1024xi32, #tpu.memory_space<vmem>> -> memref<128xi32, #tpu.memory_space<vmem>>
    %dma_start3A_323 = arith.constant 0 : i32
    %dma_start3A_324 = arith.constant 0 : i32
    %dma_start3A_325 = tpu.memref_slice %arg3[%dma_start3A_323, %dma_start3A_324] : memref<1000000x32xf32, #tpu.memory_space<hbm>> -> memref<1000000x32xf32, #tpu.memory_space<hbm>>
    tpu.enqueue_indirect_dma source(%dma_start3A_325 : memref<1000000x32xf32, #tpu.memory_space<hbm>>) target(%dma_start3A_320 : memref<128x32xf32, #tpu.memory_space<vmem>>) offsets(%dma_start3A_322 : memref<128xi32, #tpu.memory_space<vmem>>) semaphore(%arg10 : memref<!tpu.dma_semaphore, #tpu.memory_space<semaphore_mem>>)
    %dma_start3A_326 = arith.constant 640 : i32
    %dma_start3A_327 = arith.constant 0 : i32
    %dma_start3A_328 = tpu.memref_slice %arg8[%dma_start3A_326, %dma_start3A_327] : memref<1024x32xf32, #tpu.memory_space<vmem>> -> memref<128x32xf32, #tpu.memory_space<vmem>>
    %dma_start3A_329 = arith.constant 640 : i32
    %dma_start3A_330 = tpu.memref_slice %arg6[%dma_start3A_329] : memref<1024xi32, #tpu.memory_space<vmem>> -> memref<128xi32, #tpu.memory_space<vmem>>
    %dma_start3A_331 = arith.constant 0 : i32
    %dma_start3A_332 = arith.constant 0 : i32
    %dma_start3A_333 = tpu.memref_slice %arg3[%dma_start3A_331, %dma_start3A_332] : memref<1000000x32xf32, #tpu.memory_space<hbm>> -> memref<1000000x32xf32, #tpu.memory_space<hbm>>
    tpu.enqueue_indirect_dma source(%dma_start3A_333 : memref<1000000x32xf32, #tpu.memory_space<hbm>>) target(%dma_start3A_328 : memref<128x32xf32, #tpu.memory_space<vmem>>) offsets(%dma_start3A_330 : memref<128xi32, #tpu.memory_space<vmem>>) semaphore(%arg10 : memref<!tpu.dma_semaphore, #tpu.memory_space<semaphore_mem>>)
    %dma_start3A_334 = arith.constant 768 : i32
    %dma_start3A_335 = arith.constant 0 : i32
    %dma_start3A_336 = tpu.memref_slice %arg8[%dma_start3A_334, %dma_start3A_335] : memref<1024x32xf32, #tpu.memory_space<vmem>> -> memref<128x32xf32, #tpu.memory_space<vmem>>
    %dma_start3A_337 = arith.constant 768 : i32
    %dma_start3A_338 = tpu.memref_slice %arg6[%dma_start3A_337] : memref<1024xi32, #tpu.memory_space<vmem>> -> memref<128xi32, #tpu.memory_space<vmem>>
    %dma_start3A_339 = arith.constant 0 : i32
    %dma_start3A_340 = arith.constant 0 : i32
    %dma_start3A_341 = tpu.memref_slice %arg3[%dma_start3A_339, %dma_start3A_340] : memref<1000000x32xf32, #tpu.memory_space<hbm>> -> memref<1000000x32xf32, #tpu.memory_space<hbm>>
    tpu.enqueue_indirect_dma source(%dma_start3A_341 : memref<1000000x32xf32, #tpu.memory_space<hbm>>) target(%dma_start3A_336 : memref<128x32xf32, #tpu.memory_space<vmem>>) offsets(%dma_start3A_338 : memref<128xi32, #tpu.memory_space<vmem>>) semaphore(%arg10 : memref<!tpu.dma_semaphore, #tpu.memory_space<semaphore_mem>>)
    %dma_start3A_342 = arith.constant 896 : i32
    %dma_start3A_343 = arith.constant 0 : i32
    %dma_start3A_344 = tpu.memref_slice %arg8[%dma_start3A_342, %dma_start3A_343] : memref<1024x32xf32, #tpu.memory_space<vmem>> -> memref<128x32xf32, #tpu.memory_space<vmem>>
    %dma_start3A_345 = arith.constant 896 : i32
    %dma_start3A_346 = tpu.memref_slice %arg6[%dma_start3A_345] : memref<1024xi32, #tpu.memory_space<vmem>> -> memref<128xi32, #tpu.memory_space<vmem>>
    %dma_start3A_347 = arith.constant 0 : i32
    %dma_start3A_348 = arith.constant 0 : i32
    %dma_start3A_349 = tpu.memref_slice %arg3[%dma_start3A_347, %dma_start3A_348] : memref<1000000x32xf32, #tpu.memory_space<hbm>> -> memref<1000000x32xf32, #tpu.memory_space<hbm>>
    tpu.enqueue_indirect_dma source(%dma_start3A_349 : memref<1000000x32xf32, #tpu.memory_space<hbm>>) target(%dma_start3A_344 : memref<128x32xf32, #tpu.memory_space<vmem>>) offsets(%dma_start3A_346 : memref<128xi32, #tpu.memory_space<vmem>>) semaphore(%arg10 : memref<!tpu.dma_semaphore, #tpu.memory_space<semaphore_mem>>)
    %dma_wait3A_350 = arith.constant 0 : i32
    %dma_wait3A_351 = arith.constant 0 : i32
    %dma_wait3A_352 = tpu.memref_slice %arg8[%dma_wait3A_350, %dma_wait3A_351] : memref<1024x32xf32, #tpu.memory_space<vmem>> -> memref<128x32xf32, #tpu.memory_space<vmem>>
    %dma_wait3A_353 = arith.constant 0 : i32
    %dma_wait3A_354 = tpu.memref_slice %arg6[%dma_wait3A_353] : memref<1024xi32, #tpu.memory_space<vmem>> -> memref<128xi32, #tpu.memory_space<vmem>>
    %dma_wait3A_355 = arith.constant 0 : i32
    %dma_wait3A_356 = arith.constant 0 : i32
    %dma_wait3A_357 = tpu.memref_slice %arg3[%dma_wait3A_355, %dma_wait3A_356] : memref<1000000x32xf32, #tpu.memory_space<hbm>> -> memref<1000000x32xf32, #tpu.memory_space<hbm>>
    tpu.wait_indirect_dma semaphore(%arg10 : memref<!tpu.dma_semaphore, #tpu.memory_space<semaphore_mem>>) src(%dma_wait3A_357 : memref<1000000x32xf32, #tpu.memory_space<hbm>>) dst(%dma_wait3A_352 : memref<128x32xf32, #tpu.memory_space<vmem>>)
    %dma_wait3A_358 = arith.constant 128 : i32
    %dma_wait3A_359 = arith.constant 0 : i32
    %dma_wait3A_360 = tpu.memref_slice %arg8[%dma_wait3A_358, %dma_wait3A_359] : memref<1024x32xf32, #tpu.memory_space<vmem>> -> memref<128x32xf32, #tpu.memory_space<vmem>>
    %dma_wait3A_361 = arith.constant 128 : i32
    %dma_wait3A_362 = tpu.memref_slice %arg6[%dma_wait3A_361] : memref<1024xi32, #tpu.memory_space<vmem>> -> memref<128xi32, #tpu.memory_space<vmem>>
    %dma_wait3A_363 = arith.constant 0 : i32
    %dma_wait3A_364 = arith.constant 0 : i32
    %dma_wait3A_365 = tpu.memref_slice %arg3[%dma_wait3A_363, %dma_wait3A_364] : memref<1000000x32xf32, #tpu.memory_space<hbm>> -> memref<1000000x32xf32, #tpu.memory_space<hbm>>
    tpu.wait_indirect_dma semaphore(%arg10 : memref<!tpu.dma_semaphore, #tpu.memory_space<semaphore_mem>>) src(%dma_wait3A_365 : memref<1000000x32xf32, #tpu.memory_space<hbm>>) dst(%dma_wait3A_360 : memref<128x32xf32, #tpu.memory_space<vmem>>)
    %dma_wait3A_366 = arith.constant 256 : i32
    %dma_wait3A_367 = arith.constant 0 : i32
    %dma_wait3A_368 = tpu.memref_slice %arg8[%dma_wait3A_366, %dma_wait3A_367] : memref<1024x32xf32, #tpu.memory_space<vmem>> -> memref<128x32xf32, #tpu.memory_space<vmem>>
    %dma_wait3A_369 = arith.constant 256 : i32
    %dma_wait3A_370 = tpu.memref_slice %arg6[%dma_wait3A_369] : memref<1024xi32, #tpu.memory_space<vmem>> -> memref<128xi32, #tpu.memory_space<vmem>>
    %dma_wait3A_371 = arith.constant 0 : i32
    %dma_wait3A_372 = arith.constant 0 : i32
    %dma_wait3A_373 = tpu.memref_slice %arg3[%dma_wait3A_371, %dma_wait3A_372] : memref<1000000x32xf32, #tpu.memory_space<hbm>> -> memref<1000000x32xf32, #tpu.memory_space<hbm>>
    tpu.wait_indirect_dma semaphore(%arg10 : memref<!tpu.dma_semaphore, #tpu.memory_space<semaphore_mem>>) src(%dma_wait3A_373 : memref<1000000x32xf32, #tpu.memory_space<hbm>>) dst(%dma_wait3A_368 : memref<128x32xf32, #tpu.memory_space<vmem>>)
    %dma_wait3A_374 = arith.constant 384 : i32
    %dma_wait3A_375 = arith.constant 0 : i32
    %dma_wait3A_376 = tpu.memref_slice %arg8[%dma_wait3A_374, %dma_wait3A_375] : memref<1024x32xf32, #tpu.memory_space<vmem>> -> memref<128x32xf32, #tpu.memory_space<vmem>>
    %dma_wait3A_377 = arith.constant 384 : i32
    %dma_wait3A_378 = tpu.memref_slice %arg6[%dma_wait3A_377] : memref<1024xi32, #tpu.memory_space<vmem>> -> memref<128xi32, #tpu.memory_space<vmem>>
    %dma_wait3A_379 = arith.constant 0 : i32
    %dma_wait3A_380 = arith.constant 0 : i32
    %dma_wait3A_381 = tpu.memref_slice %arg3[%dma_wait3A_379, %dma_wait3A_380] : memref<1000000x32xf32, #tpu.memory_space<hbm>> -> memref<1000000x32xf32, #tpu.memory_space<hbm>>
    tpu.wait_indirect_dma semaphore(%arg10 : memref<!tpu.dma_semaphore, #tpu.memory_space<semaphore_mem>>) src(%dma_wait3A_381 : memref<1000000x32xf32, #tpu.memory_space<hbm>>) dst(%dma_wait3A_376 : memref<128x32xf32, #tpu.memory_space<vmem>>)
    %dma_wait3A_382 = arith.constant 512 : i32
    %dma_wait3A_383 = arith.constant 0 : i32
    %dma_wait3A_384 = tpu.memref_slice %arg8[%dma_wait3A_382, %dma_wait3A_383] : memref<1024x32xf32, #tpu.memory_space<vmem>> -> memref<128x32xf32, #tpu.memory_space<vmem>>
    %dma_wait3A_385 = arith.constant 512 : i32
    %dma_wait3A_386 = tpu.memref_slice %arg6[%dma_wait3A_385] : memref<1024xi32, #tpu.memory_space<vmem>> -> memref<128xi32, #tpu.memory_space<vmem>>
    %dma_wait3A_387 = arith.constant 0 : i32
    %dma_wait3A_388 = arith.constant 0 : i32
    %dma_wait3A_389 = tpu.memref_slice %arg3[%dma_wait3A_387, %dma_wait3A_388] : memref<1000000x32xf32, #tpu.memory_space<hbm>> -> memref<1000000x32xf32, #tpu.memory_space<hbm>>
    tpu.wait_indirect_dma semaphore(%arg10 : memref<!tpu.dma_semaphore, #tpu.memory_space<semaphore_mem>>) src(%dma_wait3A_389 : memref<1000000x32xf32, #tpu.memory_space<hbm>>) dst(%dma_wait3A_384 : memref<128x32xf32, #tpu.memory_space<vmem>>)
    %dma_wait3A_390 = arith.constant 640 : i32
    %dma_wait3A_391 = arith.constant 0 : i32
    %dma_wait3A_392 = tpu.memref_slice %arg8[%dma_wait3A_390, %dma_wait3A_391] : memref<1024x32xf32, #tpu.memory_space<vmem>> -> memref<128x32xf32, #tpu.memory_space<vmem>>
    %dma_wait3A_393 = arith.constant 640 : i32
    %dma_wait3A_394 = tpu.memref_slice %arg6[%dma_wait3A_393] : memref<1024xi32, #tpu.memory_space<vmem>> -> memref<128xi32, #tpu.memory_space<vmem>>
    %dma_wait3A_395 = arith.constant 0 : i32
    %dma_wait3A_396 = arith.constant 0 : i32
    %dma_wait3A_397 = tpu.memref_slice %arg3[%dma_wait3A_395, %dma_wait3A_396] : memref<1000000x32xf32, #tpu.memory_space<hbm>> -> memref<1000000x32xf32, #tpu.memory_space<hbm>>
    tpu.wait_indirect_dma semaphore(%arg10 : memref<!tpu.dma_semaphore, #tpu.memory_space<semaphore_mem>>) src(%dma_wait3A_397 : memref<1000000x32xf32, #tpu.memory_space<hbm>>) dst(%dma_wait3A_392 : memref<128x32xf32, #tpu.memory_space<vmem>>)
    %dma_wait3A_398 = arith.constant 768 : i32
    %dma_wait3A_399 = arith.constant 0 : i32
    %dma_wait3A_400 = tpu.memref_slice %arg8[%dma_wait3A_398, %dma_wait3A_399] : memref<1024x32xf32, #tpu.memory_space<vmem>> -> memref<128x32xf32, #tpu.memory_space<vmem>>
    %dma_wait3A_401 = arith.constant 768 : i32
    %dma_wait3A_402 = tpu.memref_slice %arg6[%dma_wait3A_401] : memref<1024xi32, #tpu.memory_space<vmem>> -> memref<128xi32, #tpu.memory_space<vmem>>
    %dma_wait3A_403 = arith.constant 0 : i32
    %dma_wait3A_404 = arith.constant 0 : i32
    %dma_wait3A_405 = tpu.memref_slice %arg3[%dma_wait3A_403, %dma_wait3A_404] : memref<1000000x32xf32, #tpu.memory_space<hbm>> -> memref<1000000x32xf32, #tpu.memory_space<hbm>>
    tpu.wait_indirect_dma semaphore(%arg10 : memref<!tpu.dma_semaphore, #tpu.memory_space<semaphore_mem>>) src(%dma_wait3A_405 : memref<1000000x32xf32, #tpu.memory_space<hbm>>) dst(%dma_wait3A_400 : memref<128x32xf32, #tpu.memory_space<vmem>>)
    %dma_wait3A_406 = arith.constant 896 : i32
    %dma_wait3A_407 = arith.constant 0 : i32
    %dma_wait3A_408 = tpu.memref_slice %arg8[%dma_wait3A_406, %dma_wait3A_407] : memref<1024x32xf32, #tpu.memory_space<vmem>> -> memref<128x32xf32, #tpu.memory_space<vmem>>
    %dma_wait3A_409 = arith.constant 896 : i32
    %dma_wait3A_410 = tpu.memref_slice %arg6[%dma_wait3A_409] : memref<1024xi32, #tpu.memory_space<vmem>> -> memref<128xi32, #tpu.memory_space<vmem>>
    %dma_wait3A_411 = arith.constant 0 : i32
    %dma_wait3A_412 = arith.constant 0 : i32
    %dma_wait3A_413 = tpu.memref_slice %arg3[%dma_wait3A_411, %dma_wait3A_412] : memref<1000000x32xf32, #tpu.memory_space<hbm>> -> memref<1000000x32xf32, #tpu.memory_space<hbm>>
    tpu.wait_indirect_dma semaphore(%arg10 : memref<!tpu.dma_semaphore, #tpu.memory_space<semaphore_mem>>) src(%dma_wait3A_413 : memref<1000000x32xf32, #tpu.memory_space<hbm>>) dst(%dma_wait3A_408 : memref<128x32xf32, #tpu.memory_space<vmem>>)
    %broadcast_in_dim3A_414 = vector.broadcast %add3A_285 : i32 to vector<16xi32>
    %gather3A_415 = tpu.vector_load_idx %arg7[%iota3A, %broadcast_in_dim3A_414] : memref<32x200xf32, #tpu.memory_space<vmem>>[vector<16xi32>, vector<16xi32>], vector<16xf32>,
    %add3A_416 = arith.constant 16 : i32
    %add3A_417 = vector.broadcast %add3A_416 : i32 to vector<16xi32>
    %add3A_418 = arith.addi %iota3A, %add3A_417 : vector<16xi32>
    %broadcast_in_dim3A_419 = vector.broadcast %add3A_285 : i32 to vector<16xi32>
    %gather3A_420 = tpu.vector_load_idx %arg7[%add3A_418, %broadcast_in_dim3A_419] : memref<32x200xf32, #tpu.memory_space<vmem>>[vector<16xi32>, vector<16xi32>], vector<16xf32>,
    %scan3A_421 = arith.constant 0 : i32
    %scan3A_422 = arith.constant 0 : i32
    %scan3A_423 = arith.constant 1024 : i32
    %scan3A_424 = arith.addi %scan3A_422, %scan3A_423 : i32
    %scan3A_425 = arith.constant 1 : i32
    %scan3A_426 = scf.for %scan3A_862 = %scan3A_422 to %scan3A_424 step %scan3A_425 iter_args(%scan3A_863 = %scan3A_421) -> (i32)  : i32 {
      %get3A = arith.index_cast %scan3A_862 : i32 to index
      %get3A_864 = arith.constant 0 : index
      %get3A_865 = tpu.vector_load %arg8[%get3A, %get3A_864] {strides = array<i32>} : memref<1024x32xf32, #tpu.memory_space<vmem>>, vector<16xf32>,
      %add3A_866 = arith.addf %get3A_865, %gather3A_415 : vector<16xf32>
      %get3A_867 = arith.index_cast %scan3A_862 : i32 to index
      %get3A_868 = arith.constant 16 : index
      %get3A_869 = tpu.vector_load %arg8[%get3A_867, %get3A_868] {strides = array<i32>} : memref<1024x32xf32, #tpu.memory_space<vmem>>, vector<16xf32>,
      %add3A_870 = arith.addf %get3A_869, %gather3A_420 : vector<16xf32>
      %broadcast_in_dim3A_871 = vector.broadcast %scan3A_862 : i32 to vector<16xi32>
      tpu.vector_store_idx %arg9[%iota3A, %broadcast_in_dim3A_871], %add3A_866 : memref<32x1025xf32, #tpu.memory_space<vmem>>[vector<16xi32>, vector<16xi32>], vector<16xf32>,
      %add3A_872 = arith.constant 16 : i32
      %add3A_873 = vector.broadcast %add3A_872 : i32 to vector<16xi32>
      %add3A_874 = arith.addi %iota3A, %add3A_873 : vector<16xi32>
      tpu.vector_store_idx %arg9[%add3A_874, %broadcast_in_dim3A_871], %add3A_870 : memref<32x1025xf32, #tpu.memory_space<vmem>>[vector<16xi32>, vector<16xi32>], vector<16xf32>,
      %scan3A_875 = arith.constant 0 : i32
      scf.yield %scan3A_875 : i32
    }
    %scan3A_427 = arith.constant 1024 : i32
    "tpu.region"() ({
      %run_scoped3A = tpu.sem_alloc : memref<!tpu.dma_semaphore, #tpu.memory_space<semaphore_mem>>
      %dma_start3A_862 = arith.constant 0 : i32
      %dma_start3A_863 = arith.constant 0 : i32
      %dma_start3A_864 = tpu.memref_slice %arg9[%dma_start3A_862, %dma_start3A_863] : memref<32x1025xf32, #tpu.memory_space<vmem>> -> memref<32x1024xf32, #tpu.memory_space<vmem>>
      %dma_start3A_865 = arith.constant 0 : i32
      %dma_start3A_866 = arith.constant 0 : i32
      %dma_start3A_867 = tpu.memref_slice %arg5[%add3A_285, %dma_start3A_865, %dma_start3A_866] : memref<200x32x1024xf32, #tpu.memory_space<hbm>> -> memref<1x32x1024xf32, #tpu.memory_space<hbm>>
      %dma_start3A_868 = tpu.memref_squeeze %dma_start3A_867 : memref<1x32x1024xf32, #tpu.memory_space<hbm>> -> memref<32x1024xf32, #tpu.memory_space<hbm>>
      %dma_start3A_869 = arith.constant 0 : i32
      %dma_start3A_870 = arith.constant 0 : i32
      %dma_start3A_871 = tpu.memref_slice %arg5[%add3A_285, %dma_start3A_869, %dma_start3A_870] : memref<200x32x1024xf32, #tpu.memory_space<hbm>> -> memref<1x32x1024xf32, #tpu.memory_space<hbm>>
      %dma_start3A_872 = tpu.memref_squeeze %dma_start3A_871 : memref<1x32x1024xf32, #tpu.memory_space<hbm>> -> memref<32x1024xf32, #tpu.memory_space<hbm>>
      %dma_start3A_873 = arith.constant 0 : i32
      %dma_start3A_874 = arith.constant 0 : i32
      %dma_start3A_875 = tpu.memref_slice %arg9[%dma_start3A_873, %dma_start3A_874] : memref<32x1025xf32, #tpu.memory_space<vmem>> -> memref<32x1024xf32, #tpu.memory_space<vmem>>
      tpu.enqueue_dma source(%dma_start3A_875 : memref<32x1024xf32, #tpu.memory_space<vmem>>) target(%dma_start3A_872 : memref<32x1024xf32, #tpu.memory_space<hbm>>) target_semaphore(%run_scoped3A : memref<!tpu.dma_semaphore, #tpu.memory_space<semaphore_mem>>)
      %dma_wait3A_876 = arith.constant 0 : i32
      %dma_wait3A_877 = arith.constant 0 : i32
      %dma_wait3A_878 = tpu.memref_slice %arg9[%dma_wait3A_876, %dma_wait3A_877] : memref<32x1025xf32, #tpu.memory_space<vmem>> -> memref<32x1024xf32, #tpu.memory_space<vmem>>
      %dma_wait3A_879 = arith.constant 0 : i32
      %dma_wait3A_880 = arith.constant 0 : i32
      %dma_wait3A_881 = tpu.memref_slice %arg5[%add3A_285, %dma_wait3A_879, %dma_wait3A_880] : memref<200x32x1024xf32, #tpu.memory_space<hbm>> -> memref<1x32x1024xf32, #tpu.memory_space<hbm>>
      %dma_wait3A_882 = tpu.memref_squeeze %dma_wait3A_881 : memref<1x32x1024xf32, #tpu.memory_space<hbm>> -> memref<32x1024xf32, #tpu.memory_space<hbm>>
      %dma_wait3A_883 = arith.constant 0 : i32
      %dma_wait3A_884 = arith.constant 0 : i32
      %dma_wait3A_885 = tpu.memref_slice %arg5[%add3A_285, %dma_wait3A_883, %dma_wait3A_884] : memref<200x32x1024xf32, #tpu.memory_space<hbm>> -> memref<1x32x1024xf32, #tpu.memory_space<hbm>>
      %dma_wait3A_886 = tpu.memref_squeeze %dma_wait3A_885 : memref<1x32x1024xf32, #tpu.memory_space<hbm>> -> memref<32x1024xf32, #tpu.memory_space<hbm>>
      %dma_wait3A_887 = arith.constant 0 : i32
      %dma_wait3A_888 = arith.constant 0 : i32
      %dma_wait3A_889 = tpu.memref_slice %arg9[%dma_wait3A_887, %dma_wait3A_888] : memref<32x1025xf32, #tpu.memory_space<vmem>> -> memref<32x1024xf32, #tpu.memory_space<vmem>>
      tpu.wait_dma2 semaphore(%run_scoped3A : memref<!tpu.dma_semaphore, #tpu.memory_space<semaphore_mem>>) src(%dma_wait3A_889 : memref<32x1024xf32, #tpu.memory_space<vmem>>) dst(%dma_wait3A_886 : memref<32x1024xf32, #tpu.memory_space<hbm>>)
      tpu.yield
    }) : () -> ()
    %add3A_428 = arith.constant 96 : i32
    %add3A_429 = arith.addi %add3A, %add3A_428 : i32
    "tpu.region"() ({
      %run_scoped3A = tpu.sem_alloc : memref<!tpu.dma_semaphore, #tpu.memory_space<semaphore_mem>>
      %dma_start3A_862 = arith.constant 0 : i32
      %dma_start3A_863 = tpu.memref_slice %arg2[%add3A_429, %dma_start3A_862] : memref<200x1024xi32, #tpu.memory_space<hbm>> -> memref<1x1024xi32, #tpu.memory_space<hbm>>
      %dma_start3A_864 = tpu.memref_squeeze %dma_start3A_863 : memref<1x1024xi32, #tpu.memory_space<hbm>> -> memref<1024xi32, #tpu.memory_space<hbm>>
      %dma_start3A_865 = arith.constant 0 : i32
      %dma_start3A_866 = tpu.memref_slice %arg2[%add3A_429, %dma_start3A_865] : memref<200x1024xi32, #tpu.memory_space<hbm>> -> memref<1x1024xi32, #tpu.memory_space<hbm>>
      %dma_start3A_867 = tpu.memref_squeeze %dma_start3A_866 : memref<1x1024xi32, #tpu.memory_space<hbm>> -> memref<1024xi32, #tpu.memory_space<hbm>>
      tpu.enqueue_dma source(%dma_start3A_867 : memref<1024xi32, #tpu.memory_space<hbm>>) target(%arg6 : memref<1024xi32, #tpu.memory_space<vmem>>) target_semaphore(%run_scoped3A : memref<!tpu.dma_semaphore, #tpu.memory_space<semaphore_mem>>)
      %dma_wait3A_868 = arith.constant 0 : i32
      %dma_wait3A_869 = tpu.memref_slice %arg2[%add3A_429, %dma_wait3A_868] : memref<200x1024xi32, #tpu.memory_space<hbm>> -> memref<1x1024xi32, #tpu.memory_space<hbm>>
      %dma_wait3A_870 = tpu.memref_squeeze %dma_wait3A_869 : memref<1x1024xi32, #tpu.memory_space<hbm>> -> memref<1024xi32, #tpu.memory_space<hbm>>
      %dma_wait3A_871 = arith.constant 0 : i32
      %dma_wait3A_872 = tpu.memref_slice %arg2[%add3A_429, %dma_wait3A_871] : memref<200x1024xi32, #tpu.memory_space<hbm>> -> memref<1x1024xi32, #tpu.memory_space<hbm>>
      %dma_wait3A_873 = tpu.memref_squeeze %dma_wait3A_872 : memref<1x1024xi32, #tpu.memory_space<hbm>> -> memref<1024xi32, #tpu.memory_space<hbm>>
      tpu.wait_dma2 semaphore(%run_scoped3A : memref<!tpu.dma_semaphore, #tpu.memory_space<semaphore_mem>>) src(%dma_wait3A_873 : memref<1024xi32, #tpu.memory_space<hbm>>) dst(%arg6 : memref<1024xi32, #tpu.memory_space<vmem>>)
      tpu.yield
    }) : () -> ()
    %dma_start3A_430 = arith.constant 0 : i32
    %dma_start3A_431 = arith.constant 0 : i32
    %dma_start3A_432 = tpu.memref_slice %arg8[%dma_start3A_430, %dma_start3A_431] : memref<1024x32xf32, #tpu.memory_space<vmem>> -> memref<128x32xf32, #tpu.memory_space<vmem>>
    %dma_start3A_433 = arith.constant 0 : i32
    %dma_start3A_434 = tpu.memref_slice %arg6[%dma_start3A_433] : memref<1024xi32, #tpu.memory_space<vmem>> -> memref<128xi32, #tpu.memory_space<vmem>>
    %dma_start3A_435 = arith.constant 0 : i32
    %dma_start3A_436 = arith.constant 0 : i32
    %dma_start3A_437 = tpu.memref_slice %arg3[%dma_start3A_435, %dma_start3A_436] : memref<1000000x32xf32, #tpu.memory_space<hbm>> -> memref<1000000x32xf32, #tpu.memory_space<hbm>>
    tpu.enqueue_indirect_dma source(%dma_start3A_437 : memref<1000000x32xf32, #tpu.memory_space<hbm>>) target(%dma_start3A_432 : memref<128x32xf32, #tpu.memory_space<vmem>>) offsets(%dma_start3A_434 : memref<128xi32, #tpu.memory_space<vmem>>) semaphore(%arg10 : memref<!tpu.dma_semaphore, #tpu.memory_space<semaphore_mem>>)
    %dma_start3A_438 = arith.constant 128 : i32
    %dma_start3A_439 = arith.constant 0 : i32
    %dma_start3A_440 = tpu.memref_slice %arg8[%dma_start3A_438, %dma_start3A_439] : memref<1024x32xf32, #tpu.memory_space<vmem>> -> memref<128x32xf32, #tpu.memory_space<vmem>>
    %dma_start3A_441 = arith.constant 128 : i32
    %dma_start3A_442 = tpu.memref_slice %arg6[%dma_start3A_441] : memref<1024xi32, #tpu.memory_space<vmem>> -> memref<128xi32, #tpu.memory_space<vmem>>
    %dma_start3A_443 = arith.constant 0 : i32
    %dma_start3A_444 = arith.constant 0 : i32
    %dma_start3A_445 = tpu.memref_slice %arg3[%dma_start3A_443, %dma_start3A_444] : memref<1000000x32xf32, #tpu.memory_space<hbm>> -> memref<1000000x32xf32, #tpu.memory_space<hbm>>
    tpu.enqueue_indirect_dma source(%dma_start3A_445 : memref<1000000x32xf32, #tpu.memory_space<hbm>>) target(%dma_start3A_440 : memref<128x32xf32, #tpu.memory_space<vmem>>) offsets(%dma_start3A_442 : memref<128xi32, #tpu.memory_space<vmem>>) semaphore(%arg10 : memref<!tpu.dma_semaphore, #tpu.memory_space<semaphore_mem>>)
    %dma_start3A_446 = arith.constant 256 : i32
    %dma_start3A_447 = arith.constant 0 : i32
    %dma_start3A_448 = tpu.memref_slice %arg8[%dma_start3A_446, %dma_start3A_447] : memref<1024x32xf32, #tpu.memory_space<vmem>> -> memref<128x32xf32, #tpu.memory_space<vmem>>
    %dma_start3A_449 = arith.constant 256 : i32
    %dma_start3A_450 = tpu.memref_slice %arg6[%dma_start3A_449] : memref<1024xi32, #tpu.memory_space<vmem>> -> memref<128xi32, #tpu.memory_space<vmem>>
    %dma_start3A_451 = arith.constant 0 : i32
    %dma_start3A_452 = arith.constant 0 : i32
    %dma_start3A_453 = tpu.memref_slice %arg3[%dma_start3A_451, %dma_start3A_452] : memref<1000000x32xf32, #tpu.memory_space<hbm>> -> memref<1000000x32xf32, #tpu.memory_space<hbm>>
    tpu.enqueue_indirect_dma source(%dma_start3A_453 : memref<1000000x32xf32, #tpu.memory_space<hbm>>) target(%dma_start3A_448 : memref<128x32xf32, #tpu.memory_space<vmem>>) offsets(%dma_start3A_450 : memref<128xi32, #tpu.memory_space<vmem>>) semaphore(%arg10 : memref<!tpu.dma_semaphore, #tpu.memory_space<semaphore_mem>>)
    %dma_start3A_454 = arith.constant 384 : i32
    %dma_start3A_455 = arith.constant 0 : i32
    %dma_start3A_456 = tpu.memref_slice %arg8[%dma_start3A_454, %dma_start3A_455] : memref<1024x32xf32, #tpu.memory_space<vmem>> -> memref<128x32xf32, #tpu.memory_space<vmem>>
    %dma_start3A_457 = arith.constant 384 : i32
    %dma_start3A_458 = tpu.memref_slice %arg6[%dma_start3A_457] : memref<1024xi32, #tpu.memory_space<vmem>> -> memref<128xi32, #tpu.memory_space<vmem>>
    %dma_start3A_459 = arith.constant 0 : i32
    %dma_start3A_460 = arith.constant 0 : i32
    %dma_start3A_461 = tpu.memref_slice %arg3[%dma_start3A_459, %dma_start3A_460] : memref<1000000x32xf32, #tpu.memory_space<hbm>> -> memref<1000000x32xf32, #tpu.memory_space<hbm>>
    tpu.enqueue_indirect_dma source(%dma_start3A_461 : memref<1000000x32xf32, #tpu.memory_space<hbm>>) target(%dma_start3A_456 : memref<128x32xf32, #tpu.memory_space<vmem>>) offsets(%dma_start3A_458 : memref<128xi32, #tpu.memory_space<vmem>>) semaphore(%arg10 : memref<!tpu.dma_semaphore, #tpu.memory_space<semaphore_mem>>)
    %dma_start3A_462 = arith.constant 512 : i32
    %dma_start3A_463 = arith.constant 0 : i32
    %dma_start3A_464 = tpu.memref_slice %arg8[%dma_start3A_462, %dma_start3A_463] : memref<1024x32xf32, #tpu.memory_space<vmem>> -> memref<128x32xf32, #tpu.memory_space<vmem>>
    %dma_start3A_465 = arith.constant 512 : i32
    %dma_start3A_466 = tpu.memref_slice %arg6[%dma_start3A_465] : memref<1024xi32, #tpu.memory_space<vmem>> -> memref<128xi32, #tpu.memory_space<vmem>>
    %dma_start3A_467 = arith.constant 0 : i32
    %dma_start3A_468 = arith.constant 0 : i32
    %dma_start3A_469 = tpu.memref_slice %arg3[%dma_start3A_467, %dma_start3A_468] : memref<1000000x32xf32, #tpu.memory_space<hbm>> -> memref<1000000x32xf32, #tpu.memory_space<hbm>>
    tpu.enqueue_indirect_dma source(%dma_start3A_469 : memref<1000000x32xf32, #tpu.memory_space<hbm>>) target(%dma_start3A_464 : memref<128x32xf32, #tpu.memory_space<vmem>>) offsets(%dma_start3A_466 : memref<128xi32, #tpu.memory_space<vmem>>) semaphore(%arg10 : memref<!tpu.dma_semaphore, #tpu.memory_space<semaphore_mem>>)
    %dma_start3A_470 = arith.constant 640 : i32
    %dma_start3A_471 = arith.constant 0 : i32
    %dma_start3A_472 = tpu.memref_slice %arg8[%dma_start3A_470, %dma_start3A_471] : memref<1024x32xf32, #tpu.memory_space<vmem>> -> memref<128x32xf32, #tpu.memory_space<vmem>>
    %dma_start3A_473 = arith.constant 640 : i32
    %dma_start3A_474 = tpu.memref_slice %arg6[%dma_start3A_473] : memref<1024xi32, #tpu.memory_space<vmem>> -> memref<128xi32, #tpu.memory_space<vmem>>
    %dma_start3A_475 = arith.constant 0 : i32
    %dma_start3A_476 = arith.constant 0 : i32
    %dma_start3A_477 = tpu.memref_slice %arg3[%dma_start3A_475, %dma_start3A_476] : memref<1000000x32xf32, #tpu.memory_space<hbm>> -> memref<1000000x32xf32, #tpu.memory_space<hbm>>
    tpu.enqueue_indirect_dma source(%dma_start3A_477 : memref<1000000x32xf32, #tpu.memory_space<hbm>>) target(%dma_start3A_472 : memref<128x32xf32, #tpu.memory_space<vmem>>) offsets(%dma_start3A_474 : memref<128xi32, #tpu.memory_space<vmem>>) semaphore(%arg10 : memref<!tpu.dma_semaphore, #tpu.memory_space<semaphore_mem>>)
    %dma_start3A_478 = arith.constant 768 : i32
    %dma_start3A_479 = arith.constant 0 : i32
    %dma_start3A_480 = tpu.memref_slice %arg8[%dma_start3A_478, %dma_start3A_479] : memref<1024x32xf32, #tpu.memory_space<vmem>> -> memref<128x32xf32, #tpu.memory_space<vmem>>
    %dma_start3A_481 = arith.constant 768 : i32
    %dma_start3A_482 = tpu.memref_slice %arg6[%dma_start3A_481] : memref<1024xi32, #tpu.memory_space<vmem>> -> memref<128xi32, #tpu.memory_space<vmem>>
    %dma_start3A_483 = arith.constant 0 : i32
    %dma_start3A_484 = arith.constant 0 : i32
    %dma_start3A_485 = tpu.memref_slice %arg3[%dma_start3A_483, %dma_start3A_484] : memref<1000000x32xf32, #tpu.memory_space<hbm>> -> memref<1000000x32xf32, #tpu.memory_space<hbm>>
    tpu.enqueue_indirect_dma source(%dma_start3A_485 : memref<1000000x32xf32, #tpu.memory_space<hbm>>) target(%dma_start3A_480 : memref<128x32xf32, #tpu.memory_space<vmem>>) offsets(%dma_start3A_482 : memref<128xi32, #tpu.memory_space<vmem>>) semaphore(%arg10 : memref<!tpu.dma_semaphore, #tpu.memory_space<semaphore_mem>>)
    %dma_start3A_486 = arith.constant 896 : i32
    %dma_start3A_487 = arith.constant 0 : i32
    %dma_start3A_488 = tpu.memref_slice %arg8[%dma_start3A_486, %dma_start3A_487] : memref<1024x32xf32, #tpu.memory_space<vmem>> -> memref<128x32xf32, #tpu.memory_space<vmem>>
    %dma_start3A_489 = arith.constant 896 : i32
    %dma_start3A_490 = tpu.memref_slice %arg6[%dma_start3A_489] : memref<1024xi32, #tpu.memory_space<vmem>> -> memref<128xi32, #tpu.memory_space<vmem>>
    %dma_start3A_491 = arith.constant 0 : i32
    %dma_start3A_492 = arith.constant 0 : i32
    %dma_start3A_493 = tpu.memref_slice %arg3[%dma_start3A_491, %dma_start3A_492] : memref<1000000x32xf32, #tpu.memory_space<hbm>> -> memref<1000000x32xf32, #tpu.memory_space<hbm>>
    tpu.enqueue_indirect_dma source(%dma_start3A_493 : memref<1000000x32xf32, #tpu.memory_space<hbm>>) target(%dma_start3A_488 : memref<128x32xf32, #tpu.memory_space<vmem>>) offsets(%dma_start3A_490 : memref<128xi32, #tpu.memory_space<vmem>>) semaphore(%arg10 : memref<!tpu.dma_semaphore, #tpu.memory_space<semaphore_mem>>)
    %dma_wait3A_494 = arith.constant 0 : i32
    %dma_wait3A_495 = arith.constant 0 : i32
    %dma_wait3A_496 = tpu.memref_slice %arg8[%dma_wait3A_494, %dma_wait3A_495] : memref<1024x32xf32, #tpu.memory_space<vmem>> -> memref<128x32xf32, #tpu.memory_space<vmem>>
    %dma_wait3A_497 = arith.constant 0 : i32
    %dma_wait3A_498 = tpu.memref_slice %arg6[%dma_wait3A_497] : memref<1024xi32, #tpu.memory_space<vmem>> -> memref<128xi32, #tpu.memory_space<vmem>>
    %dma_wait3A_499 = arith.constant 0 : i32
    %dma_wait3A_500 = arith.constant 0 : i32
    %dma_wait3A_501 = tpu.memref_slice %arg3[%dma_wait3A_499, %dma_wait3A_500] : memref<1000000x32xf32, #tpu.memory_space<hbm>> -> memref<1000000x32xf32, #tpu.memory_space<hbm>>
    tpu.wait_indirect_dma semaphore(%arg10 : memref<!tpu.dma_semaphore, #tpu.memory_space<semaphore_mem>>) src(%dma_wait3A_501 : memref<1000000x32xf32, #tpu.memory_space<hbm>>) dst(%dma_wait3A_496 : memref<128x32xf32, #tpu.memory_space<vmem>>)
    %dma_wait3A_502 = arith.constant 128 : i32
    %dma_wait3A_503 = arith.constant 0 : i32
    %dma_wait3A_504 = tpu.memref_slice %arg8[%dma_wait3A_502, %dma_wait3A_503] : memref<1024x32xf32, #tpu.memory_space<vmem>> -> memref<128x32xf32, #tpu.memory_space<vmem>>
    %dma_wait3A_505 = arith.constant 128 : i32
    %dma_wait3A_506 = tpu.memref_slice %arg6[%dma_wait3A_505] : memref<1024xi32, #tpu.memory_space<vmem>> -> memref<128xi32, #tpu.memory_space<vmem>>
    %dma_wait3A_507 = arith.constant 0 : i32
    %dma_wait3A_508 = arith.constant 0 : i32
    %dma_wait3A_509 = tpu.memref_slice %arg3[%dma_wait3A_507, %dma_wait3A_508] : memref<1000000x32xf32, #tpu.memory_space<hbm>> -> memref<1000000x32xf32, #tpu.memory_space<hbm>>
    tpu.wait_indirect_dma semaphore(%arg10 : memref<!tpu.dma_semaphore, #tpu.memory_space<semaphore_mem>>) src(%dma_wait3A_509 : memref<1000000x32xf32, #tpu.memory_space<hbm>>) dst(%dma_wait3A_504 : memref<128x32xf32, #tpu.memory_space<vmem>>)
    %dma_wait3A_510 = arith.constant 256 : i32
    %dma_wait3A_511 = arith.constant 0 : i32
    %dma_wait3A_512 = tpu.memref_slice %arg8[%dma_wait3A_510, %dma_wait3A_511] : memref<1024x32xf32, #tpu.memory_space<vmem>> -> memref<128x32xf32, #tpu.memory_space<vmem>>
    %dma_wait3A_513 = arith.constant 256 : i32
    %dma_wait3A_514 = tpu.memref_slice %arg6[%dma_wait3A_513] : memref<1024xi32, #tpu.memory_space<vmem>> -> memref<128xi32, #tpu.memory_space<vmem>>
    %dma_wait3A_515 = arith.constant 0 : i32
    %dma_wait3A_516 = arith.constant 0 : i32
    %dma_wait3A_517 = tpu.memref_slice %arg3[%dma_wait3A_515, %dma_wait3A_516] : memref<1000000x32xf32, #tpu.memory_space<hbm>> -> memref<1000000x32xf32, #tpu.memory_space<hbm>>
    tpu.wait_indirect_dma semaphore(%arg10 : memref<!tpu.dma_semaphore, #tpu.memory_space<semaphore_mem>>) src(%dma_wait3A_517 : memref<1000000x32xf32, #tpu.memory_space<hbm>>) dst(%dma_wait3A_512 : memref<128x32xf32, #tpu.memory_space<vmem>>)
    %dma_wait3A_518 = arith.constant 384 : i32
    %dma_wait3A_519 = arith.constant 0 : i32
    %dma_wait3A_520 = tpu.memref_slice %arg8[%dma_wait3A_518, %dma_wait3A_519] : memref<1024x32xf32, #tpu.memory_space<vmem>> -> memref<128x32xf32, #tpu.memory_space<vmem>>
    %dma_wait3A_521 = arith.constant 384 : i32
    %dma_wait3A_522 = tpu.memref_slice %arg6[%dma_wait3A_521] : memref<1024xi32, #tpu.memory_space<vmem>> -> memref<128xi32, #tpu.memory_space<vmem>>
    %dma_wait3A_523 = arith.constant 0 : i32
    %dma_wait3A_524 = arith.constant 0 : i32
    %dma_wait3A_525 = tpu.memref_slice %arg3[%dma_wait3A_523, %dma_wait3A_524] : memref<1000000x32xf32, #tpu.memory_space<hbm>> -> memref<1000000x32xf32, #tpu.memory_space<hbm>>
    tpu.wait_indirect_dma semaphore(%arg10 : memref<!tpu.dma_semaphore, #tpu.memory_space<semaphore_mem>>) src(%dma_wait3A_525 : memref<1000000x32xf32, #tpu.memory_space<hbm>>) dst(%dma_wait3A_520 : memref<128x32xf32, #tpu.memory_space<vmem>>)
    %dma_wait3A_526 = arith.constant 512 : i32
    %dma_wait3A_527 = arith.constant 0 : i32
    %dma_wait3A_528 = tpu.memref_slice %arg8[%dma_wait3A_526, %dma_wait3A_527] : memref<1024x32xf32, #tpu.memory_space<vmem>> -> memref<128x32xf32, #tpu.memory_space<vmem>>
    %dma_wait3A_529 = arith.constant 512 : i32
    %dma_wait3A_530 = tpu.memref_slice %arg6[%dma_wait3A_529] : memref<1024xi32, #tpu.memory_space<vmem>> -> memref<128xi32, #tpu.memory_space<vmem>>
    %dma_wait3A_531 = arith.constant 0 : i32
    %dma_wait3A_532 = arith.constant 0 : i32
    %dma_wait3A_533 = tpu.memref_slice %arg3[%dma_wait3A_531, %dma_wait3A_532] : memref<1000000x32xf32, #tpu.memory_space<hbm>> -> memref<1000000x32xf32, #tpu.memory_space<hbm>>
    tpu.wait_indirect_dma semaphore(%arg10 : memref<!tpu.dma_semaphore, #tpu.memory_space<semaphore_mem>>) src(%dma_wait3A_533 : memref<1000000x32xf32, #tpu.memory_space<hbm>>) dst(%dma_wait3A_528 : memref<128x32xf32, #tpu.memory_space<vmem>>)
    %dma_wait3A_534 = arith.constant 640 : i32
    %dma_wait3A_535 = arith.constant 0 : i32
    %dma_wait3A_536 = tpu.memref_slice %arg8[%dma_wait3A_534, %dma_wait3A_535] : memref<1024x32xf32, #tpu.memory_space<vmem>> -> memref<128x32xf32, #tpu.memory_space<vmem>>
    %dma_wait3A_537 = arith.constant 640 : i32
    %dma_wait3A_538 = tpu.memref_slice %arg6[%dma_wait3A_537] : memref<1024xi32, #tpu.memory_space<vmem>> -> memref<128xi32, #tpu.memory_space<vmem>>
    %dma_wait3A_539 = arith.constant 0 : i32
    %dma_wait3A_540 = arith.constant 0 : i32
    %dma_wait3A_541 = tpu.memref_slice %arg3[%dma_wait3A_539, %dma_wait3A_540] : memref<1000000x32xf32, #tpu.memory_space<hbm>> -> memref<1000000x32xf32, #tpu.memory_space<hbm>>
    tpu.wait_indirect_dma semaphore(%arg10 : memref<!tpu.dma_semaphore, #tpu.memory_space<semaphore_mem>>) src(%dma_wait3A_541 : memref<1000000x32xf32, #tpu.memory_space<hbm>>) dst(%dma_wait3A_536 : memref<128x32xf32, #tpu.memory_space<vmem>>)
    %dma_wait3A_542 = arith.constant 768 : i32
    %dma_wait3A_543 = arith.constant 0 : i32
    %dma_wait3A_544 = tpu.memref_slice %arg8[%dma_wait3A_542, %dma_wait3A_543] : memref<1024x32xf32, #tpu.memory_space<vmem>> -> memref<128x32xf32, #tpu.memory_space<vmem>>
    %dma_wait3A_545 = arith.constant 768 : i32
    %dma_wait3A_546 = tpu.memref_slice %arg6[%dma_wait3A_545] : memref<1024xi32, #tpu.memory_space<vmem>> -> memref<128xi32, #tpu.memory_space<vmem>>
    %dma_wait3A_547 = arith.constant 0 : i32
    %dma_wait3A_548 = arith.constant 0 : i32
    %dma_wait3A_549 = tpu.memref_slice %arg3[%dma_wait3A_547, %dma_wait3A_548] : memref<1000000x32xf32, #tpu.memory_space<hbm>> -> memref<1000000x32xf32, #tpu.memory_space<hbm>>
    tpu.wait_indirect_dma semaphore(%arg10 : memref<!tpu.dma_semaphore, #tpu.memory_space<semaphore_mem>>) src(%dma_wait3A_549 : memref<1000000x32xf32, #tpu.memory_space<hbm>>) dst(%dma_wait3A_544 : memref<128x32xf32, #tpu.memory_space<vmem>>)
    %dma_wait3A_550 = arith.constant 896 : i32
    %dma_wait3A_551 = arith.constant 0 : i32
    %dma_wait3A_552 = tpu.memref_slice %arg8[%dma_wait3A_550, %dma_wait3A_551] : memref<1024x32xf32, #tpu.memory_space<vmem>> -> memref<128x32xf32, #tpu.memory_space<vmem>>
    %dma_wait3A_553 = arith.constant 896 : i32
    %dma_wait3A_554 = tpu.memref_slice %arg6[%dma_wait3A_553] : memref<1024xi32, #tpu.memory_space<vmem>> -> memref<128xi32, #tpu.memory_space<vmem>>
    %dma_wait3A_555 = arith.constant 0 : i32
    %dma_wait3A_556 = arith.constant 0 : i32
    %dma_wait3A_557 = tpu.memref_slice %arg3[%dma_wait3A_555, %dma_wait3A_556] : memref<1000000x32xf32, #tpu.memory_space<hbm>> -> memref<1000000x32xf32, #tpu.memory_space<hbm>>
    tpu.wait_indirect_dma semaphore(%arg10 : memref<!tpu.dma_semaphore, #tpu.memory_space<semaphore_mem>>) src(%dma_wait3A_557 : memref<1000000x32xf32, #tpu.memory_space<hbm>>) dst(%dma_wait3A_552 : memref<128x32xf32, #tpu.memory_space<vmem>>)
    %broadcast_in_dim3A_558 = vector.broadcast %add3A_429 : i32 to vector<16xi32>
    %gather3A_559 = tpu.vector_load_idx %arg7[%iota3A, %broadcast_in_dim3A_558] : memref<32x200xf32, #tpu.memory_space<vmem>>[vector<16xi32>, vector<16xi32>], vector<16xf32>,
    %add3A_560 = arith.constant 16 : i32
    %add3A_561 = vector.broadcast %add3A_560 : i32 to vector<16xi32>
    %add3A_562 = arith.addi %iota3A, %add3A_561 : vector<16xi32>
    %broadcast_in_dim3A_563 = vector.broadcast %add3A_429 : i32 to vector<16xi32>
    %gather3A_564 = tpu.vector_load_idx %arg7[%add3A_562, %broadcast_in_dim3A_563] : memref<32x200xf32, #tpu.memory_space<vmem>>[vector<16xi32>, vector<16xi32>], vector<16xf32>,
    %scan3A_565 = arith.constant 0 : i32
    %scan3A_566 = arith.constant 0 : i32
    %scan3A_567 = arith.constant 1024 : i32
    %scan3A_568 = arith.addi %scan3A_566, %scan3A_567 : i32
    %scan3A_569 = arith.constant 1 : i32
    %scan3A_570 = scf.for %scan3A_862 = %scan3A_566 to %scan3A_568 step %scan3A_569 iter_args(%scan3A_863 = %scan3A_565) -> (i32)  : i32 {
      %get3A = arith.index_cast %scan3A_862 : i32 to index
      %get3A_864 = arith.constant 0 : index
      %get3A_865 = tpu.vector_load %arg8[%get3A, %get3A_864] {strides = array<i32>} : memref<1024x32xf32, #tpu.memory_space<vmem>>, vector<16xf32>,
      %add3A_866 = arith.addf %get3A_865, %gather3A_559 : vector<16xf32>
      %get3A_867 = arith.index_cast %scan3A_862 : i32 to index
      %get3A_868 = arith.constant 16 : index
      %get3A_869 = tpu.vector_load %arg8[%get3A_867, %get3A_868] {strides = array<i32>} : memref<1024x32xf32, #tpu.memory_space<vmem>>, vector<16xf32>,
      %add3A_870 = arith.addf %get3A_869, %gather3A_564 : vector<16xf32>
      %broadcast_in_dim3A_871 = vector.broadcast %scan3A_862 : i32 to vector<16xi32>
      tpu.vector_store_idx %arg9[%iota3A, %broadcast_in_dim3A_871], %add3A_866 : memref<32x1025xf32, #tpu.memory_space<vmem>>[vector<16xi32>, vector<16xi32>], vector<16xf32>,
      %add3A_872 = arith.constant 16 : i32
      %add3A_873 = vector.broadcast %add3A_872 : i32 to vector<16xi32>
      %add3A_874 = arith.addi %iota3A, %add3A_873 : vector<16xi32>
      tpu.vector_store_idx %arg9[%add3A_874, %broadcast_in_dim3A_871], %add3A_870 : memref<32x1025xf32, #tpu.memory_space<vmem>>[vector<16xi32>, vector<16xi32>], vector<16xf32>,
      %scan3A_875 = arith.constant 0 : i32
      scf.yield %scan3A_875 : i32
    }
    %scan3A_571 = arith.constant 1024 : i32
    "tpu.region"() ({
      %run_scoped3A = tpu.sem_alloc : memref<!tpu.dma_semaphore, #tpu.memory_space<semaphore_mem>>
      %dma_start3A_862 = arith.constant 0 : i32
      %dma_start3A_863 = arith.constant 0 : i32
      %dma_start3A_864 = tpu.memref_slice %arg9[%dma_start3A_862, %dma_start3A_863] : memref<32x1025xf32, #tpu.memory_space<vmem>> -> memref<32x1024xf32, #tpu.memory_space<vmem>>
      %dma_start3A_865 = arith.constant 0 : i32
      %dma_start3A_866 = arith.constant 0 : i32
      %dma_start3A_867 = tpu.memref_slice %arg5[%add3A_429, %dma_start3A_865, %dma_start3A_866] : memref<200x32x1024xf32, #tpu.memory_space<hbm>> -> memref<1x32x1024xf32, #tpu.memory_space<hbm>>
      %dma_start3A_868 = tpu.memref_squeeze %dma_start3A_867 : memref<1x32x1024xf32, #tpu.memory_space<hbm>> -> memref<32x1024xf32, #tpu.memory_space<hbm>>
      %dma_start3A_869 = arith.constant 0 : i32
      %dma_start3A_870 = arith.constant 0 : i32
      %dma_start3A_871 = tpu.memref_slice %arg5[%add3A_429, %dma_start3A_869, %dma_start3A_870] : memref<200x32x1024xf32, #tpu.memory_space<hbm>> -> memref<1x32x1024xf32, #tpu.memory_space<hbm>>
      %dma_start3A_872 = tpu.memref_squeeze %dma_start3A_871 : memref<1x32x1024xf32, #tpu.memory_space<hbm>> -> memref<32x1024xf32, #tpu.memory_space<hbm>>
      %dma_start3A_873 = arith.constant 0 : i32
      %dma_start3A_874 = arith.constant 0 : i32
      %dma_start3A_875 = tpu.memref_slice %arg9[%dma_start3A_873, %dma_start3A_874] : memref<32x1025xf32, #tpu.memory_space<vmem>> -> memref<32x1024xf32, #tpu.memory_space<vmem>>
      tpu.enqueue_dma source(%dma_start3A_875 : memref<32x1024xf32, #tpu.memory_space<vmem>>) target(%dma_start3A_872 : memref<32x1024xf32, #tpu.memory_space<hbm>>) target_semaphore(%run_scoped3A : memref<!tpu.dma_semaphore, #tpu.memory_space<semaphore_mem>>)
      %dma_wait3A_876 = arith.constant 0 : i32
      %dma_wait3A_877 = arith.constant 0 : i32
      %dma_wait3A_878 = tpu.memref_slice %arg9[%dma_wait3A_876, %dma_wait3A_877] : memref<32x1025xf32, #tpu.memory_space<vmem>> -> memref<32x1024xf32, #tpu.memory_space<vmem>>
      %dma_wait3A_879 = arith.constant 0 : i32
      %dma_wait3A_880 = arith.constant 0 : i32
      %dma_wait3A_881 = tpu.memref_slice %arg5[%add3A_429, %dma_wait3A_879, %dma_wait3A_880] : memref<200x32x1024xf32, #tpu.memory_space<hbm>> -> memref<1x32x1024xf32, #tpu.memory_space<hbm>>
      %dma_wait3A_882 = tpu.memref_squeeze %dma_wait3A_881 : memref<1x32x1024xf32, #tpu.memory_space<hbm>> -> memref<32x1024xf32, #tpu.memory_space<hbm>>
      %dma_wait3A_883 = arith.constant 0 : i32
      %dma_wait3A_884 = arith.constant 0 : i32
      %dma_wait3A_885 = tpu.memref_slice %arg5[%add3A_429, %dma_wait3A_883, %dma_wait3A_884] : memref<200x32x1024xf32, #tpu.memory_space<hbm>> -> memref<1x32x1024xf32, #tpu.memory_space<hbm>>
      %dma_wait3A_886 = tpu.memref_squeeze %dma_wait3A_885 : memref<1x32x1024xf32, #tpu.memory_space<hbm>> -> memref<32x1024xf32, #tpu.memory_space<hbm>>
      %dma_wait3A_887 = arith.constant 0 : i32
      %dma_wait3A_888 = arith.constant 0 : i32
      %dma_wait3A_889 = tpu.memref_slice %arg9[%dma_wait3A_887, %dma_wait3A_888] : memref<32x1025xf32, #tpu.memory_space<vmem>> -> memref<32x1024xf32, #tpu.memory_space<vmem>>
      tpu.wait_dma2 semaphore(%run_scoped3A : memref<!tpu.dma_semaphore, #tpu.memory_space<semaphore_mem>>) src(%dma_wait3A_889 : memref<32x1024xf32, #tpu.memory_space<vmem>>) dst(%dma_wait3A_886 : memref<32x1024xf32, #tpu.memory_space<hbm>>)
      tpu.yield
    }) : () -> ()
    %add3A_572 = arith.constant 128 : i32
    %add3A_573 = arith.addi %add3A, %add3A_572 : i32
    "tpu.region"() ({
      %run_scoped3A = tpu.sem_alloc : memref<!tpu.dma_semaphore, #tpu.memory_space<semaphore_mem>>
      %dma_start3A_862 = arith.constant 0 : i32
      %dma_start3A_863 = tpu.memref_slice %arg2[%add3A_573, %dma_start3A_862] : memref<200x1024xi32, #tpu.memory_space<hbm>> -> memref<1x1024xi32, #tpu.memory_space<hbm>>
      %dma_start3A_864 = tpu.memref_squeeze %dma_start3A_863 : memref<1x1024xi32, #tpu.memory_space<hbm>> -> memref<1024xi32, #tpu.memory_space<hbm>>
      %dma_start3A_865 = arith.constant 0 : i32
      %dma_start3A_866 = tpu.memref_slice %arg2[%add3A_573, %dma_start3A_865] : memref<200x1024xi32, #tpu.memory_space<hbm>> -> memref<1x1024xi32, #tpu.memory_space<hbm>>
      %dma_start3A_867 = tpu.memref_squeeze %dma_start3A_866 : memref<1x1024xi32, #tpu.memory_space<hbm>> -> memref<1024xi32, #tpu.memory_space<hbm>>
      tpu.enqueue_dma source(%dma_start3A_867 : memref<1024xi32, #tpu.memory_space<hbm>>) target(%arg6 : memref<1024xi32, #tpu.memory_space<vmem>>) target_semaphore(%run_scoped3A : memref<!tpu.dma_semaphore, #tpu.memory_space<semaphore_mem>>)
      %dma_wait3A_868 = arith.constant 0 : i32
      %dma_wait3A_869 = tpu.memref_slice %arg2[%add3A_573, %dma_wait3A_868] : memref<200x1024xi32, #tpu.memory_space<hbm>> -> memref<1x1024xi32, #tpu.memory_space<hbm>>
      %dma_wait3A_870 = tpu.memref_squeeze %dma_wait3A_869 : memref<1x1024xi32, #tpu.memory_space<hbm>> -> memref<1024xi32, #tpu.memory_space<hbm>>
      %dma_wait3A_871 = arith.constant 0 : i32
      %dma_wait3A_872 = tpu.memref_slice %arg2[%add3A_573, %dma_wait3A_871] : memref<200x1024xi32, #tpu.memory_space<hbm>> -> memref<1x1024xi32, #tpu.memory_space<hbm>>
      %dma_wait3A_873 = tpu.memref_squeeze %dma_wait3A_872 : memref<1x1024xi32, #tpu.memory_space<hbm>> -> memref<1024xi32, #tpu.memory_space<hbm>>
      tpu.wait_dma2 semaphore(%run_scoped3A : memref<!tpu.dma_semaphore, #tpu.memory_space<semaphore_mem>>) src(%dma_wait3A_873 : memref<1024xi32, #tpu.memory_space<hbm>>) dst(%arg6 : memref<1024xi32, #tpu.memory_space<vmem>>)
      tpu.yield
    }) : () -> ()
    %dma_start3A_574 = arith.constant 0 : i32
    %dma_start3A_575 = arith.constant 0 : i32
    %dma_start3A_576 = tpu.memref_slice %arg8[%dma_start3A_574, %dma_start3A_575] : memref<1024x32xf32, #tpu.memory_space<vmem>> -> memref<128x32xf32, #tpu.memory_space<vmem>>
    %dma_start3A_577 = arith.constant 0 : i32
    %dma_start3A_578 = tpu.memref_slice %arg6[%dma_start3A_577] : memref<1024xi32, #tpu.memory_space<vmem>> -> memref<128xi32, #tpu.memory_space<vmem>>
    %dma_start3A_579 = arith.constant 0 : i32
    %dma_start3A_580 = arith.constant 0 : i32
    %dma_start3A_581 = tpu.memref_slice %arg3[%dma_start3A_579, %dma_start3A_580] : memref<1000000x32xf32, #tpu.memory_space<hbm>> -> memref<1000000x32xf32, #tpu.memory_space<hbm>>
    tpu.enqueue_indirect_dma source(%dma_start3A_581 : memref<1000000x32xf32, #tpu.memory_space<hbm>>) target(%dma_start3A_576 : memref<128x32xf32, #tpu.memory_space<vmem>>) offsets(%dma_start3A_578 : memref<128xi32, #tpu.memory_space<vmem>>) semaphore(%arg10 : memref<!tpu.dma_semaphore, #tpu.memory_space<semaphore_mem>>)
    %dma_start3A_582 = arith.constant 128 : i32
    %dma_start3A_583 = arith.constant 0 : i32
    %dma_start3A_584 = tpu.memref_slice %arg8[%dma_start3A_582, %dma_start3A_583] : memref<1024x32xf32, #tpu.memory_space<vmem>> -> memref<128x32xf32, #tpu.memory_space<vmem>>
    %dma_start3A_585 = arith.constant 128 : i32
    %dma_start3A_586 = tpu.memref_slice %arg6[%dma_start3A_585] : memref<1024xi32, #tpu.memory_space<vmem>> -> memref<128xi32, #tpu.memory_space<vmem>>
    %dma_start3A_587 = arith.constant 0 : i32
    %dma_start3A_588 = arith.constant 0 : i32
    %dma_start3A_589 = tpu.memref_slice %arg3[%dma_start3A_587, %dma_start3A_588] : memref<1000000x32xf32, #tpu.memory_space<hbm>> -> memref<1000000x32xf32, #tpu.memory_space<hbm>>
    tpu.enqueue_indirect_dma source(%dma_start3A_589 : memref<1000000x32xf32, #tpu.memory_space<hbm>>) target(%dma_start3A_584 : memref<128x32xf32, #tpu.memory_space<vmem>>) offsets(%dma_start3A_586 : memref<128xi32, #tpu.memory_space<vmem>>) semaphore(%arg10 : memref<!tpu.dma_semaphore, #tpu.memory_space<semaphore_mem>>)
    %dma_start3A_590 = arith.constant 256 : i32
    %dma_start3A_591 = arith.constant 0 : i32
    %dma_start3A_592 = tpu.memref_slice %arg8[%dma_start3A_590, %dma_start3A_591] : memref<1024x32xf32, #tpu.memory_space<vmem>> -> memref<128x32xf32, #tpu.memory_space<vmem>>
    %dma_start3A_593 = arith.constant 256 : i32
    %dma_start3A_594 = tpu.memref_slice %arg6[%dma_start3A_593] : memref<1024xi32, #tpu.memory_space<vmem>> -> memref<128xi32, #tpu.memory_space<vmem>>
    %dma_start3A_595 = arith.constant 0 : i32
    %dma_start3A_596 = arith.constant 0 : i32
    %dma_start3A_597 = tpu.memref_slice %arg3[%dma_start3A_595, %dma_start3A_596] : memref<1000000x32xf32, #tpu.memory_space<hbm>> -> memref<1000000x32xf32, #tpu.memory_space<hbm>>
    tpu.enqueue_indirect_dma source(%dma_start3A_597 : memref<1000000x32xf32, #tpu.memory_space<hbm>>) target(%dma_start3A_592 : memref<128x32xf32, #tpu.memory_space<vmem>>) offsets(%dma_start3A_594 : memref<128xi32, #tpu.memory_space<vmem>>) semaphore(%arg10 : memref<!tpu.dma_semaphore, #tpu.memory_space<semaphore_mem>>)
    %dma_start3A_598 = arith.constant 384 : i32
    %dma_start3A_599 = arith.constant 0 : i32
    %dma_start3A_600 = tpu.memref_slice %arg8[%dma_start3A_598, %dma_start3A_599] : memref<1024x32xf32, #tpu.memory_space<vmem>> -> memref<128x32xf32, #tpu.memory_space<vmem>>
    %dma_start3A_601 = arith.constant 384 : i32
    %dma_start3A_602 = tpu.memref_slice %arg6[%dma_start3A_601] : memref<1024xi32, #tpu.memory_space<vmem>> -> memref<128xi32, #tpu.memory_space<vmem>>
    %dma_start3A_603 = arith.constant 0 : i32
    %dma_start3A_604 = arith.constant 0 : i32
    %dma_start3A_605 = tpu.memref_slice %arg3[%dma_start3A_603, %dma_start3A_604] : memref<1000000x32xf32, #tpu.memory_space<hbm>> -> memref<1000000x32xf32, #tpu.memory_space<hbm>>
    tpu.enqueue_indirect_dma source(%dma_start3A_605 : memref<1000000x32xf32, #tpu.memory_space<hbm>>) target(%dma_start3A_600 : memref<128x32xf32, #tpu.memory_space<vmem>>) offsets(%dma_start3A_602 : memref<128xi32, #tpu.memory_space<vmem>>) semaphore(%arg10 : memref<!tpu.dma_semaphore, #tpu.memory_space<semaphore_mem>>)
    %dma_start3A_606 = arith.constant 512 : i32
    %dma_start3A_607 = arith.constant 0 : i32
    %dma_start3A_608 = tpu.memref_slice %arg8[%dma_start3A_606, %dma_start3A_607] : memref<1024x32xf32, #tpu.memory_space<vmem>> -> memref<128x32xf32, #tpu.memory_space<vmem>>
    %dma_start3A_609 = arith.constant 512 : i32
    %dma_start3A_610 = tpu.memref_slice %arg6[%dma_start3A_609] : memref<1024xi32, #tpu.memory_space<vmem>> -> memref<128xi32, #tpu.memory_space<vmem>>
    %dma_start3A_611 = arith.constant 0 : i32
    %dma_start3A_612 = arith.constant 0 : i32
    %dma_start3A_613 = tpu.memref_slice %arg3[%dma_start3A_611, %dma_start3A_612] : memref<1000000x32xf32, #tpu.memory_space<hbm>> -> memref<1000000x32xf32, #tpu.memory_space<hbm>>
    tpu.enqueue_indirect_dma source(%dma_start3A_613 : memref<1000000x32xf32, #tpu.memory_space<hbm>>) target(%dma_start3A_608 : memref<128x32xf32, #tpu.memory_space<vmem>>) offsets(%dma_start3A_610 : memref<128xi32, #tpu.memory_space<vmem>>) semaphore(%arg10 : memref<!tpu.dma_semaphore, #tpu.memory_space<semaphore_mem>>)
    %dma_start3A_614 = arith.constant 640 : i32
    %dma_start3A_615 = arith.constant 0 : i32
    %dma_start3A_616 = tpu.memref_slice %arg8[%dma_start3A_614, %dma_start3A_615] : memref<1024x32xf32, #tpu.memory_space<vmem>> -> memref<128x32xf32, #tpu.memory_space<vmem>>
    %dma_start3A_617 = arith.constant 640 : i32
    %dma_start3A_618 = tpu.memref_slice %arg6[%dma_start3A_617] : memref<1024xi32, #tpu.memory_space<vmem>> -> memref<128xi32, #tpu.memory_space<vmem>>
    %dma_start3A_619 = arith.constant 0 : i32
    %dma_start3A_620 = arith.constant 0 : i32
    %dma_start3A_621 = tpu.memref_slice %arg3[%dma_start3A_619, %dma_start3A_620] : memref<1000000x32xf32, #tpu.memory_space<hbm>> -> memref<1000000x32xf32, #tpu.memory_space<hbm>>
    tpu.enqueue_indirect_dma source(%dma_start3A_621 : memref<1000000x32xf32, #tpu.memory_space<hbm>>) target(%dma_start3A_616 : memref<128x32xf32, #tpu.memory_space<vmem>>) offsets(%dma_start3A_618 : memref<128xi32, #tpu.memory_space<vmem>>) semaphore(%arg10 : memref<!tpu.dma_semaphore, #tpu.memory_space<semaphore_mem>>)
    %dma_start3A_622 = arith.constant 768 : i32
    %dma_start3A_623 = arith.constant 0 : i32
    %dma_start3A_624 = tpu.memref_slice %arg8[%dma_start3A_622, %dma_start3A_623] : memref<1024x32xf32, #tpu.memory_space<vmem>> -> memref<128x32xf32, #tpu.memory_space<vmem>>
    %dma_start3A_625 = arith.constant 768 : i32
    %dma_start3A_626 = tpu.memref_slice %arg6[%dma_start3A_625] : memref<1024xi32, #tpu.memory_space<vmem>> -> memref<128xi32, #tpu.memory_space<vmem>>
    %dma_start3A_627 = arith.constant 0 : i32
    %dma_start3A_628 = arith.constant 0 : i32
    %dma_start3A_629 = tpu.memref_slice %arg3[%dma_start3A_627, %dma_start3A_628] : memref<1000000x32xf32, #tpu.memory_space<hbm>> -> memref<1000000x32xf32, #tpu.memory_space<hbm>>
    tpu.enqueue_indirect_dma source(%dma_start3A_629 : memref<1000000x32xf32, #tpu.memory_space<hbm>>) target(%dma_start3A_624 : memref<128x32xf32, #tpu.memory_space<vmem>>) offsets(%dma_start3A_626 : memref<128xi32, #tpu.memory_space<vmem>>) semaphore(%arg10 : memref<!tpu.dma_semaphore, #tpu.memory_space<semaphore_mem>>)
    %dma_start3A_630 = arith.constant 896 : i32
    %dma_start3A_631 = arith.constant 0 : i32
    %dma_start3A_632 = tpu.memref_slice %arg8[%dma_start3A_630, %dma_start3A_631] : memref<1024x32xf32, #tpu.memory_space<vmem>> -> memref<128x32xf32, #tpu.memory_space<vmem>>
    %dma_start3A_633 = arith.constant 896 : i32
    %dma_start3A_634 = tpu.memref_slice %arg6[%dma_start3A_633] : memref<1024xi32, #tpu.memory_space<vmem>> -> memref<128xi32, #tpu.memory_space<vmem>>
    %dma_start3A_635 = arith.constant 0 : i32
    %dma_start3A_636 = arith.constant 0 : i32
    %dma_start3A_637 = tpu.memref_slice %arg3[%dma_start3A_635, %dma_start3A_636] : memref<1000000x32xf32, #tpu.memory_space<hbm>> -> memref<1000000x32xf32, #tpu.memory_space<hbm>>
    tpu.enqueue_indirect_dma source(%dma_start3A_637 : memref<1000000x32xf32, #tpu.memory_space<hbm>>) target(%dma_start3A_632 : memref<128x32xf32, #tpu.memory_space<vmem>>) offsets(%dma_start3A_634 : memref<128xi32, #tpu.memory_space<vmem>>) semaphore(%arg10 : memref<!tpu.dma_semaphore, #tpu.memory_space<semaphore_mem>>)
    %dma_wait3A_638 = arith.constant 0 : i32
    %dma_wait3A_639 = arith.constant 0 : i32
    %dma_wait3A_640 = tpu.memref_slice %arg8[%dma_wait3A_638, %dma_wait3A_639] : memref<1024x32xf32, #tpu.memory_space<vmem>> -> memref<128x32xf32, #tpu.memory_space<vmem>>
    %dma_wait3A_641 = arith.constant 0 : i32
    %dma_wait3A_642 = tpu.memref_slice %arg6[%dma_wait3A_641] : memref<1024xi32, #tpu.memory_space<vmem>> -> memref<128xi32, #tpu.memory_space<vmem>>
    %dma_wait3A_643 = arith.constant 0 : i32
    %dma_wait3A_644 = arith.constant 0 : i32
    %dma_wait3A_645 = tpu.memref_slice %arg3[%dma_wait3A_643, %dma_wait3A_644] : memref<1000000x32xf32, #tpu.memory_space<hbm>> -> memref<1000000x32xf32, #tpu.memory_space<hbm>>
    tpu.wait_indirect_dma semaphore(%arg10 : memref<!tpu.dma_semaphore, #tpu.memory_space<semaphore_mem>>) src(%dma_wait3A_645 : memref<1000000x32xf32, #tpu.memory_space<hbm>>) dst(%dma_wait3A_640 : memref<128x32xf32, #tpu.memory_space<vmem>>)
    %dma_wait3A_646 = arith.constant 128 : i32
    %dma_wait3A_647 = arith.constant 0 : i32
    %dma_wait3A_648 = tpu.memref_slice %arg8[%dma_wait3A_646, %dma_wait3A_647] : memref<1024x32xf32, #tpu.memory_space<vmem>> -> memref<128x32xf32, #tpu.memory_space<vmem>>
    %dma_wait3A_649 = arith.constant 128 : i32
    %dma_wait3A_650 = tpu.memref_slice %arg6[%dma_wait3A_649] : memref<1024xi32, #tpu.memory_space<vmem>> -> memref<128xi32, #tpu.memory_space<vmem>>
    %dma_wait3A_651 = arith.constant 0 : i32
    %dma_wait3A_652 = arith.constant 0 : i32
    %dma_wait3A_653 = tpu.memref_slice %arg3[%dma_wait3A_651, %dma_wait3A_652] : memref<1000000x32xf32, #tpu.memory_space<hbm>> -> memref<1000000x32xf32, #tpu.memory_space<hbm>>
    tpu.wait_indirect_dma semaphore(%arg10 : memref<!tpu.dma_semaphore, #tpu.memory_space<semaphore_mem>>) src(%dma_wait3A_653 : memref<1000000x32xf32, #tpu.memory_space<hbm>>) dst(%dma_wait3A_648 : memref<128x32xf32, #tpu.memory_space<vmem>>)
    %dma_wait3A_654 = arith.constant 256 : i32
    %dma_wait3A_655 = arith.constant 0 : i32
    %dma_wait3A_656 = tpu.memref_slice %arg8[%dma_wait3A_654, %dma_wait3A_655] : memref<1024x32xf32, #tpu.memory_space<vmem>> -> memref<128x32xf32, #tpu.memory_space<vmem>>
    %dma_wait3A_657 = arith.constant 256 : i32
    %dma_wait3A_658 = tpu.memref_slice %arg6[%dma_wait3A_657] : memref<1024xi32, #tpu.memory_space<vmem>> -> memref<128xi32, #tpu.memory_space<vmem>>
    %dma_wait3A_659 = arith.constant 0 : i32
    %dma_wait3A_660 = arith.constant 0 : i32
    %dma_wait3A_661 = tpu.memref_slice %arg3[%dma_wait3A_659, %dma_wait3A_660] : memref<1000000x32xf32, #tpu.memory_space<hbm>> -> memref<1000000x32xf32, #tpu.memory_space<hbm>>
    tpu.wait_indirect_dma semaphore(%arg10 : memref<!tpu.dma_semaphore, #tpu.memory_space<semaphore_mem>>) src(%dma_wait3A_661 : memref<1000000x32xf32, #tpu.memory_space<hbm>>) dst(%dma_wait3A_656 : memref<128x32xf32, #tpu.memory_space<vmem>>)
    %dma_wait3A_662 = arith.constant 384 : i32
    %dma_wait3A_663 = arith.constant 0 : i32
    %dma_wait3A_664 = tpu.memref_slice %arg8[%dma_wait3A_662, %dma_wait3A_663] : memref<1024x32xf32, #tpu.memory_space<vmem>> -> memref<128x32xf32, #tpu.memory_space<vmem>>
    %dma_wait3A_665 = arith.constant 384 : i32
    %dma_wait3A_666 = tpu.memref_slice %arg6[%dma_wait3A_665] : memref<1024xi32, #tpu.memory_space<vmem>> -> memref<128xi32, #tpu.memory_space<vmem>>
    %dma_wait3A_667 = arith.constant 0 : i32
    %dma_wait3A_668 = arith.constant 0 : i32
    %dma_wait3A_669 = tpu.memref_slice %arg3[%dma_wait3A_667, %dma_wait3A_668] : memref<1000000x32xf32, #tpu.memory_space<hbm>> -> memref<1000000x32xf32, #tpu.memory_space<hbm>>
    tpu.wait_indirect_dma semaphore(%arg10 : memref<!tpu.dma_semaphore, #tpu.memory_space<semaphore_mem>>) src(%dma_wait3A_669 : memref<1000000x32xf32, #tpu.memory_space<hbm>>) dst(%dma_wait3A_664 : memref<128x32xf32, #tpu.memory_space<vmem>>)
    %dma_wait3A_670 = arith.constant 512 : i32
    %dma_wait3A_671 = arith.constant 0 : i32
    %dma_wait3A_672 = tpu.memref_slice %arg8[%dma_wait3A_670, %dma_wait3A_671] : memref<1024x32xf32, #tpu.memory_space<vmem>> -> memref<128x32xf32, #tpu.memory_space<vmem>>
    %dma_wait3A_673 = arith.constant 512 : i32
    %dma_wait3A_674 = tpu.memref_slice %arg6[%dma_wait3A_673] : memref<1024xi32, #tpu.memory_space<vmem>> -> memref<128xi32, #tpu.memory_space<vmem>>
    %dma_wait3A_675 = arith.constant 0 : i32
    %dma_wait3A_676 = arith.constant 0 : i32
    %dma_wait3A_677 = tpu.memref_slice %arg3[%dma_wait3A_675, %dma_wait3A_676] : memref<1000000x32xf32, #tpu.memory_space<hbm>> -> memref<1000000x32xf32, #tpu.memory_space<hbm>>
    tpu.wait_indirect_dma semaphore(%arg10 : memref<!tpu.dma_semaphore, #tpu.memory_space<semaphore_mem>>) src(%dma_wait3A_677 : memref<1000000x32xf32, #tpu.memory_space<hbm>>) dst(%dma_wait3A_672 : memref<128x32xf32, #tpu.memory_space<vmem>>)
    %dma_wait3A_678 = arith.constant 640 : i32
    %dma_wait3A_679 = arith.constant 0 : i32
    %dma_wait3A_680 = tpu.memref_slice %arg8[%dma_wait3A_678, %dma_wait3A_679] : memref<1024x32xf32, #tpu.memory_space<vmem>> -> memref<128x32xf32, #tpu.memory_space<vmem>>
    %dma_wait3A_681 = arith.constant 640 : i32
    %dma_wait3A_682 = tpu.memref_slice %arg6[%dma_wait3A_681] : memref<1024xi32, #tpu.memory_space<vmem>> -> memref<128xi32, #tpu.memory_space<vmem>>
    %dma_wait3A_683 = arith.constant 0 : i32
    %dma_wait3A_684 = arith.constant 0 : i32
    %dma_wait3A_685 = tpu.memref_slice %arg3[%dma_wait3A_683, %dma_wait3A_684] : memref<1000000x32xf32, #tpu.memory_space<hbm>> -> memref<1000000x32xf32, #tpu.memory_space<hbm>>
    tpu.wait_indirect_dma semaphore(%arg10 : memref<!tpu.dma_semaphore, #tpu.memory_space<semaphore_mem>>) src(%dma_wait3A_685 : memref<1000000x32xf32, #tpu.memory_space<hbm>>) dst(%dma_wait3A_680 : memref<128x32xf32, #tpu.memory_space<vmem>>)
    %dma_wait3A_686 = arith.constant 768 : i32
    %dma_wait3A_687 = arith.constant 0 : i32
    %dma_wait3A_688 = tpu.memref_slice %arg8[%dma_wait3A_686, %dma_wait3A_687] : memref<1024x32xf32, #tpu.memory_space<vmem>> -> memref<128x32xf32, #tpu.memory_space<vmem>>
    %dma_wait3A_689 = arith.constant 768 : i32
    %dma_wait3A_690 = tpu.memref_slice %arg6[%dma_wait3A_689] : memref<1024xi32, #tpu.memory_space<vmem>> -> memref<128xi32, #tpu.memory_space<vmem>>
    %dma_wait3A_691 = arith.constant 0 : i32
    %dma_wait3A_692 = arith.constant 0 : i32
    %dma_wait3A_693 = tpu.memref_slice %arg3[%dma_wait3A_691, %dma_wait3A_692] : memref<1000000x32xf32, #tpu.memory_space<hbm>> -> memref<1000000x32xf32, #tpu.memory_space<hbm>>
    tpu.wait_indirect_dma semaphore(%arg10 : memref<!tpu.dma_semaphore, #tpu.memory_space<semaphore_mem>>) src(%dma_wait3A_693 : memref<1000000x32xf32, #tpu.memory_space<hbm>>) dst(%dma_wait3A_688 : memref<128x32xf32, #tpu.memory_space<vmem>>)
    %dma_wait3A_694 = arith.constant 896 : i32
    %dma_wait3A_695 = arith.constant 0 : i32
    %dma_wait3A_696 = tpu.memref_slice %arg8[%dma_wait3A_694, %dma_wait3A_695] : memref<1024x32xf32, #tpu.memory_space<vmem>> -> memref<128x32xf32, #tpu.memory_space<vmem>>
    %dma_wait3A_697 = arith.constant 896 : i32
    %dma_wait3A_698 = tpu.memref_slice %arg6[%dma_wait3A_697] : memref<1024xi32, #tpu.memory_space<vmem>> -> memref<128xi32, #tpu.memory_space<vmem>>
    %dma_wait3A_699 = arith.constant 0 : i32
    %dma_wait3A_700 = arith.constant 0 : i32
    %dma_wait3A_701 = tpu.memref_slice %arg3[%dma_wait3A_699, %dma_wait3A_700] : memref<1000000x32xf32, #tpu.memory_space<hbm>> -> memref<1000000x32xf32, #tpu.memory_space<hbm>>
    tpu.wait_indirect_dma semaphore(%arg10 : memref<!tpu.dma_semaphore, #tpu.memory_space<semaphore_mem>>) src(%dma_wait3A_701 : memref<1000000x32xf32, #tpu.memory_space<hbm>>) dst(%dma_wait3A_696 : memref<128x32xf32, #tpu.memory_space<vmem>>)
    %broadcast_in_dim3A_702 = vector.broadcast %add3A_573 : i32 to vector<16xi32>
    %gather3A_703 = tpu.vector_load_idx %arg7[%iota3A, %broadcast_in_dim3A_702] : memref<32x200xf32, #tpu.memory_space<vmem>>[vector<16xi32>, vector<16xi32>], vector<16xf32>,
    %add3A_704 = arith.constant 16 : i32
    %add3A_705 = vector.broadcast %add3A_704 : i32 to vector<16xi32>
    %add3A_706 = arith.addi %iota3A, %add3A_705 : vector<16xi32>
    %broadcast_in_dim3A_707 = vector.broadcast %add3A_573 : i32 to vector<16xi32>
    %gather3A_708 = tpu.vector_load_idx %arg7[%add3A_706, %broadcast_in_dim3A_707] : memref<32x200xf32, #tpu.memory_space<vmem>>[vector<16xi32>, vector<16xi32>], vector<16xf32>,
    %scan3A_709 = arith.constant 0 : i32
    %scan3A_710 = arith.constant 0 : i32
    %scan3A_711 = arith.constant 1024 : i32
    %scan3A_712 = arith.addi %scan3A_710, %scan3A_711 : i32
    %scan3A_713 = arith.constant 1 : i32
    %scan3A_714 = scf.for %scan3A_862 = %scan3A_710 to %scan3A_712 step %scan3A_713 iter_args(%scan3A_863 = %scan3A_709) -> (i32)  : i32 {
      %get3A = arith.index_cast %scan3A_862 : i32 to index
      %get3A_864 = arith.constant 0 : index
      %get3A_865 = tpu.vector_load %arg8[%get3A, %get3A_864] {strides = array<i32>} : memref<1024x32xf32, #tpu.memory_space<vmem>>, vector<16xf32>,
      %add3A_866 = arith.addf %get3A_865, %gather3A_703 : vector<16xf32>
      %get3A_867 = arith.index_cast %scan3A_862 : i32 to index
      %get3A_868 = arith.constant 16 : index
      %get3A_869 = tpu.vector_load %arg8[%get3A_867, %get3A_868] {strides = array<i32>} : memref<1024x32xf32, #tpu.memory_space<vmem>>, vector<16xf32>,
      %add3A_870 = arith.addf %get3A_869, %gather3A_708 : vector<16xf32>
      %broadcast_in_dim3A_871 = vector.broadcast %scan3A_862 : i32 to vector<16xi32>
      tpu.vector_store_idx %arg9[%iota3A, %broadcast_in_dim3A_871], %add3A_866 : memref<32x1025xf32, #tpu.memory_space<vmem>>[vector<16xi32>, vector<16xi32>], vector<16xf32>,
      %add3A_872 = arith.constant 16 : i32
      %add3A_873 = vector.broadcast %add3A_872 : i32 to vector<16xi32>
      %add3A_874 = arith.addi %iota3A, %add3A_873 : vector<16xi32>
      tpu.vector_store_idx %arg9[%add3A_874, %broadcast_in_dim3A_871], %add3A_870 : memref<32x1025xf32, #tpu.memory_space<vmem>>[vector<16xi32>, vector<16xi32>], vector<16xf32>,
      %scan3A_875 = arith.constant 0 : i32
      scf.yield %scan3A_875 : i32
    }
    %scan3A_715 = arith.constant 1024 : i32
    "tpu.region"() ({
      %run_scoped3A = tpu.sem_alloc : memref<!tpu.dma_semaphore, #tpu.memory_space<semaphore_mem>>
      %dma_start3A_862 = arith.constant 0 : i32
      %dma_start3A_863 = arith.constant 0 : i32
      %dma_start3A_864 = tpu.memref_slice %arg9[%dma_start3A_862, %dma_start3A_863] : memref<32x1025xf32, #tpu.memory_space<vmem>> -> memref<32x1024xf32, #tpu.memory_space<vmem>>
      %dma_start3A_865 = arith.constant 0 : i32
      %dma_start3A_866 = arith.constant 0 : i32
      %dma_start3A_867 = tpu.memref_slice %arg5[%add3A_573, %dma_start3A_865, %dma_start3A_866] : memref<200x32x1024xf32, #tpu.memory_space<hbm>> -> memref<1x32x1024xf32, #tpu.memory_space<hbm>>
      %dma_start3A_868 = tpu.memref_squeeze %dma_start3A_867 : memref<1x32x1024xf32, #tpu.memory_space<hbm>> -> memref<32x1024xf32, #tpu.memory_space<hbm>>
      %dma_start3A_869 = arith.constant 0 : i32
      %dma_start3A_870 = arith.constant 0 : i32
      %dma_start3A_871 = tpu.memref_slice %arg5[%add3A_573, %dma_start3A_869, %dma_start3A_870] : memref<200x32x1024xf32, #tpu.memory_space<hbm>> -> memref<1x32x1024xf32, #tpu.memory_space<hbm>>
      %dma_start3A_872 = tpu.memref_squeeze %dma_start3A_871 : memref<1x32x1024xf32, #tpu.memory_space<hbm>> -> memref<32x1024xf32, #tpu.memory_space<hbm>>
      %dma_start3A_873 = arith.constant 0 : i32
      %dma_start3A_874 = arith.constant 0 : i32
      %dma_start3A_875 = tpu.memref_slice %arg9[%dma_start3A_873, %dma_start3A_874] : memref<32x1025xf32, #tpu.memory_space<vmem>> -> memref<32x1024xf32, #tpu.memory_space<vmem>>
      tpu.enqueue_dma source(%dma_start3A_875 : memref<32x1024xf32, #tpu.memory_space<vmem>>) target(%dma_start3A_872 : memref<32x1024xf32, #tpu.memory_space<hbm>>) target_semaphore(%run_scoped3A : memref<!tpu.dma_semaphore, #tpu.memory_space<semaphore_mem>>)
      %dma_wait3A_876 = arith.constant 0 : i32
      %dma_wait3A_877 = arith.constant 0 : i32
      %dma_wait3A_878 = tpu.memref_slice %arg9[%dma_wait3A_876, %dma_wait3A_877] : memref<32x1025xf32, #tpu.memory_space<vmem>> -> memref<32x1024xf32, #tpu.memory_space<vmem>>
      %dma_wait3A_879 = arith.constant 0 : i32
      %dma_wait3A_880 = arith.constant 0 : i32
      %dma_wait3A_881 = tpu.memref_slice %arg5[%add3A_573, %dma_wait3A_879, %dma_wait3A_880] : memref<200x32x1024xf32, #tpu.memory_space<hbm>> -> memref<1x32x1024xf32, #tpu.memory_space<hbm>>
      %dma_wait3A_882 = tpu.memref_squeeze %dma_wait3A_881 : memref<1x32x1024xf32, #tpu.memory_space<hbm>> -> memref<32x1024xf32, #tpu.memory_space<hbm>>
      %dma_wait3A_883 = arith.constant 0 : i32
      %dma_wait3A_884 = arith.constant 0 : i32
      %dma_wait3A_885 = tpu.memref_slice %arg5[%add3A_573, %dma_wait3A_883, %dma_wait3A_884] : memref<200x32x1024xf32, #tpu.memory_space<hbm>> -> memref<1x32x1024xf32, #tpu.memory_space<hbm>>
      %dma_wait3A_886 = tpu.memref_squeeze %dma_wait3A_885 : memref<1x32x1024xf32, #tpu.memory_space<hbm>> -> memref<32x1024xf32, #tpu.memory_space<hbm>>
      %dma_wait3A_887 = arith.constant 0 : i32
      %dma_wait3A_888 = arith.constant 0 : i32
      %dma_wait3A_889 = tpu.memref_slice %arg9[%dma_wait3A_887, %dma_wait3A_888] : memref<32x1025xf32, #tpu.memory_space<vmem>> -> memref<32x1024xf32, #tpu.memory_space<vmem>>
      tpu.wait_dma2 semaphore(%run_scoped3A : memref<!tpu.dma_semaphore, #tpu.memory_space<semaphore_mem>>) src(%dma_wait3A_889 : memref<32x1024xf32, #tpu.memory_space<vmem>>) dst(%dma_wait3A_886 : memref<32x1024xf32, #tpu.memory_space<hbm>>)
      tpu.yield
    }) : () -> ()
    %add3A_716 = arith.constant 160 : i32
    %add3A_717 = arith.addi %add3A, %add3A_716 : i32
    "tpu.region"() ({
      %run_scoped3A = tpu.sem_alloc : memref<!tpu.dma_semaphore, #tpu.memory_space<semaphore_mem>>
      %dma_start3A_862 = arith.constant 0 : i32
      %dma_start3A_863 = tpu.memref_slice %arg2[%add3A_717, %dma_start3A_862] : memref<200x1024xi32, #tpu.memory_space<hbm>> -> memref<1x1024xi32, #tpu.memory_space<hbm>>
      %dma_start3A_864 = tpu.memref_squeeze %dma_start3A_863 : memref<1x1024xi32, #tpu.memory_space<hbm>> -> memref<1024xi32, #tpu.memory_space<hbm>>
      %dma_start3A_865 = arith.constant 0 : i32
      %dma_start3A_866 = tpu.memref_slice %arg2[%add3A_717, %dma_start3A_865] : memref<200x1024xi32, #tpu.memory_space<hbm>> -> memref<1x1024xi32, #tpu.memory_space<hbm>>
      %dma_start3A_867 = tpu.memref_squeeze %dma_start3A_866 : memref<1x1024xi32, #tpu.memory_space<hbm>> -> memref<1024xi32, #tpu.memory_space<hbm>>
      tpu.enqueue_dma source(%dma_start3A_867 : memref<1024xi32, #tpu.memory_space<hbm>>) target(%arg6 : memref<1024xi32, #tpu.memory_space<vmem>>) target_semaphore(%run_scoped3A : memref<!tpu.dma_semaphore, #tpu.memory_space<semaphore_mem>>)
      %dma_wait3A_868 = arith.constant 0 : i32
      %dma_wait3A_869 = tpu.memref_slice %arg2[%add3A_717, %dma_wait3A_868] : memref<200x1024xi32, #tpu.memory_space<hbm>> -> memref<1x1024xi32, #tpu.memory_space<hbm>>
      %dma_wait3A_870 = tpu.memref_squeeze %dma_wait3A_869 : memref<1x1024xi32, #tpu.memory_space<hbm>> -> memref<1024xi32, #tpu.memory_space<hbm>>
      %dma_wait3A_871 = arith.constant 0 : i32
      %dma_wait3A_872 = tpu.memref_slice %arg2[%add3A_717, %dma_wait3A_871] : memref<200x1024xi32, #tpu.memory_space<hbm>> -> memref<1x1024xi32, #tpu.memory_space<hbm>>
      %dma_wait3A_873 = tpu.memref_squeeze %dma_wait3A_872 : memref<1x1024xi32, #tpu.memory_space<hbm>> -> memref<1024xi32, #tpu.memory_space<hbm>>
      tpu.wait_dma2 semaphore(%run_scoped3A : memref<!tpu.dma_semaphore, #tpu.memory_space<semaphore_mem>>) src(%dma_wait3A_873 : memref<1024xi32, #tpu.memory_space<hbm>>) dst(%arg6 : memref<1024xi32, #tpu.memory_space<vmem>>)
      tpu.yield
    }) : () -> ()
    %dma_start3A_718 = arith.constant 0 : i32
    %dma_start3A_719 = arith.constant 0 : i32
    %dma_start3A_720 = tpu.memref_slice %arg8[%dma_start3A_718, %dma_start3A_719] : memref<1024x32xf32, #tpu.memory_space<vmem>> -> memref<128x32xf32, #tpu.memory_space<vmem>>
    %dma_start3A_721 = arith.constant 0 : i32
    %dma_start3A_722 = tpu.memref_slice %arg6[%dma_start3A_721] : memref<1024xi32, #tpu.memory_space<vmem>> -> memref<128xi32, #tpu.memory_space<vmem>>
    %dma_start3A_723 = arith.constant 0 : i32
    %dma_start3A_724 = arith.constant 0 : i32
    %dma_start3A_725 = tpu.memref_slice %arg3[%dma_start3A_723, %dma_start3A_724] : memref<1000000x32xf32, #tpu.memory_space<hbm>> -> memref<1000000x32xf32, #tpu.memory_space<hbm>>
    tpu.enqueue_indirect_dma source(%dma_start3A_725 : memref<1000000x32xf32, #tpu.memory_space<hbm>>) target(%dma_start3A_720 : memref<128x32xf32, #tpu.memory_space<vmem>>) offsets(%dma_start3A_722 : memref<128xi32, #tpu.memory_space<vmem>>) semaphore(%arg10 : memref<!tpu.dma_semaphore, #tpu.memory_space<semaphore_mem>>)
    %dma_start3A_726 = arith.constant 128 : i32
    %dma_start3A_727 = arith.constant 0 : i32
    %dma_start3A_728 = tpu.memref_slice %arg8[%dma_start3A_726, %dma_start3A_727] : memref<1024x32xf32, #tpu.memory_space<vmem>> -> memref<128x32xf32, #tpu.memory_space<vmem>>
    %dma_start3A_729 = arith.constant 128 : i32
    %dma_start3A_730 = tpu.memref_slice %arg6[%dma_start3A_729] : memref<1024xi32, #tpu.memory_space<vmem>> -> memref<128xi32, #tpu.memory_space<vmem>>
    %dma_start3A_731 = arith.constant 0 : i32
    %dma_start3A_732 = arith.constant 0 : i32
    %dma_start3A_733 = tpu.memref_slice %arg3[%dma_start3A_731, %dma_start3A_732] : memref<1000000x32xf32, #tpu.memory_space<hbm>> -> memref<1000000x32xf32, #tpu.memory_space<hbm>>
    tpu.enqueue_indirect_dma source(%dma_start3A_733 : memref<1000000x32xf32, #tpu.memory_space<hbm>>) target(%dma_start3A_728 : memref<128x32xf32, #tpu.memory_space<vmem>>) offsets(%dma_start3A_730 : memref<128xi32, #tpu.memory_space<vmem>>) semaphore(%arg10 : memref<!tpu.dma_semaphore, #tpu.memory_space<semaphore_mem>>)
    %dma_start3A_734 = arith.constant 256 : i32
    %dma_start3A_735 = arith.constant 0 : i32
    %dma_start3A_736 = tpu.memref_slice %arg8[%dma_start3A_734, %dma_start3A_735] : memref<1024x32xf32, #tpu.memory_space<vmem>> -> memref<128x32xf32, #tpu.memory_space<vmem>>
    %dma_start3A_737 = arith.constant 256 : i32
    %dma_start3A_738 = tpu.memref_slice %arg6[%dma_start3A_737] : memref<1024xi32, #tpu.memory_space<vmem>> -> memref<128xi32, #tpu.memory_space<vmem>>
    %dma_start3A_739 = arith.constant 0 : i32
    %dma_start3A_740 = arith.constant 0 : i32
    %dma_start3A_741 = tpu.memref_slice %arg3[%dma_start3A_739, %dma_start3A_740] : memref<1000000x32xf32, #tpu.memory_space<hbm>> -> memref<1000000x32xf32, #tpu.memory_space<hbm>>
    tpu.enqueue_indirect_dma source(%dma_start3A_741 : memref<1000000x32xf32, #tpu.memory_space<hbm>>) target(%dma_start3A_736 : memref<128x32xf32, #tpu.memory_space<vmem>>) offsets(%dma_start3A_738 : memref<128xi32, #tpu.memory_space<vmem>>) semaphore(%arg10 : memref<!tpu.dma_semaphore, #tpu.memory_space<semaphore_mem>>)
    %dma_start3A_742 = arith.constant 384 : i32
    %dma_start3A_743 = arith.constant 0 : i32
    %dma_start3A_744 = tpu.memref_slice %arg8[%dma_start3A_742, %dma_start3A_743] : memref<1024x32xf32, #tpu.memory_space<vmem>> -> memref<128x32xf32, #tpu.memory_space<vmem>>
    %dma_start3A_745 = arith.constant 384 : i32
    %dma_start3A_746 = tpu.memref_slice %arg6[%dma_start3A_745] : memref<1024xi32, #tpu.memory_space<vmem>> -> memref<128xi32, #tpu.memory_space<vmem>>
    %dma_start3A_747 = arith.constant 0 : i32
    %dma_start3A_748 = arith.constant 0 : i32
    %dma_start3A_749 = tpu.memref_slice %arg3[%dma_start3A_747, %dma_start3A_748] : memref<1000000x32xf32, #tpu.memory_space<hbm>> -> memref<1000000x32xf32, #tpu.memory_space<hbm>>
    tpu.enqueue_indirect_dma source(%dma_start3A_749 : memref<1000000x32xf32, #tpu.memory_space<hbm>>) target(%dma_start3A_744 : memref<128x32xf32, #tpu.memory_space<vmem>>) offsets(%dma_start3A_746 : memref<128xi32, #tpu.memory_space<vmem>>) semaphore(%arg10 : memref<!tpu.dma_semaphore, #tpu.memory_space<semaphore_mem>>)
    %dma_start3A_750 = arith.constant 512 : i32
    %dma_start3A_751 = arith.constant 0 : i32
    %dma_start3A_752 = tpu.memref_slice %arg8[%dma_start3A_750, %dma_start3A_751] : memref<1024x32xf32, #tpu.memory_space<vmem>> -> memref<128x32xf32, #tpu.memory_space<vmem>>
    %dma_start3A_753 = arith.constant 512 : i32
    %dma_start3A_754 = tpu.memref_slice %arg6[%dma_start3A_753] : memref<1024xi32, #tpu.memory_space<vmem>> -> memref<128xi32, #tpu.memory_space<vmem>>
    %dma_start3A_755 = arith.constant 0 : i32
    %dma_start3A_756 = arith.constant 0 : i32
    %dma_start3A_757 = tpu.memref_slice %arg3[%dma_start3A_755, %dma_start3A_756] : memref<1000000x32xf32, #tpu.memory_space<hbm>> -> memref<1000000x32xf32, #tpu.memory_space<hbm>>
    tpu.enqueue_indirect_dma source(%dma_start3A_757 : memref<1000000x32xf32, #tpu.memory_space<hbm>>) target(%dma_start3A_752 : memref<128x32xf32, #tpu.memory_space<vmem>>) offsets(%dma_start3A_754 : memref<128xi32, #tpu.memory_space<vmem>>) semaphore(%arg10 : memref<!tpu.dma_semaphore, #tpu.memory_space<semaphore_mem>>)
    %dma_start3A_758 = arith.constant 640 : i32
    %dma_start3A_759 = arith.constant 0 : i32
    %dma_start3A_760 = tpu.memref_slice %arg8[%dma_start3A_758, %dma_start3A_759] : memref<1024x32xf32, #tpu.memory_space<vmem>> -> memref<128x32xf32, #tpu.memory_space<vmem>>
    %dma_start3A_761 = arith.constant 640 : i32
    %dma_start3A_762 = tpu.memref_slice %arg6[%dma_start3A_761] : memref<1024xi32, #tpu.memory_space<vmem>> -> memref<128xi32, #tpu.memory_space<vmem>>
    %dma_start3A_763 = arith.constant 0 : i32
    %dma_start3A_764 = arith.constant 0 : i32
    %dma_start3A_765 = tpu.memref_slice %arg3[%dma_start3A_763, %dma_start3A_764] : memref<1000000x32xf32, #tpu.memory_space<hbm>> -> memref<1000000x32xf32, #tpu.memory_space<hbm>>
    tpu.enqueue_indirect_dma source(%dma_start3A_765 : memref<1000000x32xf32, #tpu.memory_space<hbm>>) target(%dma_start3A_760 : memref<128x32xf32, #tpu.memory_space<vmem>>) offsets(%dma_start3A_762 : memref<128xi32, #tpu.memory_space<vmem>>) semaphore(%arg10 : memref<!tpu.dma_semaphore, #tpu.memory_space<semaphore_mem>>)
    %dma_start3A_766 = arith.constant 768 : i32
    %dma_start3A_767 = arith.constant 0 : i32
    %dma_start3A_768 = tpu.memref_slice %arg8[%dma_start3A_766, %dma_start3A_767] : memref<1024x32xf32, #tpu.memory_space<vmem>> -> memref<128x32xf32, #tpu.memory_space<vmem>>
    %dma_start3A_769 = arith.constant 768 : i32
    %dma_start3A_770 = tpu.memref_slice %arg6[%dma_start3A_769] : memref<1024xi32, #tpu.memory_space<vmem>> -> memref<128xi32, #tpu.memory_space<vmem>>
    %dma_start3A_771 = arith.constant 0 : i32
    %dma_start3A_772 = arith.constant 0 : i32
    %dma_start3A_773 = tpu.memref_slice %arg3[%dma_start3A_771, %dma_start3A_772] : memref<1000000x32xf32, #tpu.memory_space<hbm>> -> memref<1000000x32xf32, #tpu.memory_space<hbm>>
    tpu.enqueue_indirect_dma source(%dma_start3A_773 : memref<1000000x32xf32, #tpu.memory_space<hbm>>) target(%dma_start3A_768 : memref<128x32xf32, #tpu.memory_space<vmem>>) offsets(%dma_start3A_770 : memref<128xi32, #tpu.memory_space<vmem>>) semaphore(%arg10 : memref<!tpu.dma_semaphore, #tpu.memory_space<semaphore_mem>>)
    %dma_start3A_774 = arith.constant 896 : i32
    %dma_start3A_775 = arith.constant 0 : i32
    %dma_start3A_776 = tpu.memref_slice %arg8[%dma_start3A_774, %dma_start3A_775] : memref<1024x32xf32, #tpu.memory_space<vmem>> -> memref<128x32xf32, #tpu.memory_space<vmem>>
    %dma_start3A_777 = arith.constant 896 : i32
    %dma_start3A_778 = tpu.memref_slice %arg6[%dma_start3A_777] : memref<1024xi32, #tpu.memory_space<vmem>> -> memref<128xi32, #tpu.memory_space<vmem>>
    %dma_start3A_779 = arith.constant 0 : i32
    %dma_start3A_780 = arith.constant 0 : i32
    %dma_start3A_781 = tpu.memref_slice %arg3[%dma_start3A_779, %dma_start3A_780] : memref<1000000x32xf32, #tpu.memory_space<hbm>> -> memref<1000000x32xf32, #tpu.memory_space<hbm>>
    tpu.enqueue_indirect_dma source(%dma_start3A_781 : memref<1000000x32xf32, #tpu.memory_space<hbm>>) target(%dma_start3A_776 : memref<128x32xf32, #tpu.memory_space<vmem>>) offsets(%dma_start3A_778 : memref<128xi32, #tpu.memory_space<vmem>>) semaphore(%arg10 : memref<!tpu.dma_semaphore, #tpu.memory_space<semaphore_mem>>)
    %dma_wait3A_782 = arith.constant 0 : i32
    %dma_wait3A_783 = arith.constant 0 : i32
    %dma_wait3A_784 = tpu.memref_slice %arg8[%dma_wait3A_782, %dma_wait3A_783] : memref<1024x32xf32, #tpu.memory_space<vmem>> -> memref<128x32xf32, #tpu.memory_space<vmem>>
    %dma_wait3A_785 = arith.constant 0 : i32
    %dma_wait3A_786 = tpu.memref_slice %arg6[%dma_wait3A_785] : memref<1024xi32, #tpu.memory_space<vmem>> -> memref<128xi32, #tpu.memory_space<vmem>>
    %dma_wait3A_787 = arith.constant 0 : i32
    %dma_wait3A_788 = arith.constant 0 : i32
    %dma_wait3A_789 = tpu.memref_slice %arg3[%dma_wait3A_787, %dma_wait3A_788] : memref<1000000x32xf32, #tpu.memory_space<hbm>> -> memref<1000000x32xf32, #tpu.memory_space<hbm>>
    tpu.wait_indirect_dma semaphore(%arg10 : memref<!tpu.dma_semaphore, #tpu.memory_space<semaphore_mem>>) src(%dma_wait3A_789 : memref<1000000x32xf32, #tpu.memory_space<hbm>>) dst(%dma_wait3A_784 : memref<128x32xf32, #tpu.memory_space<vmem>>)
    %dma_wait3A_790 = arith.constant 128 : i32
    %dma_wait3A_791 = arith.constant 0 : i32
    %dma_wait3A_792 = tpu.memref_slice %arg8[%dma_wait3A_790, %dma_wait3A_791] : memref<1024x32xf32, #tpu.memory_space<vmem>> -> memref<128x32xf32, #tpu.memory_space<vmem>>
    %dma_wait3A_793 = arith.constant 128 : i32
    %dma_wait3A_794 = tpu.memref_slice %arg6[%dma_wait3A_793] : memref<1024xi32, #tpu.memory_space<vmem>> -> memref<128xi32, #tpu.memory_space<vmem>>
    %dma_wait3A_795 = arith.constant 0 : i32
    %dma_wait3A_796 = arith.constant 0 : i32
    %dma_wait3A_797 = tpu.memref_slice %arg3[%dma_wait3A_795, %dma_wait3A_796] : memref<1000000x32xf32, #tpu.memory_space<hbm>> -> memref<1000000x32xf32, #tpu.memory_space<hbm>>
    tpu.wait_indirect_dma semaphore(%arg10 : memref<!tpu.dma_semaphore, #tpu.memory_space<semaphore_mem>>) src(%dma_wait3A_797 : memref<1000000x32xf32, #tpu.memory_space<hbm>>) dst(%dma_wait3A_792 : memref<128x32xf32, #tpu.memory_space<vmem>>)
    %dma_wait3A_798 = arith.constant 256 : i32
    %dma_wait3A_799 = arith.constant 0 : i32
    %dma_wait3A_800 = tpu.memref_slice %arg8[%dma_wait3A_798, %dma_wait3A_799] : memref<1024x32xf32, #tpu.memory_space<vmem>> -> memref<128x32xf32, #tpu.memory_space<vmem>>
    %dma_wait3A_801 = arith.constant 256 : i32
    %dma_wait3A_802 = tpu.memref_slice %arg6[%dma_wait3A_801] : memref<1024xi32, #tpu.memory_space<vmem>> -> memref<128xi32, #tpu.memory_space<vmem>>
    %dma_wait3A_803 = arith.constant 0 : i32
    %dma_wait3A_804 = arith.constant 0 : i32
    %dma_wait3A_805 = tpu.memref_slice %arg3[%dma_wait3A_803, %dma_wait3A_804] : memref<1000000x32xf32, #tpu.memory_space<hbm>> -> memref<1000000x32xf32, #tpu.memory_space<hbm>>
    tpu.wait_indirect_dma semaphore(%arg10 : memref<!tpu.dma_semaphore, #tpu.memory_space<semaphore_mem>>) src(%dma_wait3A_805 : memref<1000000x32xf32, #tpu.memory_space<hbm>>) dst(%dma_wait3A_800 : memref<128x32xf32, #tpu.memory_space<vmem>>)
    %dma_wait3A_806 = arith.constant 384 : i32
    %dma_wait3A_807 = arith.constant 0 : i32
    %dma_wait3A_808 = tpu.memref_slice %arg8[%dma_wait3A_806, %dma_wait3A_807] : memref<1024x32xf32, #tpu.memory_space<vmem>> -> memref<128x32xf32, #tpu.memory_space<vmem>>
    %dma_wait3A_809 = arith.constant 384 : i32
    %dma_wait3A_810 = tpu.memref_slice %arg6[%dma_wait3A_809] : memref<1024xi32, #tpu.memory_space<vmem>> -> memref<128xi32, #tpu.memory_space<vmem>>
    %dma_wait3A_811 = arith.constant 0 : i32
    %dma_wait3A_812 = arith.constant 0 : i32
    %dma_wait3A_813 = tpu.memref_slice %arg3[%dma_wait3A_811, %dma_wait3A_812] : memref<1000000x32xf32, #tpu.memory_space<hbm>> -> memref<1000000x32xf32, #tpu.memory_space<hbm>>
    tpu.wait_indirect_dma semaphore(%arg10 : memref<!tpu.dma_semaphore, #tpu.memory_space<semaphore_mem>>) src(%dma_wait3A_813 : memref<1000000x32xf32, #tpu.memory_space<hbm>>) dst(%dma_wait3A_808 : memref<128x32xf32, #tpu.memory_space<vmem>>)
    %dma_wait3A_814 = arith.constant 512 : i32
    %dma_wait3A_815 = arith.constant 0 : i32
    %dma_wait3A_816 = tpu.memref_slice %arg8[%dma_wait3A_814, %dma_wait3A_815] : memref<1024x32xf32, #tpu.memory_space<vmem>> -> memref<128x32xf32, #tpu.memory_space<vmem>>
    %dma_wait3A_817 = arith.constant 512 : i32
    %dma_wait3A_818 = tpu.memref_slice %arg6[%dma_wait3A_817] : memref<1024xi32, #tpu.memory_space<vmem>> -> memref<128xi32, #tpu.memory_space<vmem>>
    %dma_wait3A_819 = arith.constant 0 : i32
    %dma_wait3A_820 = arith.constant 0 : i32
    %dma_wait3A_821 = tpu.memref_slice %arg3[%dma_wait3A_819, %dma_wait3A_820] : memref<1000000x32xf32, #tpu.memory_space<hbm>> -> memref<1000000x32xf32, #tpu.memory_space<hbm>>
    tpu.wait_indirect_dma semaphore(%arg10 : memref<!tpu.dma_semaphore, #tpu.memory_space<semaphore_mem>>) src(%dma_wait3A_821 : memref<1000000x32xf32, #tpu.memory_space<hbm>>) dst(%dma_wait3A_816 : memref<128x32xf32, #tpu.memory_space<vmem>>)
    %dma_wait3A_822 = arith.constant 640 : i32
    %dma_wait3A_823 = arith.constant 0 : i32
    %dma_wait3A_824 = tpu.memref_slice %arg8[%dma_wait3A_822, %dma_wait3A_823] : memref<1024x32xf32, #tpu.memory_space<vmem>> -> memref<128x32xf32, #tpu.memory_space<vmem>>
    %dma_wait3A_825 = arith.constant 640 : i32
    %dma_wait3A_826 = tpu.memref_slice %arg6[%dma_wait3A_825] : memref<1024xi32, #tpu.memory_space<vmem>> -> memref<128xi32, #tpu.memory_space<vmem>>
    %dma_wait3A_827 = arith.constant 0 : i32
    %dma_wait3A_828 = arith.constant 0 : i32
    %dma_wait3A_829 = tpu.memref_slice %arg3[%dma_wait3A_827, %dma_wait3A_828] : memref<1000000x32xf32, #tpu.memory_space<hbm>> -> memref<1000000x32xf32, #tpu.memory_space<hbm>>
    tpu.wait_indirect_dma semaphore(%arg10 : memref<!tpu.dma_semaphore, #tpu.memory_space<semaphore_mem>>) src(%dma_wait3A_829 : memref<1000000x32xf32, #tpu.memory_space<hbm>>) dst(%dma_wait3A_824 : memref<128x32xf32, #tpu.memory_space<vmem>>)
    %dma_wait3A_830 = arith.constant 768 : i32
    %dma_wait3A_831 = arith.constant 0 : i32
    %dma_wait3A_832 = tpu.memref_slice %arg8[%dma_wait3A_830, %dma_wait3A_831] : memref<1024x32xf32, #tpu.memory_space<vmem>> -> memref<128x32xf32, #tpu.memory_space<vmem>>
    %dma_wait3A_833 = arith.constant 768 : i32
    %dma_wait3A_834 = tpu.memref_slice %arg6[%dma_wait3A_833] : memref<1024xi32, #tpu.memory_space<vmem>> -> memref<128xi32, #tpu.memory_space<vmem>>
    %dma_wait3A_835 = arith.constant 0 : i32
    %dma_wait3A_836 = arith.constant 0 : i32
    %dma_wait3A_837 = tpu.memref_slice %arg3[%dma_wait3A_835, %dma_wait3A_836] : memref<1000000x32xf32, #tpu.memory_space<hbm>> -> memref<1000000x32xf32, #tpu.memory_space<hbm>>
    tpu.wait_indirect_dma semaphore(%arg10 : memref<!tpu.dma_semaphore, #tpu.memory_space<semaphore_mem>>) src(%dma_wait3A_837 : memref<1000000x32xf32, #tpu.memory_space<hbm>>) dst(%dma_wait3A_832 : memref<128x32xf32, #tpu.memory_space<vmem>>)
    %dma_wait3A_838 = arith.constant 896 : i32
    %dma_wait3A_839 = arith.constant 0 : i32
    %dma_wait3A_840 = tpu.memref_slice %arg8[%dma_wait3A_838, %dma_wait3A_839] : memref<1024x32xf32, #tpu.memory_space<vmem>> -> memref<128x32xf32, #tpu.memory_space<vmem>>
    %dma_wait3A_841 = arith.constant 896 : i32
    %dma_wait3A_842 = tpu.memref_slice %arg6[%dma_wait3A_841] : memref<1024xi32, #tpu.memory_space<vmem>> -> memref<128xi32, #tpu.memory_space<vmem>>
    %dma_wait3A_843 = arith.constant 0 : i32
    %dma_wait3A_844 = arith.constant 0 : i32
    %dma_wait3A_845 = tpu.memref_slice %arg3[%dma_wait3A_843, %dma_wait3A_844] : memref<1000000x32xf32, #tpu.memory_space<hbm>> -> memref<1000000x32xf32, #tpu.memory_space<hbm>>
    tpu.wait_indirect_dma semaphore(%arg10 : memref<!tpu.dma_semaphore, #tpu.memory_space<semaphore_mem>>) src(%dma_wait3A_845 : memref<1000000x32xf32, #tpu.memory_space<hbm>>) dst(%dma_wait3A_840 : memref<128x32xf32, #tpu.memory_space<vmem>>)
    %broadcast_in_dim3A_846 = vector.broadcast %add3A_717 : i32 to vector<16xi32>
    %gather3A_847 = tpu.vector_load_idx %arg7[%iota3A, %broadcast_in_dim3A_846] : memref<32x200xf32, #tpu.memory_space<vmem>>[vector<16xi32>, vector<16xi32>], vector<16xf32>,
    %add3A_848 = arith.constant 16 : i32
    %add3A_849 = vector.broadcast %add3A_848 : i32 to vector<16xi32>
    %add3A_850 = arith.addi %iota3A, %add3A_849 : vector<16xi32>
    %broadcast_in_dim3A_851 = vector.broadcast %add3A_717 : i32 to vector<16xi32>
    %gather3A_852 = tpu.vector_load_idx %arg7[%add3A_850, %broadcast_in_dim3A_851] : memref<32x200xf32, #tpu.memory_space<vmem>>[vector<16xi32>, vector<16xi32>], vector<16xf32>,
    %scan3A_853 = arith.constant 0 : i32
    %scan3A_854 = arith.constant 0 : i32
    %scan3A_855 = arith.constant 1024 : i32
    %scan3A_856 = arith.addi %scan3A_854, %scan3A_855 : i32
    %scan3A_857 = arith.constant 1 : i32
    %scan3A_858 = scf.for %scan3A_862 = %scan3A_854 to %scan3A_856 step %scan3A_857 iter_args(%scan3A_863 = %scan3A_853) -> (i32)  : i32 {
      %get3A = arith.index_cast %scan3A_862 : i32 to index
      %get3A_864 = arith.constant 0 : index
      %get3A_865 = tpu.vector_load %arg8[%get3A, %get3A_864] {strides = array<i32>} : memref<1024x32xf32, #tpu.memory_space<vmem>>, vector<16xf32>,
      %add3A_866 = arith.addf %get3A_865, %gather3A_847 : vector<16xf32>
      %get3A_867 = arith.index_cast %scan3A_862 : i32 to index
      %get3A_868 = arith.constant 16 : index
      %get3A_869 = tpu.vector_load %arg8[%get3A_867, %get3A_868] {strides = array<i32>} : memref<1024x32xf32, #tpu.memory_space<vmem>>, vector<16xf32>,
      %add3A_870 = arith.addf %get3A_869, %gather3A_852 : vector<16xf32>
      %broadcast_in_dim3A_871 = vector.broadcast %scan3A_862 : i32 to vector<16xi32>
      tpu.vector_store_idx %arg9[%iota3A, %broadcast_in_dim3A_871], %add3A_866 : memref<32x1025xf32, #tpu.memory_space<vmem>>[vector<16xi32>, vector<16xi32>], vector<16xf32>,
      %add3A_872 = arith.constant 16 : i32
      %add3A_873 = vector.broadcast %add3A_872 : i32 to vector<16xi32>
      %add3A_874 = arith.addi %iota3A, %add3A_873 : vector<16xi32>
      tpu.vector_store_idx %arg9[%add3A_874, %broadcast_in_dim3A_871], %add3A_870 : memref<32x1025xf32, #tpu.memory_space<vmem>>[vector<16xi32>, vector<16xi32>], vector<16xf32>,
      %scan3A_875 = arith.constant 0 : i32
      scf.yield %scan3A_875 : i32
    }
    %scan3A_859 = arith.constant 1024 : i32
    "tpu.region"() ({
      %run_scoped3A = tpu.sem_alloc : memref<!tpu.dma_semaphore, #tpu.memory_space<semaphore_mem>>
      %dma_start3A_862 = arith.constant 0 : i32
      %dma_start3A_863 = arith.constant 0 : i32
      %dma_start3A_864 = tpu.memref_slice %arg9[%dma_start3A_862, %dma_start3A_863] : memref<32x1025xf32, #tpu.memory_space<vmem>> -> memref<32x1024xf32, #tpu.memory_space<vmem>>
      %dma_start3A_865 = arith.constant 0 : i32
      %dma_start3A_866 = arith.constant 0 : i32
      %dma_start3A_867 = tpu.memref_slice %arg5[%add3A_717, %dma_start3A_865, %dma_start3A_866] : memref<200x32x1024xf32, #tpu.memory_space<hbm>> -> memref<1x32x1024xf32, #tpu.memory_space<hbm>>
      %dma_start3A_868 = tpu.memref_squeeze %dma_start3A_867 : memref<1x32x1024xf32, #tpu.memory_space<hbm>> -> memref<32x1024xf32, #tpu.memory_space<hbm>>
      %dma_start3A_869 = arith.constant 0 : i32
      %dma_start3A_870 = arith.constant 0 : i32
      %dma_start3A_871 = tpu.memref_slice %arg5[%add3A_717, %dma_start3A_869, %dma_start3A_870] : memref<200x32x1024xf32, #tpu.memory_space<hbm>> -> memref<1x32x1024xf32, #tpu.memory_space<hbm>>
      %dma_start3A_872 = tpu.memref_squeeze %dma_start3A_871 : memref<1x32x1024xf32, #tpu.memory_space<hbm>> -> memref<32x1024xf32, #tpu.memory_space<hbm>>
      %dma_start3A_873 = arith.constant 0 : i32
      %dma_start3A_874 = arith.constant 0 : i32
      %dma_start3A_875 = tpu.memref_slice %arg9[%dma_start3A_873, %dma_start3A_874] : memref<32x1025xf32, #tpu.memory_space<vmem>> -> memref<32x1024xf32, #tpu.memory_space<vmem>>
      tpu.enqueue_dma source(%dma_start3A_875 : memref<32x1024xf32, #tpu.memory_space<vmem>>) target(%dma_start3A_872 : memref<32x1024xf32, #tpu.memory_space<hbm>>) target_semaphore(%run_scoped3A : memref<!tpu.dma_semaphore, #tpu.memory_space<semaphore_mem>>)
      %dma_wait3A_876 = arith.constant 0 : i32
      %dma_wait3A_877 = arith.constant 0 : i32
      %dma_wait3A_878 = tpu.memref_slice %arg9[%dma_wait3A_876, %dma_wait3A_877] : memref<32x1025xf32, #tpu.memory_space<vmem>> -> memref<32x1024xf32, #tpu.memory_space<vmem>>
      %dma_wait3A_879 = arith.constant 0 : i32
      %dma_wait3A_880 = arith.constant 0 : i32
      %dma_wait3A_881 = tpu.memref_slice %arg5[%add3A_717, %dma_wait3A_879, %dma_wait3A_880] : memref<200x32x1024xf32, #tpu.memory_space<hbm>> -> memref<1x32x1024xf32, #tpu.memory_space<hbm>>
      %dma_wait3A_882 = tpu.memref_squeeze %dma_wait3A_881 : memref<1x32x1024xf32, #tpu.memory_space<hbm>> -> memref<32x1024xf32, #tpu.memory_space<hbm>>
      %dma_wait3A_883 = arith.constant 0 : i32
      %dma_wait3A_884 = arith.constant 0 : i32
      %dma_wait3A_885 = tpu.memref_slice %arg5[%add3A_717, %dma_wait3A_883, %dma_wait3A_884] : memref<200x32x1024xf32, #tpu.memory_space<hbm>> -> memref<1x32x1024xf32, #tpu.memory_space<hbm>>
      %dma_wait3A_886 = tpu.memref_squeeze %dma_wait3A_885 : memref<1x32x1024xf32, #tpu.memory_space<hbm>> -> memref<32x1024xf32, #tpu.memory_space<hbm>>
      %dma_wait3A_887 = arith.constant 0 : i32
      %dma_wait3A_888 = arith.constant 0 : i32
      %dma_wait3A_889 = tpu.memref_slice %arg9[%dma_wait3A_887, %dma_wait3A_888] : memref<32x1025xf32, #tpu.memory_space<vmem>> -> memref<32x1024xf32, #tpu.memory_space<vmem>>
      tpu.wait_dma2 semaphore(%run_scoped3A : memref<!tpu.dma_semaphore, #tpu.memory_space<semaphore_mem>>) src(%dma_wait3A_889 : memref<32x1024xf32, #tpu.memory_space<vmem>>) dst(%dma_wait3A_886 : memref<32x1024xf32, #tpu.memory_space<hbm>>)
      tpu.yield
    }) : () -> ()
    %lt3A = arith.constant 8 : i32
    %lt3A_860 = arith.cmpi slt, %add3A, %lt3A : i32
    %convert_element_type3A = arith.extui %lt3A_860 : i1 to i32
    %cond3A = arith.constant 0 : i32
    %cond3A_861 = arith.cmpi ne, %convert_element_type3A, %cond3A : i32
    scf.if %cond3A_861 {
      %add3A_862 = arith.constant 192 : i32
      %add3A_863 = arith.addi %add3A, %add3A_862 : i32
      "tpu.region"() ({
        %run_scoped3A = tpu.sem_alloc : memref<!tpu.dma_semaphore, #tpu.memory_space<semaphore_mem>>
        %dma_start3A_1006 = arith.constant 0 : i32
        %dma_start3A_1007 = tpu.memref_slice %arg2[%add3A_863, %dma_start3A_1006] : memref<200x1024xi32, #tpu.memory_space<hbm>> -> memref<1x1024xi32, #tpu.memory_space<hbm>>
        %dma_start3A_1008 = tpu.memref_squeeze %dma_start3A_1007 : memref<1x1024xi32, #tpu.memory_space<hbm>> -> memref<1024xi32, #tpu.memory_space<hbm>>
        %dma_start3A_1009 = arith.constant 0 : i32
        %dma_start3A_1010 = tpu.memref_slice %arg2[%add3A_863, %dma_start3A_1009] : memref<200x1024xi32, #tpu.memory_space<hbm>> -> memref<1x1024xi32, #tpu.memory_space<hbm>>
        %dma_start3A_1011 = tpu.memref_squeeze %dma_start3A_1010 : memref<1x1024xi32, #tpu.memory_space<hbm>> -> memref<1024xi32, #tpu.memory_space<hbm>>
        tpu.enqueue_dma source(%dma_start3A_1011 : memref<1024xi32, #tpu.memory_space<hbm>>) target(%arg6 : memref<1024xi32, #tpu.memory_space<vmem>>) target_semaphore(%run_scoped3A : memref<!tpu.dma_semaphore, #tpu.memory_space<semaphore_mem>>)
        %dma_wait3A_1012 = arith.constant 0 : i32
        %dma_wait3A_1013 = tpu.memref_slice %arg2[%add3A_863, %dma_wait3A_1012] : memref<200x1024xi32, #tpu.memory_space<hbm>> -> memref<1x1024xi32, #tpu.memory_space<hbm>>
        %dma_wait3A_1014 = tpu.memref_squeeze %dma_wait3A_1013 : memref<1x1024xi32, #tpu.memory_space<hbm>> -> memref<1024xi32, #tpu.memory_space<hbm>>
        %dma_wait3A_1015 = arith.constant 0 : i32
        %dma_wait3A_1016 = tpu.memref_slice %arg2[%add3A_863, %dma_wait3A_1015] : memref<200x1024xi32, #tpu.memory_space<hbm>> -> memref<1x1024xi32, #tpu.memory_space<hbm>>
        %dma_wait3A_1017 = tpu.memref_squeeze %dma_wait3A_1016 : memref<1x1024xi32, #tpu.memory_space<hbm>> -> memref<1024xi32, #tpu.memory_space<hbm>>
        tpu.wait_dma2 semaphore(%run_scoped3A : memref<!tpu.dma_semaphore, #tpu.memory_space<semaphore_mem>>) src(%dma_wait3A_1017 : memref<1024xi32, #tpu.memory_space<hbm>>) dst(%arg6 : memref<1024xi32, #tpu.memory_space<vmem>>)
        tpu.yield
      }) : () -> ()
      %dma_start3A_864 = arith.constant 0 : i32
      %dma_start3A_865 = arith.constant 0 : i32
      %dma_start3A_866 = tpu.memref_slice %arg8[%dma_start3A_864, %dma_start3A_865] : memref<1024x32xf32, #tpu.memory_space<vmem>> -> memref<128x32xf32, #tpu.memory_space<vmem>>
      %dma_start3A_867 = arith.constant 0 : i32
      %dma_start3A_868 = tpu.memref_slice %arg6[%dma_start3A_867] : memref<1024xi32, #tpu.memory_space<vmem>> -> memref<128xi32, #tpu.memory_space<vmem>>
      %dma_start3A_869 = arith.constant 0 : i32
      %dma_start3A_870 = arith.constant 0 : i32
      %dma_start3A_871 = tpu.memref_slice %arg3[%dma_start3A_869, %dma_start3A_870] : memref<1000000x32xf32, #tpu.memory_space<hbm>> -> memref<1000000x32xf32, #tpu.memory_space<hbm>>
      tpu.enqueue_indirect_dma source(%dma_start3A_871 : memref<1000000x32xf32, #tpu.memory_space<hbm>>) target(%dma_start3A_866 : memref<128x32xf32, #tpu.memory_space<vmem>>) offsets(%dma_start3A_868 : memref<128xi32, #tpu.memory_space<vmem>>) semaphore(%arg10 : memref<!tpu.dma_semaphore, #tpu.memory_space<semaphore_mem>>)
      %dma_start3A_872 = arith.constant 128 : i32
      %dma_start3A_873 = arith.constant 0 : i32
      %dma_start3A_874 = tpu.memref_slice %arg8[%dma_start3A_872, %dma_start3A_873] : memref<1024x32xf32, #tpu.memory_space<vmem>> -> memref<128x32xf32, #tpu.memory_space<vmem>>
      %dma_start3A_875 = arith.constant 128 : i32
      %dma_start3A_876 = tpu.memref_slice %arg6[%dma_start3A_875] : memref<1024xi32, #tpu.memory_space<vmem>> -> memref<128xi32, #tpu.memory_space<vmem>>
      %dma_start3A_877 = arith.constant 0 : i32
      %dma_start3A_878 = arith.constant 0 : i32
      %dma_start3A_879 = tpu.memref_slice %arg3[%dma_start3A_877, %dma_start3A_878] : memref<1000000x32xf32, #tpu.memory_space<hbm>> -> memref<1000000x32xf32, #tpu.memory_space<hbm>>
      tpu.enqueue_indirect_dma source(%dma_start3A_879 : memref<1000000x32xf32, #tpu.memory_space<hbm>>) target(%dma_start3A_874 : memref<128x32xf32, #tpu.memory_space<vmem>>) offsets(%dma_start3A_876 : memref<128xi32, #tpu.memory_space<vmem>>) semaphore(%arg10 : memref<!tpu.dma_semaphore, #tpu.memory_space<semaphore_mem>>)
      %dma_start3A_880 = arith.constant 256 : i32
      %dma_start3A_881 = arith.constant 0 : i32
      %dma_start3A_882 = tpu.memref_slice %arg8[%dma_start3A_880, %dma_start3A_881] : memref<1024x32xf32, #tpu.memory_space<vmem>> -> memref<128x32xf32, #tpu.memory_space<vmem>>
      %dma_start3A_883 = arith.constant 256 : i32
      %dma_start3A_884 = tpu.memref_slice %arg6[%dma_start3A_883] : memref<1024xi32, #tpu.memory_space<vmem>> -> memref<128xi32, #tpu.memory_space<vmem>>
      %dma_start3A_885 = arith.constant 0 : i32
      %dma_start3A_886 = arith.constant 0 : i32
      %dma_start3A_887 = tpu.memref_slice %arg3[%dma_start3A_885, %dma_start3A_886] : memref<1000000x32xf32, #tpu.memory_space<hbm>> -> memref<1000000x32xf32, #tpu.memory_space<hbm>>
      tpu.enqueue_indirect_dma source(%dma_start3A_887 : memref<1000000x32xf32, #tpu.memory_space<hbm>>) target(%dma_start3A_882 : memref<128x32xf32, #tpu.memory_space<vmem>>) offsets(%dma_start3A_884 : memref<128xi32, #tpu.memory_space<vmem>>) semaphore(%arg10 : memref<!tpu.dma_semaphore, #tpu.memory_space<semaphore_mem>>)
      %dma_start3A_888 = arith.constant 384 : i32
      %dma_start3A_889 = arith.constant 0 : i32
      %dma_start3A_890 = tpu.memref_slice %arg8[%dma_start3A_888, %dma_start3A_889] : memref<1024x32xf32, #tpu.memory_space<vmem>> -> memref<128x32xf32, #tpu.memory_space<vmem>>
      %dma_start3A_891 = arith.constant 384 : i32
      %dma_start3A_892 = tpu.memref_slice %arg6[%dma_start3A_891] : memref<1024xi32, #tpu.memory_space<vmem>> -> memref<128xi32, #tpu.memory_space<vmem>>
      %dma_start3A_893 = arith.constant 0 : i32
      %dma_start3A_894 = arith.constant 0 : i32
      %dma_start3A_895 = tpu.memref_slice %arg3[%dma_start3A_893, %dma_start3A_894] : memref<1000000x32xf32, #tpu.memory_space<hbm>> -> memref<1000000x32xf32, #tpu.memory_space<hbm>>
      tpu.enqueue_indirect_dma source(%dma_start3A_895 : memref<1000000x32xf32, #tpu.memory_space<hbm>>) target(%dma_start3A_890 : memref<128x32xf32, #tpu.memory_space<vmem>>) offsets(%dma_start3A_892 : memref<128xi32, #tpu.memory_space<vmem>>) semaphore(%arg10 : memref<!tpu.dma_semaphore, #tpu.memory_space<semaphore_mem>>)
      %dma_start3A_896 = arith.constant 512 : i32
      %dma_start3A_897 = arith.constant 0 : i32
      %dma_start3A_898 = tpu.memref_slice %arg8[%dma_start3A_896, %dma_start3A_897] : memref<1024x32xf32, #tpu.memory_space<vmem>> -> memref<128x32xf32, #tpu.memory_space<vmem>>
      %dma_start3A_899 = arith.constant 512 : i32
      %dma_start3A_900 = tpu.memref_slice %arg6[%dma_start3A_899] : memref<1024xi32, #tpu.memory_space<vmem>> -> memref<128xi32, #tpu.memory_space<vmem>>
      %dma_start3A_901 = arith.constant 0 : i32
      %dma_start3A_902 = arith.constant 0 : i32
      %dma_start3A_903 = tpu.memref_slice %arg3[%dma_start3A_901, %dma_start3A_902] : memref<1000000x32xf32, #tpu.memory_space<hbm>> -> memref<1000000x32xf32, #tpu.memory_space<hbm>>
      tpu.enqueue_indirect_dma source(%dma_start3A_903 : memref<1000000x32xf32, #tpu.memory_space<hbm>>) target(%dma_start3A_898 : memref<128x32xf32, #tpu.memory_space<vmem>>) offsets(%dma_start3A_900 : memref<128xi32, #tpu.memory_space<vmem>>) semaphore(%arg10 : memref<!tpu.dma_semaphore, #tpu.memory_space<semaphore_mem>>)
      %dma_start3A_904 = arith.constant 640 : i32
      %dma_start3A_905 = arith.constant 0 : i32
      %dma_start3A_906 = tpu.memref_slice %arg8[%dma_start3A_904, %dma_start3A_905] : memref<1024x32xf32, #tpu.memory_space<vmem>> -> memref<128x32xf32, #tpu.memory_space<vmem>>
      %dma_start3A_907 = arith.constant 640 : i32
      %dma_start3A_908 = tpu.memref_slice %arg6[%dma_start3A_907] : memref<1024xi32, #tpu.memory_space<vmem>> -> memref<128xi32, #tpu.memory_space<vmem>>
      %dma_start3A_909 = arith.constant 0 : i32
      %dma_start3A_910 = arith.constant 0 : i32
      %dma_start3A_911 = tpu.memref_slice %arg3[%dma_start3A_909, %dma_start3A_910] : memref<1000000x32xf32, #tpu.memory_space<hbm>> -> memref<1000000x32xf32, #tpu.memory_space<hbm>>
      tpu.enqueue_indirect_dma source(%dma_start3A_911 : memref<1000000x32xf32, #tpu.memory_space<hbm>>) target(%dma_start3A_906 : memref<128x32xf32, #tpu.memory_space<vmem>>) offsets(%dma_start3A_908 : memref<128xi32, #tpu.memory_space<vmem>>) semaphore(%arg10 : memref<!tpu.dma_semaphore, #tpu.memory_space<semaphore_mem>>)
      %dma_start3A_912 = arith.constant 768 : i32
      %dma_start3A_913 = arith.constant 0 : i32
      %dma_start3A_914 = tpu.memref_slice %arg8[%dma_start3A_912, %dma_start3A_913] : memref<1024x32xf32, #tpu.memory_space<vmem>> -> memref<128x32xf32, #tpu.memory_space<vmem>>
      %dma_start3A_915 = arith.constant 768 : i32
      %dma_start3A_916 = tpu.memref_slice %arg6[%dma_start3A_915] : memref<1024xi32, #tpu.memory_space<vmem>> -> memref<128xi32, #tpu.memory_space<vmem>>
      %dma_start3A_917 = arith.constant 0 : i32
      %dma_start3A_918 = arith.constant 0 : i32
      %dma_start3A_919 = tpu.memref_slice %arg3[%dma_start3A_917, %dma_start3A_918] : memref<1000000x32xf32, #tpu.memory_space<hbm>> -> memref<1000000x32xf32, #tpu.memory_space<hbm>>
      tpu.enqueue_indirect_dma source(%dma_start3A_919 : memref<1000000x32xf32, #tpu.memory_space<hbm>>) target(%dma_start3A_914 : memref<128x32xf32, #tpu.memory_space<vmem>>) offsets(%dma_start3A_916 : memref<128xi32, #tpu.memory_space<vmem>>) semaphore(%arg10 : memref<!tpu.dma_semaphore, #tpu.memory_space<semaphore_mem>>)
      %dma_start3A_920 = arith.constant 896 : i32
      %dma_start3A_921 = arith.constant 0 : i32
      %dma_start3A_922 = tpu.memref_slice %arg8[%dma_start3A_920, %dma_start3A_921] : memref<1024x32xf32, #tpu.memory_space<vmem>> -> memref<128x32xf32, #tpu.memory_space<vmem>>
      %dma_start3A_923 = arith.constant 896 : i32
      %dma_start3A_924 = tpu.memref_slice %arg6[%dma_start3A_923] : memref<1024xi32, #tpu.memory_space<vmem>> -> memref<128xi32, #tpu.memory_space<vmem>>
      %dma_start3A_925 = arith.constant 0 : i32
      %dma_start3A_926 = arith.constant 0 : i32
      %dma_start3A_927 = tpu.memref_slice %arg3[%dma_start3A_925, %dma_start3A_926] : memref<1000000x32xf32, #tpu.memory_space<hbm>> -> memref<1000000x32xf32, #tpu.memory_space<hbm>>
      tpu.enqueue_indirect_dma source(%dma_start3A_927 : memref<1000000x32xf32, #tpu.memory_space<hbm>>) target(%dma_start3A_922 : memref<128x32xf32, #tpu.memory_space<vmem>>) offsets(%dma_start3A_924 : memref<128xi32, #tpu.memory_space<vmem>>) semaphore(%arg10 : memref<!tpu.dma_semaphore, #tpu.memory_space<semaphore_mem>>)
      %dma_wait3A_928 = arith.constant 0 : i32
      %dma_wait3A_929 = arith.constant 0 : i32
      %dma_wait3A_930 = tpu.memref_slice %arg8[%dma_wait3A_928, %dma_wait3A_929] : memref<1024x32xf32, #tpu.memory_space<vmem>> -> memref<128x32xf32, #tpu.memory_space<vmem>>
      %dma_wait3A_931 = arith.constant 0 : i32
      %dma_wait3A_932 = tpu.memref_slice %arg6[%dma_wait3A_931] : memref<1024xi32, #tpu.memory_space<vmem>> -> memref<128xi32, #tpu.memory_space<vmem>>
      %dma_wait3A_933 = arith.constant 0 : i32
      %dma_wait3A_934 = arith.constant 0 : i32
      %dma_wait3A_935 = tpu.memref_slice %arg3[%dma_wait3A_933, %dma_wait3A_934] : memref<1000000x32xf32, #tpu.memory_space<hbm>> -> memref<1000000x32xf32, #tpu.memory_space<hbm>>
      tpu.wait_indirect_dma semaphore(%arg10 : memref<!tpu.dma_semaphore, #tpu.memory_space<semaphore_mem>>) src(%dma_wait3A_935 : memref<1000000x32xf32, #tpu.memory_space<hbm>>) dst(%dma_wait3A_930 : memref<128x32xf32, #tpu.memory_space<vmem>>)
      %dma_wait3A_936 = arith.constant 128 : i32
      %dma_wait3A_937 = arith.constant 0 : i32
      %dma_wait3A_938 = tpu.memref_slice %arg8[%dma_wait3A_936, %dma_wait3A_937] : memref<1024x32xf32, #tpu.memory_space<vmem>> -> memref<128x32xf32, #tpu.memory_space<vmem>>
      %dma_wait3A_939 = arith.constant 128 : i32
      %dma_wait3A_940 = tpu.memref_slice %arg6[%dma_wait3A_939] : memref<1024xi32, #tpu.memory_space<vmem>> -> memref<128xi32, #tpu.memory_space<vmem>>
      %dma_wait3A_941 = arith.constant 0 : i32
      %dma_wait3A_942 = arith.constant 0 : i32
      %dma_wait3A_943 = tpu.memref_slice %arg3[%dma_wait3A_941, %dma_wait3A_942] : memref<1000000x32xf32, #tpu.memory_space<hbm>> -> memref<1000000x32xf32, #tpu.memory_space<hbm>>
      tpu.wait_indirect_dma semaphore(%arg10 : memref<!tpu.dma_semaphore, #tpu.memory_space<semaphore_mem>>) src(%dma_wait3A_943 : memref<1000000x32xf32, #tpu.memory_space<hbm>>) dst(%dma_wait3A_938 : memref<128x32xf32, #tpu.memory_space<vmem>>)
      %dma_wait3A_944 = arith.constant 256 : i32
      %dma_wait3A_945 = arith.constant 0 : i32
      %dma_wait3A_946 = tpu.memref_slice %arg8[%dma_wait3A_944, %dma_wait3A_945] : memref<1024x32xf32, #tpu.memory_space<vmem>> -> memref<128x32xf32, #tpu.memory_space<vmem>>
      %dma_wait3A_947 = arith.constant 256 : i32
      %dma_wait3A_948 = tpu.memref_slice %arg6[%dma_wait3A_947] : memref<1024xi32, #tpu.memory_space<vmem>> -> memref<128xi32, #tpu.memory_space<vmem>>
      %dma_wait3A_949 = arith.constant 0 : i32
      %dma_wait3A_950 = arith.constant 0 : i32
      %dma_wait3A_951 = tpu.memref_slice %arg3[%dma_wait3A_949, %dma_wait3A_950] : memref<1000000x32xf32, #tpu.memory_space<hbm>> -> memref<1000000x32xf32, #tpu.memory_space<hbm>>
      tpu.wait_indirect_dma semaphore(%arg10 : memref<!tpu.dma_semaphore, #tpu.memory_space<semaphore_mem>>) src(%dma_wait3A_951 : memref<1000000x32xf32, #tpu.memory_space<hbm>>) dst(%dma_wait3A_946 : memref<128x32xf32, #tpu.memory_space<vmem>>)
      %dma_wait3A_952 = arith.constant 384 : i32
      %dma_wait3A_953 = arith.constant 0 : i32
      %dma_wait3A_954 = tpu.memref_slice %arg8[%dma_wait3A_952, %dma_wait3A_953] : memref<1024x32xf32, #tpu.memory_space<vmem>> -> memref<128x32xf32, #tpu.memory_space<vmem>>
      %dma_wait3A_955 = arith.constant 384 : i32
      %dma_wait3A_956 = tpu.memref_slice %arg6[%dma_wait3A_955] : memref<1024xi32, #tpu.memory_space<vmem>> -> memref<128xi32, #tpu.memory_space<vmem>>
      %dma_wait3A_957 = arith.constant 0 : i32
      %dma_wait3A_958 = arith.constant 0 : i32
      %dma_wait3A_959 = tpu.memref_slice %arg3[%dma_wait3A_957, %dma_wait3A_958] : memref<1000000x32xf32, #tpu.memory_space<hbm>> -> memref<1000000x32xf32, #tpu.memory_space<hbm>>
      tpu.wait_indirect_dma semaphore(%arg10 : memref<!tpu.dma_semaphore, #tpu.memory_space<semaphore_mem>>) src(%dma_wait3A_959 : memref<1000000x32xf32, #tpu.memory_space<hbm>>) dst(%dma_wait3A_954 : memref<128x32xf32, #tpu.memory_space<vmem>>)
      %dma_wait3A_960 = arith.constant 512 : i32
      %dma_wait3A_961 = arith.constant 0 : i32
      %dma_wait3A_962 = tpu.memref_slice %arg8[%dma_wait3A_960, %dma_wait3A_961] : memref<1024x32xf32, #tpu.memory_space<vmem>> -> memref<128x32xf32, #tpu.memory_space<vmem>>
      %dma_wait3A_963 = arith.constant 512 : i32
      %dma_wait3A_964 = tpu.memref_slice %arg6[%dma_wait3A_963] : memref<1024xi32, #tpu.memory_space<vmem>> -> memref<128xi32, #tpu.memory_space<vmem>>
      %dma_wait3A_965 = arith.constant 0 : i32
      %dma_wait3A_966 = arith.constant 0 : i32
      %dma_wait3A_967 = tpu.memref_slice %arg3[%dma_wait3A_965, %dma_wait3A_966] : memref<1000000x32xf32, #tpu.memory_space<hbm>> -> memref<1000000x32xf32, #tpu.memory_space<hbm>>
      tpu.wait_indirect_dma semaphore(%arg10 : memref<!tpu.dma_semaphore, #tpu.memory_space<semaphore_mem>>) src(%dma_wait3A_967 : memref<1000000x32xf32, #tpu.memory_space<hbm>>) dst(%dma_wait3A_962 : memref<128x32xf32, #tpu.memory_space<vmem>>)
      %dma_wait3A_968 = arith.constant 640 : i32
      %dma_wait3A_969 = arith.constant 0 : i32
      %dma_wait3A_970 = tpu.memref_slice %arg8[%dma_wait3A_968, %dma_wait3A_969] : memref<1024x32xf32, #tpu.memory_space<vmem>> -> memref<128x32xf32, #tpu.memory_space<vmem>>
      %dma_wait3A_971 = arith.constant 640 : i32
      %dma_wait3A_972 = tpu.memref_slice %arg6[%dma_wait3A_971] : memref<1024xi32, #tpu.memory_space<vmem>> -> memref<128xi32, #tpu.memory_space<vmem>>
      %dma_wait3A_973 = arith.constant 0 : i32
      %dma_wait3A_974 = arith.constant 0 : i32
      %dma_wait3A_975 = tpu.memref_slice %arg3[%dma_wait3A_973, %dma_wait3A_974] : memref<1000000x32xf32, #tpu.memory_space<hbm>> -> memref<1000000x32xf32, #tpu.memory_space<hbm>>
      tpu.wait_indirect_dma semaphore(%arg10 : memref<!tpu.dma_semaphore, #tpu.memory_space<semaphore_mem>>) src(%dma_wait3A_975 : memref<1000000x32xf32, #tpu.memory_space<hbm>>) dst(%dma_wait3A_970 : memref<128x32xf32, #tpu.memory_space<vmem>>)
      %dma_wait3A_976 = arith.constant 768 : i32
      %dma_wait3A_977 = arith.constant 0 : i32
      %dma_wait3A_978 = tpu.memref_slice %arg8[%dma_wait3A_976, %dma_wait3A_977] : memref<1024x32xf32, #tpu.memory_space<vmem>> -> memref<128x32xf32, #tpu.memory_space<vmem>>
      %dma_wait3A_979 = arith.constant 768 : i32
      %dma_wait3A_980 = tpu.memref_slice %arg6[%dma_wait3A_979] : memref<1024xi32, #tpu.memory_space<vmem>> -> memref<128xi32, #tpu.memory_space<vmem>>
      %dma_wait3A_981 = arith.constant 0 : i32
      %dma_wait3A_982 = arith.constant 0 : i32
      %dma_wait3A_983 = tpu.memref_slice %arg3[%dma_wait3A_981, %dma_wait3A_982] : memref<1000000x32xf32, #tpu.memory_space<hbm>> -> memref<1000000x32xf32, #tpu.memory_space<hbm>>
      tpu.wait_indirect_dma semaphore(%arg10 : memref<!tpu.dma_semaphore, #tpu.memory_space<semaphore_mem>>) src(%dma_wait3A_983 : memref<1000000x32xf32, #tpu.memory_space<hbm>>) dst(%dma_wait3A_978 : memref<128x32xf32, #tpu.memory_space<vmem>>)
      %dma_wait3A_984 = arith.constant 896 : i32
      %dma_wait3A_985 = arith.constant 0 : i32
      %dma_wait3A_986 = tpu.memref_slice %arg8[%dma_wait3A_984, %dma_wait3A_985] : memref<1024x32xf32, #tpu.memory_space<vmem>> -> memref<128x32xf32, #tpu.memory_space<vmem>>
      %dma_wait3A_987 = arith.constant 896 : i32
      %dma_wait3A_988 = tpu.memref_slice %arg6[%dma_wait3A_987] : memref<1024xi32, #tpu.memory_space<vmem>> -> memref<128xi32, #tpu.memory_space<vmem>>
      %dma_wait3A_989 = arith.constant 0 : i32
      %dma_wait3A_990 = arith.constant 0 : i32
      %dma_wait3A_991 = tpu.memref_slice %arg3[%dma_wait3A_989, %dma_wait3A_990] : memref<1000000x32xf32, #tpu.memory_space<hbm>> -> memref<1000000x32xf32, #tpu.memory_space<hbm>>
      tpu.wait_indirect_dma semaphore(%arg10 : memref<!tpu.dma_semaphore, #tpu.memory_space<semaphore_mem>>) src(%dma_wait3A_991 : memref<1000000x32xf32, #tpu.memory_space<hbm>>) dst(%dma_wait3A_986 : memref<128x32xf32, #tpu.memory_space<vmem>>)
      %broadcast_in_dim3A_992 = vector.broadcast %add3A_863 : i32 to vector<16xi32>
      %gather3A_993 = tpu.vector_load_idx %arg7[%iota3A, %broadcast_in_dim3A_992] : memref<32x200xf32, #tpu.memory_space<vmem>>[vector<16xi32>, vector<16xi32>], vector<16xf32>,
      %add3A_994 = arith.constant 16 : i32
      %add3A_995 = vector.broadcast %add3A_994 : i32 to vector<16xi32>
      %add3A_996 = arith.addi %iota3A, %add3A_995 : vector<16xi32>
      %broadcast_in_dim3A_997 = vector.broadcast %add3A_863 : i32 to vector<16xi32>
      %gather3A_998 = tpu.vector_load_idx %arg7[%add3A_996, %broadcast_in_dim3A_997] : memref<32x200xf32, #tpu.memory_space<vmem>>[vector<16xi32>, vector<16xi32>], vector<16xf32>,
      %scan3A_999 = arith.constant 0 : i32
      %scan3A_1000 = arith.constant 0 : i32
      %scan3A_1001 = arith.constant 1024 : i32
      %scan3A_1002 = arith.addi %scan3A_1000, %scan3A_1001 : i32
      %scan3A_1003 = arith.constant 1 : i32
      %scan3A_1004 = scf.for %scan3A_1006 = %scan3A_1000 to %scan3A_1002 step %scan3A_1003 iter_args(%scan3A_1007 = %scan3A_999) -> (i32)  : i32 {
        %get3A = arith.index_cast %scan3A_1006 : i32 to index
        %get3A_1008 = arith.constant 0 : index
        %get3A_1009 = tpu.vector_load %arg8[%get3A, %get3A_1008] {strides = array<i32>} : memref<1024x32xf32, #tpu.memory_space<vmem>>, vector<16xf32>,
        %add3A_1010 = arith.addf %get3A_1009, %gather3A_993 : vector<16xf32>
        %get3A_1011 = arith.index_cast %scan3A_1006 : i32 to index
        %get3A_1012 = arith.constant 16 : index
        %get3A_1013 = tpu.vector_load %arg8[%get3A_1011, %get3A_1012] {strides = array<i32>} : memref<1024x32xf32, #tpu.memory_space<vmem>>, vector<16xf32>,
        %add3A_1014 = arith.addf %get3A_1013, %gather3A_998 : vector<16xf32>
        %broadcast_in_dim3A_1015 = vector.broadcast %scan3A_1006 : i32 to vector<16xi32>
        tpu.vector_store_idx %arg9[%iota3A, %broadcast_in_dim3A_1015], %add3A_1010 : memref<32x1025xf32, #tpu.memory_space<vmem>>[vector<16xi32>, vector<16xi32>], vector<16xf32>,
        %add3A_1016 = arith.constant 16 : i32
        %add3A_1017 = vector.broadcast %add3A_1016 : i32 to vector<16xi32>
        %add3A_1018 = arith.addi %iota3A, %add3A_1017 : vector<16xi32>
        tpu.vector_store_idx %arg9[%add3A_1018, %broadcast_in_dim3A_1015], %add3A_1014 : memref<32x1025xf32, #tpu.memory_space<vmem>>[vector<16xi32>, vector<16xi32>], vector<16xf32>,
        %scan3A_1019 = arith.constant 0 : i32
        scf.yield %scan3A_1019 : i32
      }
      %scan3A_1005 = arith.constant 1024 : i32
      "tpu.region"() ({
        %run_scoped3A = tpu.sem_alloc : memref<!tpu.dma_semaphore, #tpu.memory_space<semaphore_mem>>
        %dma_start3A_1006 = arith.constant 0 : i32
        %dma_start3A_1007 = arith.constant 0 : i32
        %dma_start3A_1008 = tpu.memref_slice %arg9[%dma_start3A_1006, %dma_start3A_1007] : memref<32x1025xf32, #tpu.memory_space<vmem>> -> memref<32x1024xf32, #tpu.memory_space<vmem>>
        %dma_start3A_1009 = arith.constant 0 : i32
        %dma_start3A_1010 = arith.constant 0 : i32
        %dma_start3A_1011 = tpu.memref_slice %arg5[%add3A_863, %dma_start3A_1009, %dma_start3A_1010] : memref<200x32x1024xf32, #tpu.memory_space<hbm>> -> memref<1x32x1024xf32, #tpu.memory_space<hbm>>
        %dma_start3A_1012 = tpu.memref_squeeze %dma_start3A_1011 : memref<1x32x1024xf32, #tpu.memory_space<hbm>> -> memref<32x1024xf32, #tpu.memory_space<hbm>>
        %dma_start3A_1013 = arith.constant 0 : i32
        %dma_start3A_1014 = arith.constant 0 : i32
        %dma_start3A_1015 = tpu.memref_slice %arg5[%add3A_863, %dma_start3A_1013, %dma_start3A_1014] : memref<200x32x1024xf32, #tpu.memory_space<hbm>> -> memref<1x32x1024xf32, #tpu.memory_space<hbm>>
        %dma_start3A_1016 = tpu.memref_squeeze %dma_start3A_1015 : memref<1x32x1024xf32, #tpu.memory_space<hbm>> -> memref<32x1024xf32, #tpu.memory_space<hbm>>
        %dma_start3A_1017 = arith.constant 0 : i32
        %dma_start3A_1018 = arith.constant 0 : i32
        %dma_start3A_1019 = tpu.memref_slice %arg9[%dma_start3A_1017, %dma_start3A_1018] : memref<32x1025xf32, #tpu.memory_space<vmem>> -> memref<32x1024xf32, #tpu.memory_space<vmem>>
        tpu.enqueue_dma source(%dma_start3A_1019 : memref<32x1024xf32, #tpu.memory_space<vmem>>) target(%dma_start3A_1016 : memref<32x1024xf32, #tpu.memory_space<hbm>>) target_semaphore(%run_scoped3A : memref<!tpu.dma_semaphore, #tpu.memory_space<semaphore_mem>>)
        %dma_wait3A_1020 = arith.constant 0 : i32
        %dma_wait3A_1021 = arith.constant 0 : i32
        %dma_wait3A_1022 = tpu.memref_slice %arg9[%dma_wait3A_1020, %dma_wait3A_1021] : memref<32x1025xf32, #tpu.memory_space<vmem>> -> memref<32x1024xf32, #tpu.memory_space<vmem>>
        %dma_wait3A_1023 = arith.constant 0 : i32
        %dma_wait3A_1024 = arith.constant 0 : i32
        %dma_wait3A_1025 = tpu.memref_slice %arg5[%add3A_863, %dma_wait3A_1023, %dma_wait3A_1024] : memref<200x32x1024xf32, #tpu.memory_space<hbm>> -> memref<1x32x1024xf32, #tpu.memory_space<hbm>>
        %dma_wait3A_1026 = tpu.memref_squeeze %dma_wait3A_1025 : memref<1x32x1024xf32, #tpu.memory_space<hbm>> -> memref<32x1024xf32, #tpu.memory_space<hbm>>
        %dma_wait3A_1027 = arith.constant 0 : i32
        %dma_wait3A_1028 = arith.constant 0 : i32
        %dma_wait3A_1029 = tpu.memref_slice %arg5[%add3A_863, %dma_wait3A_1027, %dma_wait3A_1028] : memref<200x32x1024xf32, #tpu.memory_space<hbm>> -> memref<1x32x1024xf32, #tpu.memory_space<hbm>>
        %dma_wait3A_1030 = tpu.memref_squeeze %dma_wait3A_1029 : memref<1x32x1024xf32, #tpu.memory_space<hbm>> -> memref<32x1024xf32, #tpu.memory_space<hbm>>
        %dma_wait3A_1031 = arith.constant 0 : i32
        %dma_wait3A_1032 = arith.constant 0 : i32
        %dma_wait3A_1033 = tpu.memref_slice %arg9[%dma_wait3A_1031, %dma_wait3A_1032] : memref<32x1025xf32, #tpu.memory_space<vmem>> -> memref<32x1024xf32, #tpu.memory_space<vmem>>
        tpu.wait_dma2 semaphore(%run_scoped3A : memref<!tpu.dma_semaphore, #tpu.memory_space<semaphore_mem>>) src(%dma_wait3A_1033 : memref<32x1024xf32, #tpu.memory_space<vmem>>) dst(%dma_wait3A_1030 : memref<32x1024xf32, #tpu.memory_space<hbm>>)
        tpu.yield
      }) : () -> ()
    } else {
    }
    return
  }
}

</mosaic_0001>

<sc_bundles>
// kernel: _run.3.cloned.1.call-start
scs
__scs_entry_jumppad:
0x0: {  	(pc) =	sbr.rel $0x88, $3  }
0x1: {  	(tag) =	ssettag $0x0;
	lr =	simm.s32 $0x1  }
0x2: {  	[smem:$0x3F9E] =	sst lr;
	_ =	strace $0xD0000000  }
0x3: {  	_ = 	snop  }
0x4: {  	_ = 	snop  }
0x5: {  	_ = 	snop  }
0x6: {  	_ = 	snop  }
0x7: {  	_ = 	snop  }
__scs_overlays_trampoline_lowered:
0x8: {  	[smem:$0x3FAD] =	sst s0  }
0x9: {  	[smem:$0x3FAE] =	sst s1  }
0xa: {  	[smem:$0x3FAF] =	sst s2  }
0xb: {  	[smem:$0x3FB0] =	sst s3  }
0xc: {  	[smem:$0x3FB1] =	sst s4  }
0xd: {  	[smem:$0x3FB2] =	sst s5  }
0xe: {  	[smem:$0x3FB3] =	sst s6  }
0xf: {  	[smem:$0x3FB4] =	sst s7  }
0x10: {  	[smem:$0x3FB5] =	sst s8  }
0x11: {  	[smem:$0x3FB6] =	sst s9;
	s0 =	simm.s32 @!p0 $0x0  }
0x12: {  	s1 =	sld [smem:$0x3F9C];
	s0 =	simm.s32 @p0 $0x1  }
0x13: {  	[smem:$0x3FB7] =	sst s0;
	s0 =	simm.s32 @!p1 $0x0  }
0x14: {  	s2 =	sld [smem:$0x3F9B];
	s0 =	simm.s32 @p1 $0x1  }
0x15: {  	[smem:$0x3FB8] =	sst s0;
	s0 =	simm.s32 @!p2 $0x0  }
0x16: {  	s3 =	sld [smem:$0x3FDB];
	s0 =	simm.s32 @p2 $0x1  }
0x17: {  	s4 =	simm.s32 $0x1BF5;
	[smem:$0x3FBA] =	sst s0  }
0x18: {  	s0 =	sld [smem:$0x3F9D];
	_ =	swait.ge [sflag:s4], $0x0  }
0x19: {  	s7 =	sld [smem:$0x3F9E]  }
0x1a: {  	s8 =	sadd.s32 $0xFFFFE003, lr  }
0x1b: {  	s9 =	sadd.s32 $0xFFFFFEF7, lr;
	s5 =	simm.s32 $0xFFFFFFFF;
	p2 =	slt.u32 s8, $0xFFFFF086  }
0x1c: {  	p1 =	slt.u32 s9, $0xF7A;
	s5 =	simm.s32 @!p2 $0x0  }
0x1d: {  	s5 =	simm.s32 @p1 $0x1;
	p0 =	seq.s32 s7, s2  }
0x1e: {  	s7 =	smul.u32 @!p0 $0xF7A, s2;
	p2 =	seq.s32 @!p0 s5, $0x0  }
0x1f: {  	s9 =	smul.u32 $0xF7A, s1;
	s8 =	simm.s32 @!p0 $0x1BF5;
	p2 =	por !p2, p0  }
0x20: {  	[sflag:s8] =	ssyncset.s32 @!p0 $0xFFFFF086;
	s6 =	sadd.s32 @!p0 s3, s7;
	s7 =	simm.s32 @!p0 $0x108  }
0x21: {  	s3 =	sadd.s32 s3, s9;
	s6 =	sadd.s32 @!p0 $0x88, s6;
	s7 =	simm.s32 @p2 $0x1082  }
0x22: {  	[simem:s7], [sflag:s8] =	dma.local @!p0 [hbm:s6], $0xF7A  }
0x23: {  	s9 =	sor.u32 $0xD0000000, s2;
	s6 =	simm.s32 $0x108;
	_ =	swait.ge @!p0 [sflag:s8], $0x0  }
0x24: {  	s3 =	sadd.s32 $0x88, s3;
	s6 =	simm.s32 @!p1 $0x1082;
	[sflag:s4] =	ssyncset.s32 $0xFFFFF086  }
0x25: {  	[simem:s6], [sflag:s4] =	dma.local [hbm:s3], $0xF7A  }
0x26: {  	[smem:$0x3F9E] =	sst s1;
	(tag) =	ssettag s2;
	_ =	strace s9  }
0x27: {  	s1 =	sld [smem:$0x3FAE]  }
0x28: {  	s2 =	sld [smem:$0x3FAF]  }
0x29: {  	s4 =	sld [smem:$0x3FB1]  }
0x2a: {  	p0 =	seq.s32 s5, $0x0;
	s5 =	sld [smem:$0x3FB2]  }
0x2b: {  	s6 =	sld [smem:$0x3FB3]  }
0x2c: {  	s7 =	sld [smem:$0x3FB4]  }
0x2d: {  	s3 =	simm.s32 $0x108;
	s8 =	sld [smem:$0x3FB5]  }
0x2e: {  	s3 =	simm.s32 @!p0 $0x1082;
	s9 =	sld [smem:$0x3FB6]  }
0x2f: {  	lr =	sadd.s32 s0, s3;
	s0 =	sld [smem:$0x3FAD]  }
0x30: {  	s3 =	sld [smem:$0x3FB0]  }
0x31: {  	[smem:$0x3FB9] =	sst s10  }
0x32: {  	s10 =	sld [smem:$0x3FB7];
	_ =	sdelay $0x3  }
0x33: {  	p0 =	seq.s32 s10, $0x1;
	s10 =	sld [smem:$0x3FB9];
	_ =	sdelay $0x3  }
0x34: {  	[smem:$0x3FB9] =	sst s10  }
0x35: {  	s10 =	sld [smem:$0x3FB8];
	_ =	sdelay $0x3  }
0x36: {  	p1 =	seq.s32 s10, $0x1;
	s10 =	sld [smem:$0x3FB9];
	_ =	sdelay $0x3  }
0x37: {  	[smem:$0x3FB9] =	sst s10  }
0x38: {  	s10 =	sld [smem:$0x3FBA]  }
0x39: {  	_ = 	snop;
	(pc) =	sbr.ind lr, $3  }
0x3a: {  	_ = 	snop  }
0x3b: {  	_ = 	snop  }
0x3c: {  	p2 =	seq.s32 s10, $0x1;
	s10 =	sld [smem:$0x3FB9]  }
0x3d: {  	_ =	shalt  }
0x3e: {  	_ =	shalt  }
0x3f: {  	_ =	shalt  }
0x40: {  	_ =	shalt  }
0x41: {  	_ =	shalt  }
0x42: {  	_ =	shalt  }
0x43: {  	_ =	shalt  }
0x44: {  	_ =	shalt  }
0x45: {  	_ =	shalt  }
0x46: {  	_ =	shalt  }
0x47: {  	_ =	shalt  }
0x48: {  	_ =	shalt  }
0x49: {  	_ =	shalt  }
0x4a: {  	_ =	shalt  }
0x4b: {  	_ =	shalt  }
0x4c: {  	_ =	shalt  }
0x4d: {  	_ =	shalt  }
0x4e: {  	_ =	shalt  }
0x4f: {  	_ =	shalt  }
0x50: {  	_ =	shalt  }
0x51: {  	_ =	shalt  }
0x52: {  	_ =	shalt  }
0x53: {  	_ =	shalt  }
0x54: {  	_ =	shalt  }
0x55: {  	_ =	shalt  }
0x56: {  	_ =	shalt  }
0x57: {  	_ =	shalt  }
0x58: {  	_ =	shalt  }
0x59: {  	_ =	shalt  }
0x5a: {  	_ =	shalt  }
0x5b: {  	_ =	shalt  }
0x5c: {  	_ =	shalt  }
0x5d: {  	_ =	shalt  }
0x5e: {  	_ =	shalt  }
0x5f: {  	_ =	shalt  }
0x60: {  	_ =	shalt  }
0x61: {  	_ =	shalt  }
0x62: {  	_ =	shalt  }
0x63: {  	_ =	shalt  }
0x64: {  	_ =	shalt  }
0x65: {  	_ =	shalt  }
0x66: {  	_ =	shalt  }
0x67: {  	_ =	shalt  }
0x68: {  	_ =	shalt  }
0x69: {  	_ =	shalt  }
0x6a: {  	_ =	shalt  }
0x6b: {  	_ =	shalt  }
0x6c: {  	_ =	shalt  }
0x6d: {  	_ =	shalt  }
0x6e: {  	_ =	shalt  }
0x6f: {  	_ =	shalt  }
0x70: {  	_ =	shalt  }
0x71: {  	_ =	shalt  }
0x72: {  	_ =	shalt  }
0x73: {  	_ =	shalt  }
0x74: {  	_ =	shalt  }
0x75: {  	_ =	shalt  }
0x76: {  	_ =	shalt  }
0x77: {  	_ =	shalt  }
0x78: {  	_ =	shalt  }
0x79: {  	_ =	shalt  }
0x7a: {  	_ =	shalt  }
0x7b: {  	_ =	shalt  }
0x7c: {  	_ =	shalt  }
0x7d: {  	_ =	shalt  }
0x7e: {  	_ =	shalt  }
0x7f: {  	_ =	shalt  }
0x80: {  	_ =	shalt  }
0x81: {  	_ =	shalt  }
0x82: {  	_ =	shalt  }
0x83: {  	_ =	shalt  }
0x84: {  	_ =	shalt  }
0x85: {  	_ =	shalt  }
0x86: {  	_ =	shalt  }
0x87: {  	_ =	shalt  }
.Lfunc_end0:
.L_simem_size_0:
called_computation_lowered:
.L_overlay_start_0:
0x88: {  	s2 =	sld [smem:$0x3FD9]  }
0x89: {  	s3 =	sld [smem:$0x3FFE];
	_ =	sdelay $0x1  }
0x8a: {  	s1 =	srdreg.scid  }
0x8b: {  	s0 =	sand.u32 $0x1, s1  }
0x8c: {  	s17 =	sshll.u32 s0, $0xA;
	s2 =	sadd.s32 s3, s2  }
0x8d: {  	s2 =	sadd.s32 s2, s17  }
0x8e: {  	[smem:$0x3FC5] =	sst s2  }
0x8f: {  	_ = 	snop  }
0x90: {  	s2 =	sld [smem:$0x3FD0];
	(tm) =	ssettm $0x1  }
0x91: {  	s18 =	sld [smem:$0x3FFB];
	_ =	sdelay $0x3  }
0x92: {  	_ =	strace s18  }
0x93: {  	s3 =	sld [smem:$0x3FFC];
	_ =	sdelay $0x3  }
0x94: {  	_ =	strace s3  }
0x95: {  	s3 =	sld [smem:$0x3FFD];
	_ =	sdelay $0x3  }
0x96: {  	_ =	strace s3  }
0x97: {  	_ =	strace $0x8FFFFFFF  }
0x98: {  	s19 =	sld [smem:$0x3FDB];
	_ =	sdelay $0x1  }
0x99: {  	s4 =	simm.s32 $_scs_section_size  }
0x9a: {  	s5 =	simm.s32 $_size__tile_overlayer_lowered;
	s6 =	simm.s32 $_tile_overlayer_lowered  }
0x9b: {  	s22 =	simm.s32 $0x1BFF;
	s21 =	sshll.u32 s6, $0x1;
	s3 =	sadd.s32 s4, s19  }
0x9c: {  	s7 =	simm.s32 $0x0;
	s20 =	sshll.u32 s5, $0x1;
	s5 =	sadd.s32 s21, s3  }
0x9d: {  	[timem:s7], [sflag:s22] =	dma.local [hbm:s5], s20  }
0x9e: {  	_ =	swait.ge [sflag:s22], s20  }
0x9f: {  	s4 =	ssub.s32 $0x0, s20;
	[sflag:s22] =	ssyncset.done $0x0  }
0xa0: {  	[sflag:s22] =	ssyncadd.s32 s4;
	_ =	sdelay $0x1  }
0xa1: {  	s23 =	simm.s32 $0x1B8B  }
0xa2: {  	_ =	swait.ge [sflag:s23], $0x1  }
0xa3: {  	[sflag:s23] =	ssyncset.done $0x0  }
0xa4: {  	s25 =	simm.s32 $0x1B8E;
	s24 =	sld [smem:$0x3FFE];
	[sflag:s23] =	ssyncadd.s32 $0xFFFFFFFF  }
0xa5: {  	s26 =	simm.s32 $execute0_lowered;
	[smem:$0x3FD2] =	sst s25  }
0xa6: {  	s5 =	sshll.u32 s26, $0x1;
	_ =	strace $0x80000046;
	[dreg:$0x1] =	wrdreg $0xFFFFFFFF  }
0xa7: {  	s28 =	simm.s32 $_size_execute0_lowered;
	s3 =	sadd.s32 s3, s5;
	[dreg:$0x0] =	wrdreg $0x0  }
0xa8: {  	s5 =	sshll.u32 s28, $0x1;
	[dreg:$0x2] =	wrdreg s3  }
0xa9: {  	[dreg:$0x3] =	wrdreg s5  }
0xaa: {  	[dreg:$0x4] =	wrdreg $0xC0  }
0xab: {  	_ =	task [dreg:s7], $0x5FFFF  }
0xac: {  	[dreg:$0x1] =	wrdreg $0xFFFFFFFF  }
0xad: {  	[dreg:$0x0] =	wrdreg $0x60  }
0xae: {  	[dreg:$0x2] =	wrdreg s2  }
0xaf: {  	[dreg:$0x3] =	wrdreg s24  }
0xb0: {  	[dreg:$0x4] =	wrdreg $0x9  }
0xb1: {  	_ =	task.clear_ibuf [dreg:s7], $0x5FFFF;
	_ =	strace $0x90000046  }
0xb2: {  	s29 =	simm.s32 $0x9;
	_ =	strace $0x80000048  }
0xb3: {  	_ =	swait.ge [sflag:s29], $0x1  }
0xb4: {  	[sflag:s29] =	ssyncadd.s32 $0xFFFFFFFF  }
0xb5: {  	_ =	strace $0x90000048  }
0xb6: {  	_ =	sfence  }
0xb7: {  	s30 =	sld [smem:$0x0];
	_ =	sdelay $0x2  }
0xb8: {  	s31 =	sshll.u32 s1, $0xD;
	s1 =	sshrl.u32 s1, $0x2  }
0xb9: {  	s3 =	sand.u32 $0x4000, s31;
	s1 =	sadd.s32 s1, s30  }
0xba: {  	s0 =	sor.u32 s3, s0;
	s1 =	sshll.u32 s1, $0x11  }
0xbb: {  	s0 =	sor.u32 s1, s0  }
0xbc: {  	s0 =	sadd.s32 $0x8F2B, s0  }
0xbd: {  	[sflag:s0] =	ssyncadd.remote.s32 $0x1  }
0xbe: {  	_ =	sfence.sel $0xFFFF  }
0xbf: {  	[dreg:$0x0] =	wrdreg $0xFFFFFFFF;
	(pc) =	sbr.abs _section_cstart, $3  }
0xc0: {  	[dreg:$0x1] =	wrdreg $0xFFFFFFFF  }
0xc1: {  	_ =	task.clear_ibuf [dreg:s7], $0x2FFFF;
	_ =	strace $0x9FFFFFFF  }
0xc2: {  	(tm) =	ssettm $0x7FFFFFFF  }
0xc3: {  	_ =	shalt  }
tec
execute0_lowered:
.L_overlay_start_1:
0x0: {  	(tag) =	ssettag $0x1  }
0x1: {  	s0 =	rddreg [dreg:$0x0]  }
0x2: {  	s1 =	rddreg [dreg:$0x1]  }
0x3: {  	s3 =	srdreg.scid;
	s2 =	simm.s32 $0x0;
	s20 =	stileid.u32  }
0x4: {  	s28 =	simm.s32 $0x180;
	s29 =	simm.s32 $0x4D00;
	s30 =	simm.s32 $0x200  }
0x5: {  	s31 =	simm.s32 $0x5D00;
	s3 =	sand.u32 $0x1, s3;
	[smem:$0x7FF] =	sst s2  }
0x6: {  	s5 =	sshll.u32 s20, $0x1;
	s7 =	sadd.s32 $0xC00, s1;
	s25 =	sadd.s32 $0x800, s1  }
0x7: {  	p0 =	sgt.u32 s20, $0x3;
	s20 =	simm.s32 $0x400;
	s4 =	ssub.s32 $0x2, s3  }
0x8: {  	s3 =	sor.u32 s3, s5;
	s5 =	simm.s32 $0x380;
	s6 =	sshrl.u32 s4, $0x1  }
0x9: {  	v11 =	vlaneseq.u32;
	s15 =	sshll.u32 s3, $0x7;
	s16 =	sshll.u32 s3, $0xC;
	s9 =	sor.u32 $0x20, s3  }
0xa: {  	v13 =	vmul.u32 $0xC8, v11;
	s11 =	sor.u32 $0x40, s3;
	s13 =	sor.u32 $0x60, s3;
	s14 =	sor.u32 $0x80, s3  }
0xb: {  	s26 =	ssub.s32 s4, s6;
	s4 =	sadd.s32 s0, s15;
	s17 =	sshll.u32 s9, $0x7  }
0xc: {  	v12 =	vadd.s32 $0xC80, v13;
	s8 =	sshll.u32 s9, $0xC;
	s18 =	sshll.u32 s11, $0x7;
	s19 =	sshll.u32 s11, $0xC  }
0xd: {  	s10 =	sshll.u32 s13, $0x7;
	s21 =	sshll.u32 s13, $0xC;
	s12 =	sshll.u32 s14, $0x7;
	v2 =	vadd.s32 s9, v13;
	v3 =	vadd.s32 s9, v12  }
0xe: {  	s22 =	sshll.u32 s14, $0xC;
	v4 =	vadd.s32 s11, v13;
	v8 =	vadd.s32 s14, v13;
	v9 =	vadd.s32 s14, v12;
	s14 =	simm.s32 $0x300;
	s9 =	simm.s32 $0x1  }
0xf: {  	v5 =	vadd.s32 s11, v12;
	v6 =	vadd.s32 s13, v13;
	v7 =	vadd.s32 s13, v12;
	s11 =	simm.s32 $0x9D00;
	s13 =	simm.s32 $0x0;
	[dreg:$0x3] =	wrdreg s4  }
0x10: {  	s4 =	sadd.s32 s7, s16;
	s6 =	sadd.s32 s0, s17;
	s10 =	sadd.s32 s0, s10  }
0x11: {  	s12 =	sadd.s32 s0, s12;
	s17 =	sadd.s32 $0xF42C00, s1;
	s26 =	smax.u32 s26, $0x1  }
0x12: {  	s1 =	simm.s32 $0x6D00;
	[dreg:$0x4] =	wrdreg s6;
	s6 =	sadd.s32 s7, s8  }
0x13: {  	s8 =	sadd.s32 s0, s18;
	[dreg:$0x6] =	wrdreg s10;
	s10 =	sadd.s32 s7, s21  }
0x14: {  	[dreg:$0x7] =	wrdreg s12;
	s18 =	sor.u32 $0xA0, s3;
	s12 =	sadd.s32 s7, s22  }
0x15: {  	s21 =	simm.s32 $0x2;
	s22 =	simm.s32 $0x80;
	[dreg:$0x5] =	wrdreg s8  }
0x16: {  	s8 =	sadd.s32 s7, s19;
	s15 =	sshll.u32 s18, $0x7;
	s19 =	sor.u32 $0xC0, s3  }
0x17: {  	v0 =	vadd.s32 s3, v13;
	v1 =	vadd.s32 s3, v12;
	s24 =	sshll.u32 s18, $0xC;
	s3 =	simm.s32 $0x7D00;
	s15 =	sadd.s32 s0, s15  }
.Ltmp0:
0x18: {  	s23 =	sshll.u32 s19, $0x7;
	s16 =	sshll.u32 s19, $0xC;
	v10 =	vmov s19;
	(pc) =	sbr.rel .LBB2_1-.Ltmp0, $4  }
0x19: {  	[dreg:$0x8] =	wrdreg s15;
	s0 =	sadd.s32 s0, s23;
	s15 =	sadd.s32 s7, s24;
	v14 =	vand.u32 $0x7, v10  }
0x1a: {  	v11 =	vmul.u32 $0x408, v11;
	v15 =	vadd.s32 $0xC0, v13;
	s16 =	sadd.s32 s7, s16;
	s7 =	simm.s32 $0x8D00;
	[dreg:$0x9] =	wrdreg s0;
	v14 =	vbroadcast v14, $0x0  }
0x1b: {  	v16 =	vadd.s32 $0xD40, v13;
	v12 =	vadd.s32 s18, v12;
	v10 =	vadd.s32 s18, v13;
	s0 =	simm.s32 $0x280;
	_ =	strace $0x80000047;
	[dreg:$0xa] =	wrdreg s25  }
0x1c: {  	[dreg:$0xb] =	wrdreg s26;
	s25 =	simm.s32 $0x100;
	s26 =	simm.s32 $0x3D00;
	v13 =	vor.u32 v15, v14;
	v14 =	vor.u32 v16, v14;
	v15 =	vadd.s32 $0x4080, v11  }
.LBB2_30:
0x1d: {  	[hbm4b:s24+s2] =	stream.linear.scatter [tilespmem:s18], [sflag:$0x2], $0x400, $0x38;
	[tilespmem:$0x11E00] =	vst v63  }
0x1e: {  	_ =	swait.ge [sflag:s21], $0x8000  }
0x1f: {  	[sflag:s21] =	ssyncset.done $0x0  }
0x20: {  	[sflag:s21] =	ssyncadd.s32 $0xFFFF8000  }
.LBB2_31:
0x21: {  	s13 =	sadd.s32 $0x1, s13;
	s18 =	rddreg [dreg:$0xb]  }
0x22: {  	p1 =	sne.s32 s13, s18  }
.Ltmp1:
0x23: {  	_ = 	snop;
	(pc) =	sbr.rel @!p1 .LBB2_32-.Ltmp1, $1  }
0x24: {  	_ =	sdelay $0x3  }
.LBB2_1:
0x25: {  	s18 =	rddreg [dreg:$0xa]  }
0x26: {  	[tilespmem:s20], [sflag:$0x2] =	stream.linear.gather [hbm4b:s18+s2], $0x1900, $0x38;
	[tilespmem:$0x11E00] =	vst v63  }
0x27: {  	_ =	swait.ge [sflag:s21], $0x1900  }
0x28: {  	[sflag:s21] =	ssyncset.done $0x0  }
0x29: {  	s19 =	rddreg [dreg:$0x3];
	[sflag:s21] =	ssyncadd.s32 $0xFFFFE700  }
0x2a: {  	[tilespmem:s2], [sflag:$0x2] =	stream.linear.gather [hbm4b:s19+s2], $0x400, $0x38;
	[tilespmem:$0x11E00] =	vst v63  }
0x2b: {  	_ =	swait.ge [sflag:s21], $0x400  }
0x2c: {  	[sflag:s21] =	ssyncset.done $0x0  }
0x2d: {  	s23 =	simm.s32 $0x1D00;
	[sflag:s21] =	ssyncadd.s32 $0xFFFFFC00  }
0x2e: {  	[tilespmem:s23], [sflag:$0x1] =	stream.indirect.gather [hbm4b:s17+s22], $0x20, s2, s22, $0xb8;
	[tilespmem:$0x11E00] =	vst v63  }
0x2f: {  	s24 =	simm.s32 $0x2D00  }
0x30: {  	[tilespmem:s24], [sflag:$0x1] =	stream.indirect.gather [hbm4b:s17+s22], $0x20, s22, s22, $0xb8;
	[tilespmem:$0x11E00] =	vst v63  }
0x31: {  	_ = 	snop  }
0x32: {  	[tilespmem:s26], [sflag:$0x1] =	stream.indirect.gather [hbm4b:s17+s22], $0x20, s25, s22, $0xb8;
	[tilespmem:$0x11E00] =	vst v63  }
0x33: {  	_ = 	snop  }
0x34: {  	[tilespmem:s29], [sflag:$0x1] =	stream.indirect.gather [hbm4b:s17+s22], $0x20, s28, s22, $0xb8;
	[tilespmem:$0x11E00] =	vst v63  }
0x35: {  	_ = 	snop  }
0x36: {  	[tilespmem:s31], [sflag:$0x1] =	stream.indirect.gather [hbm4b:s17+s22], $0x20, s30, s22, $0xb8;
	[tilespmem:$0x11E00] =	vst v63  }
0x37: {  	_ = 	snop  }
0x38: {  	[tilespmem:s1], [sflag:$0x1] =	stream.indirect.gather [hbm4b:s17+s22], $0x20, s0, s22, $0xb8;
	[tilespmem:$0x11E00] =	vst v63  }
0x39: {  	_ = 	snop  }
0x3a: {  	[tilespmem:s3], [sflag:$0x1] =	stream.indirect.gather [hbm4b:s17+s22], $0x20, s14, s22, $0xb8;
	[tilespmem:$0x11E00] =	vst v63  }
0x3b: {  	_ = 	snop  }
0x3c: {  	[tilespmem:s7], [sflag:$0x1] =	stream.indirect.gather [hbm4b:s17+s22], $0x20, s5, s22, $0xb8;
	[tilespmem:$0x11E00] =	vst v63  }
0x3d: {  	_ =	swait.ge [sflag:s9], $0x1000  }
0x3e: {  	[sflag:s9] =	ssyncset.done $0x0  }
0x3f: {  	[sflag:s9] =	ssyncadd.s32 $0xFFFFF000  }
0x40: {  	_ =	swait.ge [sflag:s9], $0x1000  }
0x41: {  	[sflag:s9] =	ssyncset.done $0x0  }
0x42: {  	[sflag:s9] =	ssyncadd.s32 $0xFFFFF000  }
0x43: {  	_ =	swait.ge [sflag:s9], $0x1000  }
0x44: {  	[sflag:s9] =	ssyncset.done $0x0  }
0x45: {  	[sflag:s9] =	ssyncadd.s32 $0xFFFFF000  }
0x46: {  	_ =	swait.ge [sflag:s9], $0x1000  }
0x47: {  	[sflag:s9] =	ssyncset.done $0x0  }
0x48: {  	[sflag:s9] =	ssyncadd.s32 $0xFFFFF000  }
0x49: {  	_ =	swait.ge [sflag:s9], $0x1000  }
0x4a: {  	[sflag:s9] =	ssyncset.done $0x0  }
0x4b: {  	[sflag:s9] =	ssyncadd.s32 $0xFFFFF000  }
0x4c: {  	_ =	swait.ge [sflag:s9], $0x1000  }
0x4d: {  	[sflag:s9] =	ssyncset.done $0x0  }
0x4e: {  	[sflag:s9] =	ssyncadd.s32 $0xFFFFF000  }
0x4f: {  	_ =	swait.ge [sflag:s9], $0x1000  }
0x50: {  	[sflag:s9] =	ssyncset.done $0x0  }
0x51: {  	[sflag:s9] =	ssyncadd.s32 $0xFFFFF000  }
0x52: {  	_ =	swait.ge [sflag:s9], $0x1000  }
0x53: {  	[sflag:s9] =	ssyncset.done $0x0  }
0x54: {  	[sflag:s9] =	ssyncadd.s32 $0xFFFFF000  }
0x55: {  	v16 =	vld.idx.msk [tilespmem:v0+s20+$0x0], $0xffff  }
0x56: {  	s18 =	simm.s32 $0x1D10;
	v17 =	vld.idx.msk [tilespmem:v1+s20+$0x0], $0xffff  }
0x57: {  	v20 =	vmov s2;
	v18 =	vld [tilespmem:s18+$0xFFFFFFF0]  }
0x58: {  	v20 =	vand.u32 $0x3FF, v20;
	s19 =	simm.s32 $0x1;
	v19 =	vld [tilespmem:s18+$0x0]  }
.LBB2_2:
0x59: {  	p1 =	sne.s32 s19, $0x3FF;
	v21 =	vadd.s32 v11, v20  }
0x5a: {  	v20 =	vadd.s32 v15, v20;
	_ =	sdelay $0x1  }
0x5b: {  	v18 =	vadd.f32 v18, v16  }
.Ltmp2:
0x5c: {  	v19 =	vadd.f32 v19, v17;
	(pc) =	sbr.rel @p1 .LBB2_2-.Ltmp2, $4  }
0x5d: {  	[tilespmem:v21+s11+$0x0] =	vst.idx.msk $0xffff, v18  }
0x5e: {  	s18 =	sadd.s32 $0x20, s18;
	[tilespmem:v20+s11+$0x0] =	vst.idx.msk $0xffff, v19  }
0x5f: {  	v20 =	vmov s19;
	v18 =	vld [tilespmem:s18+$0xFFFFFFF0]  }
0x60: {  	s19 =	sadd.s32 $0x1, s19;
	v20 =	vand.u32 $0x3FF, v20;
	v19 =	vld [tilespmem:s18+$0x0]  }
0x61: {  	v21 =	vadd.s32 v11, v20  }
0x62: {  	v63 =	vadd.s32 v15, v20;
	_ =	sdelay $0x1  }
0x63: {  	v16 =	vadd.f32 v18, v16  }
0x64: {  	v17 =	vadd.f32 v19, v17  }
0x65: {  	s18 =	simm.s32 $0x9D00;
	[tilespmem:v21+s11+$0x0] =	vst.idx.msk $0xffff, v16  }
0x66: {  	s19 =	simm.s32 $0x80;
	s24 =	sadd.s32 $0x0, s4;
	s23 =	simm.s32 $0xA108;
	[tilespmem:v63+s11+$0x0] =	vst.idx.msk $0xffff, v17  }
.LBB2_4:
0x67: {  	[hbm4b:s24+s2] =	stream.linear.scatter [tilespmem:s18], [sflag:$0x2], $0x400, $0x38;
	[tilespmem:$0x11E00] =	vst v63  }
0x68: {  	s24 =	smov.u32 s19;
	s18 =	smov.u32 s23;
	p1 =	sne.s32 s19, $0xF80  }
.Ltmp3:
0x69: {  	s19 =	sadd.s32 $0x80, s19;
	(pc) =	sbr.rel @p1 .LBB2_4-.Ltmp3, $2  }
0x6a: {  	_ =	sdelay $0x2  }
0x6b: {  	s23 =	sadd.s32 $0x408, s23;
	s24 =	sadd.s32 s24, s4  }
0x6c: {  	[hbm4b:s24+s2] =	stream.linear.scatter [tilespmem:s18], [sflag:$0x2], $0x400, $0x38;
	[tilespmem:$0x11E00] =	vst v63  }
0x6d: {  	_ =	swait.ge [sflag:s21], $0x8000  }
0x6e: {  	[sflag:s21] =	ssyncset.done $0x0  }
0x6f: {  	s19 =	simm.s32 $0x0;
	s24 =	rddreg [dreg:$0x4];
	[sflag:s21] =	ssyncadd.s32 $0xFFFF8000  }
0x70: {  	[tilespmem:s19], [sflag:$0x2] =	stream.linear.gather [hbm4b:s24+s19], $0x400, $0x38;
	[tilespmem:$0x11E00] =	vst v63  }
0x71: {  	_ =	swait.ge [sflag:s21], $0x400  }
0x72: {  	[sflag:s21] =	ssyncset.done $0x0  }
0x73: {  	s23 =	simm.s32 $0x1D00;
	[sflag:s21] =	ssyncadd.s32 $0xFFFFFC00  }
0x74: {  	[tilespmem:s23], [sflag:$0x1] =	stream.indirect.gather [hbm4b:s17+s22], $0x20, s19, s22, $0xb8;
	[tilespmem:$0x11E00] =	vst v63  }
0x75: {  	s24 =	simm.s32 $0x2D00  }
0x76: {  	[tilespmem:s24], [sflag:$0x1] =	stream.indirect.gather [hbm4b:s17+s22], $0x20, s22, s22, $0xb8;
	[tilespmem:$0x11E00] =	vst v63  }
0x77: {  	_ = 	snop  }
0x78: {  	[tilespmem:s26], [sflag:$0x1] =	stream.indirect.gather [hbm4b:s17+s22], $0x20, s25, s22, $0xb8;
	[tilespmem:$0x11E00] =	vst v63  }
0x79: {  	_ = 	snop  }
0x7a: {  	[tilespmem:s29], [sflag:$0x1] =	stream.indirect.gather [hbm4b:s17+s22], $0x20, s28, s22, $0xb8;
	[tilespmem:$0x11E00] =	vst v63  }
0x7b: {  	_ = 	snop  }
0x7c: {  	[tilespmem:s31], [sflag:$0x1] =	stream.indirect.gather [hbm4b:s17+s22], $0x20, s30, s22, $0xb8;
	[tilespmem:$0x11E00] =	vst v63  }
0x7d: {  	_ = 	snop  }
0x7e: {  	[tilespmem:s1], [sflag:$0x1] =	stream.indirect.gather [hbm4b:s17+s22], $0x20, s0, s22, $0xb8;
	[tilespmem:$0x11E00] =	vst v63  }
0x7f: {  	_ = 	snop  }
0x80: {  	[tilespmem:s3], [sflag:$0x1] =	stream.indirect.gather [hbm4b:s17+s22], $0x20, s14, s22, $0xb8;
	[tilespmem:$0x11E00] =	vst v63  }
0x81: {  	_ = 	snop  }
0x82: {  	[tilespmem:s7], [sflag:$0x1] =	stream.indirect.gather [hbm4b:s17+s22], $0x20, s5, s22, $0xb8;
	[tilespmem:$0x11E00] =	vst v63  }
0x83: {  	_ =	swait.ge [sflag:s9], $0x1000  }
0x84: {  	[sflag:s9] =	ssyncset.done $0x0  }
0x85: {  	[sflag:s9] =	ssyncadd.s32 $0xFFFFF000  }
0x86: {  	_ =	swait.ge [sflag:s9], $0x1000  }
0x87: {  	[sflag:s9] =	ssyncset.done $0x0  }
0x88: {  	[sflag:s9] =	ssyncadd.s32 $0xFFFFF000  }
0x89: {  	_ =	swait.ge [sflag:s9], $0x1000  }
0x8a: {  	[sflag:s9] =	ssyncset.done $0x0  }
0x8b: {  	[sflag:s9] =	ssyncadd.s32 $0xFFFFF000  }
0x8c: {  	_ =	swait.ge [sflag:s9], $0x1000  }
0x8d: {  	[sflag:s9] =	ssyncset.done $0x0  }
0x8e: {  	[sflag:s9] =	ssyncadd.s32 $0xFFFFF000  }
0x8f: {  	_ =	swait.ge [sflag:s9], $0x1000  }
0x90: {  	[sflag:s9] =	ssyncset.done $0x0  }
0x91: {  	[sflag:s9] =	ssyncadd.s32 $0xFFFFF000  }
0x92: {  	_ =	swait.ge [sflag:s9], $0x1000  }
0x93: {  	[sflag:s9] =	ssyncset.done $0x0  }
0x94: {  	[sflag:s9] =	ssyncadd.s32 $0xFFFFF000  }
0x95: {  	_ =	swait.ge [sflag:s9], $0x1000  }
0x96: {  	[sflag:s9] =	ssyncset.done $0x0  }
0x97: {  	[sflag:s9] =	ssyncadd.s32 $0xFFFFF000  }
0x98: {  	_ =	swait.ge [sflag:s9], $0x1000  }
0x99: {  	[sflag:s9] =	ssyncset.done $0x0  }
0x9a: {  	[sflag:s9] =	ssyncadd.s32 $0xFFFFF000  }
0x9b: {  	v16 =	vld.idx.msk [tilespmem:v2+s20+$0x0], $0xffff  }
0x9c: {  	s18 =	simm.s32 $0x1D10;
	v17 =	vld.idx.msk [tilespmem:v3+s20+$0x0], $0xffff  }
0x9d: {  	v20 =	vmov s19;
	v18 =	vld [tilespmem:s18+$0xFFFFFFF0]  }
0x9e: {  	v20 =	vand.u32 $0x3FF, v20;
	s19 =	simm.s32 $0x1;
	v19 =	vld [tilespmem:s18+$0x0]  }
.LBB2_6:
0x9f: {  	p1 =	sne.s32 s19, $0x3FF;
	v21 =	vadd.s32 v11, v20  }
0xa0: {  	v20 =	vadd.s32 v15, v20;
	_ =	sdelay $0x1  }
0xa1: {  	v18 =	vadd.f32 v18, v16  }
.Ltmp4:
0xa2: {  	v19 =	vadd.f32 v19, v17;
	(pc) =	sbr.rel @p1 .LBB2_6-.Ltmp4, $4  }
0xa3: {  	[tilespmem:v21+s11+$0x0] =	vst.idx.msk $0xffff, v18  }
0xa4: {  	s18 =	sadd.s32 $0x20, s18;
	[tilespmem:v20+s11+$0x0] =	vst.idx.msk $0xffff, v19  }
0xa5: {  	v20 =	vmov s19;
	v18 =	vld [tilespmem:s18+$0xFFFFFFF0]  }
0xa6: {  	s19 =	sadd.s32 $0x1, s19;
	v20 =	vand.u32 $0x3FF, v20;
	v19 =	vld [tilespmem:s18+$0x0]  }
0xa7: {  	v21 =	vadd.s32 v11, v20  }
0xa8: {  	v63 =	vadd.s32 v15, v20;
	_ =	sdelay $0x1  }
0xa9: {  	v16 =	vadd.f32 v18, v16  }
0xaa: {  	v17 =	vadd.f32 v19, v17  }
0xab: {  	s18 =	simm.s32 $0x9D00;
	[tilespmem:v21+s11+$0x0] =	vst.idx.msk $0xffff, v16  }
0xac: {  	s19 =	simm.s32 $0x80;
	s24 =	sadd.s32 $0x0, s6;
	s23 =	simm.s32 $0xA108;
	[tilespmem:v63+s11+$0x0] =	vst.idx.msk $0xffff, v17  }
.LBB2_8:
0xad: {  	[hbm4b:s24+s2] =	stream.linear.scatter [tilespmem:s18], [sflag:$0x2], $0x400, $0x38;
	[tilespmem:$0x11E00] =	vst v63  }
0xae: {  	s24 =	smov.u32 s19;
	s18 =	smov.u32 s23;
	p1 =	sne.s32 s19, $0xF80  }
.Ltmp5:
0xaf: {  	s19 =	sadd.s32 $0x80, s19;
	(pc) =	sbr.rel @p1 .LBB2_8-.Ltmp5, $2  }
0xb0: {  	_ =	sdelay $0x2  }
0xb1: {  	s23 =	sadd.s32 $0x408, s23;
	s24 =	sadd.s32 s24, s6  }
0xb2: {  	[hbm4b:s24+s2] =	stream.linear.scatter [tilespmem:s18], [sflag:$0x2], $0x400, $0x38;
	[tilespmem:$0x11E00] =	vst v63  }
0xb3: {  	_ =	swait.ge [sflag:s21], $0x8000  }
0xb4: {  	[sflag:s21] =	ssyncset.done $0x0  }
0xb5: {  	s19 =	simm.s32 $0x0;
	s24 =	rddreg [dreg:$0x5];
	[sflag:s21] =	ssyncadd.s32 $0xFFFF8000  }
0xb6: {  	[tilespmem:s19], [sflag:$0x2] =	stream.linear.gather [hbm4b:s24+s19], $0x400, $0x38;
	[tilespmem:$0x11E00] =	vst v63  }
0xb7: {  	_ =	swait.ge [sflag:s21], $0x400  }
0xb8: {  	[sflag:s21] =	ssyncset.done $0x0  }
0xb9: {  	s23 =	simm.s32 $0x1D00;
	[sflag:s21] =	ssyncadd.s32 $0xFFFFFC00  }
0xba: {  	[tilespmem:s23], [sflag:$0x1] =	stream.indirect.gather [hbm4b:s17+s22], $0x20, s19, s22, $0xb8;
	[tilespmem:$0x11E00] =	vst v63  }
0xbb: {  	s24 =	simm.s32 $0x2D00  }
0xbc: {  	[tilespmem:s24], [sflag:$0x1] =	stream.indirect.gather [hbm4b:s17+s22], $0x20, s22, s22, $0xb8;
	[tilespmem:$0x11E00] =	vst v63  }
0xbd: {  	_ = 	snop  }
0xbe: {  	[tilespmem:s26], [sflag:$0x1] =	stream.indirect.gather [hbm4b:s17+s22], $0x20, s25, s22, $0xb8;
	[tilespmem:$0x11E00] =	vst v63  }
0xbf: {  	_ = 	snop  }
0xc0: {  	[tilespmem:s29], [sflag:$0x1] =	stream.indirect.gather [hbm4b:s17+s22], $0x20, s28, s22, $0xb8;
	[tilespmem:$0x11E00] =	vst v63  }
0xc1: {  	_ = 	snop  }
0xc2: {  	[tilespmem:s31], [sflag:$0x1] =	stream.indirect.gather [hbm4b:s17+s22], $0x20, s30, s22, $0xb8;
	[tilespmem:$0x11E00] =	vst v63  }
0xc3: {  	_ = 	snop  }
0xc4: {  	[tilespmem:s1], [sflag:$0x1] =	stream.indirect.gather [hbm4b:s17+s22], $0x20, s0, s22, $0xb8;
	[tilespmem:$0x11E00] =	vst v63  }
0xc5: {  	_ = 	snop  }
0xc6: {  	[tilespmem:s3], [sflag:$0x1] =	stream.indirect.gather [hbm4b:s17+s22], $0x20, s14, s22, $0xb8;
	[tilespmem:$0x11E00] =	vst v63  }
0xc7: {  	_ = 	snop  }
0xc8: {  	[tilespmem:s7], [sflag:$0x1] =	stream.indirect.gather [hbm4b:s17+s22], $0x20, s5, s22, $0xb8;
	[tilespmem:$0x11E00] =	vst v63  }
0xc9: {  	_ =	swait.ge [sflag:s9], $0x1000  }
0xca: {  	[sflag:s9] =	ssyncset.done $0x0  }
0xcb: {  	[sflag:s9] =	ssyncadd.s32 $0xFFFFF000  }
0xcc: {  	_ =	swait.ge [sflag:s9], $0x1000  }
0xcd: {  	[sflag:s9] =	ssyncset.done $0x0  }
0xce: {  	[sflag:s9] =	ssyncadd.s32 $0xFFFFF000  }
0xcf: {  	_ =	swait.ge [sflag:s9], $0x1000  }
0xd0: {  	[sflag:s9] =	ssyncset.done $0x0  }
0xd1: {  	[sflag:s9] =	ssyncadd.s32 $0xFFFFF000  }
0xd2: {  	_ =	swait.ge [sflag:s9], $0x1000  }
0xd3: {  	[sflag:s9] =	ssyncset.done $0x0  }
0xd4: {  	[sflag:s9] =	ssyncadd.s32 $0xFFFFF000  }
0xd5: {  	_ =	swait.ge [sflag:s9], $0x1000  }
0xd6: {  	[sflag:s9] =	ssyncset.done $0x0  }
0xd7: {  	[sflag:s9] =	ssyncadd.s32 $0xFFFFF000  }
0xd8: {  	_ =	swait.ge [sflag:s9], $0x1000  }
0xd9: {  	[sflag:s9] =	ssyncset.done $0x0  }
0xda: {  	[sflag:s9] =	ssyncadd.s32 $0xFFFFF000  }
0xdb: {  	_ =	swait.ge [sflag:s9], $0x1000  }
0xdc: {  	[sflag:s9] =	ssyncset.done $0x0  }
0xdd: {  	[sflag:s9] =	ssyncadd.s32 $0xFFFFF000  }
0xde: {  	_ =	swait.ge [sflag:s9], $0x1000  }
0xdf: {  	[sflag:s9] =	ssyncset.done $0x0  }
0xe0: {  	[sflag:s9] =	ssyncadd.s32 $0xFFFFF000  }
0xe1: {  	v16 =	vld.idx.msk [tilespmem:v4+s20+$0x0], $0xffff  }
0xe2: {  	s18 =	simm.s32 $0x1D10;
	v17 =	vld.idx.msk [tilespmem:v5+s20+$0x0], $0xffff  }
0xe3: {  	v20 =	vmov s19;
	v18 =	vld [tilespmem:s18+$0xFFFFFFF0]  }
0xe4: {  	v20 =	vand.u32 $0x3FF, v20;
	s19 =	simm.s32 $0x1;
	v19 =	vld [tilespmem:s18+$0x0]  }
.LBB2_10:
0xe5: {  	p1 =	sne.s32 s19, $0x3FF;
	v21 =	vadd.s32 v11, v20  }
0xe6: {  	v20 =	vadd.s32 v15, v20;
	_ =	sdelay $0x1  }
0xe7: {  	v18 =	vadd.f32 v18, v16  }
.Ltmp6:
0xe8: {  	v19 =	vadd.f32 v19, v17;
	(pc) =	sbr.rel @p1 .LBB2_10-.Ltmp6, $4  }
0xe9: {  	[tilespmem:v21+s11+$0x0] =	vst.idx.msk $0xffff, v18  }
0xea: {  	s18 =	sadd.s32 $0x20, s18;
	[tilespmem:v20+s11+$0x0] =	vst.idx.msk $0xffff, v19  }
0xeb: {  	v20 =	vmov s19;
	v18 =	vld [tilespmem:s18+$0xFFFFFFF0]  }
0xec: {  	s19 =	sadd.s32 $0x1, s19;
	v20 =	vand.u32 $0x3FF, v20;
	v19 =	vld [tilespmem:s18+$0x0]  }
0xed: {  	v21 =	vadd.s32 v11, v20  }
0xee: {  	v63 =	vadd.s32 v15, v20;
	_ =	sdelay $0x1  }
0xef: {  	v16 =	vadd.f32 v18, v16  }
0xf0: {  	v17 =	vadd.f32 v19, v17  }
0xf1: {  	s18 =	simm.s32 $0x9D00;
	[tilespmem:v21+s11+$0x0] =	vst.idx.msk $0xffff, v16  }
0xf2: {  	s19 =	simm.s32 $0x80;
	s24 =	sadd.s32 $0x0, s8;
	s23 =	simm.s32 $0xA108;
	[tilespmem:v63+s11+$0x0] =	vst.idx.msk $0xffff, v17  }
.LBB2_12:
0xf3: {  	[hbm4b:s24+s2] =	stream.linear.scatter [tilespmem:s18], [sflag:$0x2], $0x400, $0x38;
	[tilespmem:$0x11E00] =	vst v63  }
0xf4: {  	s24 =	smov.u32 s19;
	s18 =	smov.u32 s23;
	p1 =	sne.s32 s19, $0xF80  }
.Ltmp7:
0xf5: {  	s19 =	sadd.s32 $0x80, s19;
	(pc) =	sbr.rel @p1 .LBB2_12-.Ltmp7, $2  }
0xf6: {  	_ =	sdelay $0x2  }
0xf7: {  	s23 =	sadd.s32 $0x408, s23;
	s24 =	sadd.s32 s24, s8  }
0xf8: {  	[hbm4b:s24+s2] =	stream.linear.scatter [tilespmem:s18], [sflag:$0x2], $0x400, $0x38;
	[tilespmem:$0x11E00] =	vst v63  }
0xf9: {  	_ =	swait.ge [sflag:s21], $0x8000  }
0xfa: {  	[sflag:s21] =	ssyncset.done $0x0  }
0xfb: {  	s19 =	simm.s32 $0x0;
	s24 =	rddreg [dreg:$0x6];
	[sflag:s21] =	ssyncadd.s32 $0xFFFF8000  }
0xfc: {  	[tilespmem:s19], [sflag:$0x2] =	stream.linear.gather [hbm4b:s24+s19], $0x400, $0x38;
	[tilespmem:$0x11E00] =	vst v63  }
0xfd: {  	_ =	swait.ge [sflag:s21], $0x400  }
0xfe: {  	[sflag:s21] =	ssyncset.done $0x0  }
0xff: {  	s23 =	simm.s32 $0x1D00;
	[sflag:s21] =	ssyncadd.s32 $0xFFFFFC00  }
0x100: {  	[tilespmem:s23], [sflag:$0x1] =	stream.indirect.gather [hbm4b:s17+s22], $0x20, s19, s22, $0xb8;
	[tilespmem:$0x11E00] =	vst v63  }
0x101: {  	s24 =	simm.s32 $0x2D00  }
0x102: {  	[tilespmem:s24], [sflag:$0x1] =	stream.indirect.gather [hbm4b:s17+s22], $0x20, s22, s22, $0xb8;
	[tilespmem:$0x11E00] =	vst v63  }
0x103: {  	_ = 	snop  }
0x104: {  	[tilespmem:s26], [sflag:$0x1] =	stream.indirect.gather [hbm4b:s17+s22], $0x20, s25, s22, $0xb8;
	[tilespmem:$0x11E00] =	vst v63  }
0x105: {  	_ = 	snop  }
0x106: {  	[tilespmem:s29], [sflag:$0x1] =	stream.indirect.gather [hbm4b:s17+s22], $0x20, s28, s22, $0xb8;
	[tilespmem:$0x11E00] =	vst v63  }
0x107: {  	_ = 	snop  }
0x108: {  	[tilespmem:s31], [sflag:$0x1] =	stream.indirect.gather [hbm4b:s17+s22], $0x20, s30, s22, $0xb8;
	[tilespmem:$0x11E00] =	vst v63  }
0x109: {  	_ = 	snop  }
0x10a: {  	[tilespmem:s1], [sflag:$0x1] =	stream.indirect.gather [hbm4b:s17+s22], $0x20, s0, s22, $0xb8;
	[tilespmem:$0x11E00] =	vst v63  }
0x10b: {  	_ = 	snop  }
0x10c: {  	[tilespmem:s3], [sflag:$0x1] =	stream.indirect.gather [hbm4b:s17+s22], $0x20, s14, s22, $0xb8;
	[tilespmem:$0x11E00] =	vst v63  }
0x10d: {  	_ = 	snop  }
0x10e: {  	[tilespmem:s7], [sflag:$0x1] =	stream.indirect.gather [hbm4b:s17+s22], $0x20, s5, s22, $0xb8;
	[tilespmem:$0x11E00] =	vst v63  }
0x10f: {  	_ =	swait.ge [sflag:s9], $0x1000  }
0x110: {  	[sflag:s9] =	ssyncset.done $0x0  }
0x111: {  	[sflag:s9] =	ssyncadd.s32 $0xFFFFF000  }
0x112: {  	_ =	swait.ge [sflag:s9], $0x1000  }
0x113: {  	[sflag:s9] =	ssyncset.done $0x0  }
0x114: {  	[sflag:s9] =	ssyncadd.s32 $0xFFFFF000  }
0x115: {  	_ =	swait.ge [sflag:s9], $0x1000  }
0x116: {  	[sflag:s9] =	ssyncset.done $0x0  }
0x117: {  	[sflag:s9] =	ssyncadd.s32 $0xFFFFF000  }
0x118: {  	_ =	swait.ge [sflag:s9], $0x1000  }
0x119: {  	[sflag:s9] =	ssyncset.done $0x0  }
0x11a: {  	[sflag:s9] =	ssyncadd.s32 $0xFFFFF000  }
0x11b: {  	_ =	swait.ge [sflag:s9], $0x1000  }
0x11c: {  	[sflag:s9] =	ssyncset.done $0x0  }
0x11d: {  	[sflag:s9] =	ssyncadd.s32 $0xFFFFF000  }
0x11e: {  	_ =	swait.ge [sflag:s9], $0x1000  }
0x11f: {  	[sflag:s9] =	ssyncset.done $0x0  }
0x120: {  	[sflag:s9] =	ssyncadd.s32 $0xFFFFF000  }
0x121: {  	_ =	swait.ge [sflag:s9], $0x1000  }
0x122: {  	[sflag:s9] =	ssyncset.done $0x0  }
0x123: {  	[sflag:s9] =	ssyncadd.s32 $0xFFFFF000  }
0x124: {  	_ =	swait.ge [sflag:s9], $0x1000  }
0x125: {  	[sflag:s9] =	ssyncset.done $0x0  }
0x126: {  	[sflag:s9] =	ssyncadd.s32 $0xFFFFF000  }
0x127: {  	v16 =	vld.idx.msk [tilespmem:v6+s20+$0x0], $0xffff  }
0x128: {  	s18 =	simm.s32 $0x1D10;
	v17 =	vld.idx.msk [tilespmem:v7+s20+$0x0], $0xffff  }
0x129: {  	v20 =	vmov s19;
	v18 =	vld [tilespmem:s18+$0xFFFFFFF0]  }
0x12a: {  	v20 =	vand.u32 $0x3FF, v20;
	s19 =	simm.s32 $0x1;
	v19 =	vld [tilespmem:s18+$0x0]  }
.LBB2_14:
0x12b: {  	p1 =	sne.s32 s19, $0x3FF;
	v21 =	vadd.s32 v11, v20  }
0x12c: {  	v20 =	vadd.s32 v15, v20;
	_ =	sdelay $0x1  }
0x12d: {  	v18 =	vadd.f32 v18, v16  }
.Ltmp8:
0x12e: {  	v19 =	vadd.f32 v19, v17;
	(pc) =	sbr.rel @p1 .LBB2_14-.Ltmp8, $4  }
0x12f: {  	[tilespmem:v21+s11+$0x0] =	vst.idx.msk $0xffff, v18  }
0x130: {  	s18 =	sadd.s32 $0x20, s18;
	[tilespmem:v20+s11+$0x0] =	vst.idx.msk $0xffff, v19  }
0x131: {  	v20 =	vmov s19;
	v18 =	vld [tilespmem:s18+$0xFFFFFFF0]  }
0x132: {  	s19 =	sadd.s32 $0x1, s19;
	v20 =	vand.u32 $0x3FF, v20;
	v19 =	vld [tilespmem:s18+$0x0]  }
0x133: {  	v21 =	vadd.s32 v11, v20  }
0x134: {  	v63 =	vadd.s32 v15, v20;
	_ =	sdelay $0x1  }
0x135: {  	v16 =	vadd.f32 v18, v16  }
0x136: {  	v17 =	vadd.f32 v19, v17  }
0x137: {  	s18 =	simm.s32 $0x9D00;
	[tilespmem:v21+s11+$0x0] =	vst.idx.msk $0xffff, v16  }
0x138: {  	s19 =	simm.s32 $0x80;
	s24 =	sadd.s32 $0x0, s10;
	s23 =	simm.s32 $0xA108;
	[tilespmem:v63+s11+$0x0] =	vst.idx.msk $0xffff, v17  }
.LBB2_16:
0x139: {  	[hbm4b:s24+s2] =	stream.linear.scatter [tilespmem:s18], [sflag:$0x2], $0x400, $0x38;
	[tilespmem:$0x11E00] =	vst v63  }
0x13a: {  	s24 =	smov.u32 s19;
	s18 =	smov.u32 s23;
	p1 =	sne.s32 s19, $0xF80  }
.Ltmp9:
0x13b: {  	s19 =	sadd.s32 $0x80, s19;
	(pc) =	sbr.rel @p1 .LBB2_16-.Ltmp9, $2  }
0x13c: {  	_ =	sdelay $0x2  }
0x13d: {  	s23 =	sadd.s32 $0x408, s23;
	s24 =	sadd.s32 s24, s10  }
0x13e: {  	[hbm4b:s24+s2] =	stream.linear.scatter [tilespmem:s18], [sflag:$0x2], $0x400, $0x38;
	[tilespmem:$0x11E00] =	vst v63  }
0x13f: {  	_ =	swait.ge [sflag:s21], $0x8000  }
0x140: {  	[sflag:s21] =	ssyncset.done $0x0  }
0x141: {  	s19 =	simm.s32 $0x0;
	s24 =	rddreg [dreg:$0x7];
	[sflag:s21] =	ssyncadd.s32 $0xFFFF8000  }
0x142: {  	[tilespmem:s19], [sflag:$0x2] =	stream.linear.gather [hbm4b:s24+s19], $0x400, $0x38;
	[tilespmem:$0x11E00] =	vst v63  }
0x143: {  	_ =	swait.ge [sflag:s21], $0x400  }
0x144: {  	[sflag:s21] =	ssyncset.done $0x0  }
0x145: {  	s23 =	simm.s32 $0x1D00;
	[sflag:s21] =	ssyncadd.s32 $0xFFFFFC00  }
0x146: {  	[tilespmem:s23], [sflag:$0x1] =	stream.indirect.gather [hbm4b:s17+s22], $0x20, s19, s22, $0xb8;
	[tilespmem:$0x11E00] =	vst v63  }
0x147: {  	s24 =	simm.s32 $0x2D00  }
0x148: {  	[tilespmem:s24], [sflag:$0x1] =	stream.indirect.gather [hbm4b:s17+s22], $0x20, s22, s22, $0xb8;
	[tilespmem:$0x11E00] =	vst v63  }
0x149: {  	_ = 	snop  }
0x14a: {  	[tilespmem:s26], [sflag:$0x1] =	stream.indirect.gather [hbm4b:s17+s22], $0x20, s25, s22, $0xb8;
	[tilespmem:$0x11E00] =	vst v63  }
0x14b: {  	_ = 	snop  }
0x14c: {  	[tilespmem:s29], [sflag:$0x1] =	stream.indirect.gather [hbm4b:s17+s22], $0x20, s28, s22, $0xb8;
	[tilespmem:$0x11E00] =	vst v63  }
0x14d: {  	_ = 	snop  }
0x14e: {  	[tilespmem:s31], [sflag:$0x1] =	stream.indirect.gather [hbm4b:s17+s22], $0x20, s30, s22, $0xb8;
	[tilespmem:$0x11E00] =	vst v63  }
0x14f: {  	_ = 	snop  }
0x150: {  	[tilespmem:s1], [sflag:$0x1] =	stream.indirect.gather [hbm4b:s17+s22], $0x20, s0, s22, $0xb8;
	[tilespmem:$0x11E00] =	vst v63  }
0x151: {  	_ = 	snop  }
0x152: {  	[tilespmem:s3], [sflag:$0x1] =	stream.indirect.gather [hbm4b:s17+s22], $0x20, s14, s22, $0xb8;
	[tilespmem:$0x11E00] =	vst v63  }
0x153: {  	_ = 	snop  }
0x154: {  	[tilespmem:s7], [sflag:$0x1] =	stream.indirect.gather [hbm4b:s17+s22], $0x20, s5, s22, $0xb8;
	[tilespmem:$0x11E00] =	vst v63  }
0x155: {  	_ =	swait.ge [sflag:s9], $0x1000  }
0x156: {  	[sflag:s9] =	ssyncset.done $0x0  }
0x157: {  	[sflag:s9] =	ssyncadd.s32 $0xFFFFF000  }
0x158: {  	_ =	swait.ge [sflag:s9], $0x1000  }
0x159: {  	[sflag:s9] =	ssyncset.done $0x0  }
0x15a: {  	[sflag:s9] =	ssyncadd.s32 $0xFFFFF000  }
0x15b: {  	_ =	swait.ge [sflag:s9], $0x1000  }
0x15c: {  	[sflag:s9] =	ssyncset.done $0x0  }
0x15d: {  	[sflag:s9] =	ssyncadd.s32 $0xFFFFF000  }
0x15e: {  	_ =	swait.ge [sflag:s9], $0x1000  }
0x15f: {  	[sflag:s9] =	ssyncset.done $0x0  }
0x160: {  	[sflag:s9] =	ssyncadd.s32 $0xFFFFF000  }
0x161: {  	_ =	swait.ge [sflag:s9], $0x1000  }
0x162: {  	[sflag:s9] =	ssyncset.done $0x0  }
0x163: {  	[sflag:s9] =	ssyncadd.s32 $0xFFFFF000  }
0x164: {  	_ =	swait.ge [sflag:s9], $0x1000  }
0x165: {  	[sflag:s9] =	ssyncset.done $0x0  }
0x166: {  	[sflag:s9] =	ssyncadd.s32 $0xFFFFF000  }
0x167: {  	_ =	swait.ge [sflag:s9], $0x1000  }
0x168: {  	[sflag:s9] =	ssyncset.done $0x0  }
0x169: {  	[sflag:s9] =	ssyncadd.s32 $0xFFFFF000  }
0x16a: {  	_ =	swait.ge [sflag:s9], $0x1000  }
0x16b: {  	[sflag:s9] =	ssyncset.done $0x0  }
0x16c: {  	[sflag:s9] =	ssyncadd.s32 $0xFFFFF000  }
0x16d: {  	v16 =	vld.idx.msk [tilespmem:v8+s20+$0x0], $0xffff  }
0x16e: {  	s18 =	simm.s32 $0x1D10;
	v17 =	vld.idx.msk [tilespmem:v9+s20+$0x0], $0xffff  }
0x16f: {  	v20 =	vmov s19;
	v18 =	vld [tilespmem:s18+$0xFFFFFFF0]  }
0x170: {  	v20 =	vand.u32 $0x3FF, v20;
	s19 =	simm.s32 $0x1;
	v19 =	vld [tilespmem:s18+$0x0]  }
.LBB2_18:
0x171: {  	p1 =	sne.s32 s19, $0x3FF;
	v21 =	vadd.s32 v11, v20  }
0x172: {  	v20 =	vadd.s32 v15, v20;
	_ =	sdelay $0x1  }
0x173: {  	v18 =	vadd.f32 v18, v16  }
.Ltmp10:
0x174: {  	v19 =	vadd.f32 v19, v17;
	(pc) =	sbr.rel @p1 .LBB2_18-.Ltmp10, $4  }
0x175: {  	[tilespmem:v21+s11+$0x0] =	vst.idx.msk $0xffff, v18  }
0x176: {  	s18 =	sadd.s32 $0x20, s18;
	[tilespmem:v20+s11+$0x0] =	vst.idx.msk $0xffff, v19  }
0x177: {  	v20 =	vmov s19;
	v18 =	vld [tilespmem:s18+$0xFFFFFFF0]  }
0x178: {  	s19 =	sadd.s32 $0x1, s19;
	v20 =	vand.u32 $0x3FF, v20;
	v19 =	vld [tilespmem:s18+$0x0]  }
0x179: {  	v21 =	vadd.s32 v11, v20  }
0x17a: {  	v63 =	vadd.s32 v15, v20;
	_ =	sdelay $0x1  }
0x17b: {  	v16 =	vadd.f32 v18, v16  }
0x17c: {  	v17 =	vadd.f32 v19, v17  }
0x17d: {  	s18 =	simm.s32 $0x9D00;
	[tilespmem:v21+s11+$0x0] =	vst.idx.msk $0xffff, v16  }
0x17e: {  	s19 =	simm.s32 $0x80;
	s24 =	sadd.s32 $0x0, s12;
	s23 =	simm.s32 $0xA108;
	[tilespmem:v63+s11+$0x0] =	vst.idx.msk $0xffff, v17  }
.LBB2_20:
0x17f: {  	[hbm4b:s24+s2] =	stream.linear.scatter [tilespmem:s18], [sflag:$0x2], $0x400, $0x38;
	[tilespmem:$0x11E00] =	vst v63  }
0x180: {  	s24 =	smov.u32 s19;
	s18 =	smov.u32 s23;
	p1 =	sne.s32 s19, $0xF80  }
.Ltmp11:
0x181: {  	s19 =	sadd.s32 $0x80, s19;
	(pc) =	sbr.rel @p1 .LBB2_20-.Ltmp11, $2  }
0x182: {  	_ =	sdelay $0x2  }
0x183: {  	s23 =	sadd.s32 $0x408, s23;
	s24 =	sadd.s32 s24, s12  }
0x184: {  	[hbm4b:s24+s2] =	stream.linear.scatter [tilespmem:s18], [sflag:$0x2], $0x400, $0x38;
	[tilespmem:$0x11E00] =	vst v63  }
0x185: {  	_ =	swait.ge [sflag:s21], $0x8000  }
0x186: {  	[sflag:s21] =	ssyncset.done $0x0  }
0x187: {  	s19 =	simm.s32 $0x0;
	s24 =	rddreg [dreg:$0x8];
	[sflag:s21] =	ssyncadd.s32 $0xFFFF8000  }
0x188: {  	[tilespmem:s19], [sflag:$0x2] =	stream.linear.gather [hbm4b:s24+s19], $0x400, $0x38;
	[tilespmem:$0x11E00] =	vst v63  }
0x189: {  	_ =	swait.ge [sflag:s21], $0x400  }
0x18a: {  	[sflag:s21] =	ssyncset.done $0x0  }
0x18b: {  	s23 =	simm.s32 $0x1D00;
	[sflag:s21] =	ssyncadd.s32 $0xFFFFFC00  }
0x18c: {  	[tilespmem:s23], [sflag:$0x1] =	stream.indirect.gather [hbm4b:s17+s22], $0x20, s19, s22, $0xb8;
	[tilespmem:$0x11E00] =	vst v63  }
0x18d: {  	s24 =	simm.s32 $0x2D00  }
0x18e: {  	[tilespmem:s24], [sflag:$0x1] =	stream.indirect.gather [hbm4b:s17+s22], $0x20, s22, s22, $0xb8;
	[tilespmem:$0x11E00] =	vst v63  }
0x18f: {  	_ = 	snop  }
0x190: {  	[tilespmem:s26], [sflag:$0x1] =	stream.indirect.gather [hbm4b:s17+s22], $0x20, s25, s22, $0xb8;
	[tilespmem:$0x11E00] =	vst v63  }
0x191: {  	_ = 	snop  }
0x192: {  	[tilespmem:s29], [sflag:$0x1] =	stream.indirect.gather [hbm4b:s17+s22], $0x20, s28, s22, $0xb8;
	[tilespmem:$0x11E00] =	vst v63  }
0x193: {  	_ = 	snop  }
0x194: {  	[tilespmem:s31], [sflag:$0x1] =	stream.indirect.gather [hbm4b:s17+s22], $0x20, s30, s22, $0xb8;
	[tilespmem:$0x11E00] =	vst v63  }
0x195: {  	_ = 	snop  }
0x196: {  	[tilespmem:s1], [sflag:$0x1] =	stream.indirect.gather [hbm4b:s17+s22], $0x20, s0, s22, $0xb8;
	[tilespmem:$0x11E00] =	vst v63  }
0x197: {  	_ = 	snop  }
0x198: {  	[tilespmem:s3], [sflag:$0x1] =	stream.indirect.gather [hbm4b:s17+s22], $0x20, s14, s22, $0xb8;
	[tilespmem:$0x11E00] =	vst v63  }
0x199: {  	_ = 	snop  }
0x19a: {  	[tilespmem:s7], [sflag:$0x1] =	stream.indirect.gather [hbm4b:s17+s22], $0x20, s5, s22, $0xb8;
	[tilespmem:$0x11E00] =	vst v63  }
0x19b: {  	_ =	swait.ge [sflag:s9], $0x1000  }
0x19c: {  	[sflag:s9] =	ssyncset.done $0x0  }
0x19d: {  	[sflag:s9] =	ssyncadd.s32 $0xFFFFF000  }
0x19e: {  	_ =	swait.ge [sflag:s9], $0x1000  }
0x19f: {  	[sflag:s9] =	ssyncset.done $0x0  }
0x1a0: {  	[sflag:s9] =	ssyncadd.s32 $0xFFFFF000  }
0x1a1: {  	_ =	swait.ge [sflag:s9], $0x1000  }
0x1a2: {  	[sflag:s9] =	ssyncset.done $0x0  }
0x1a3: {  	[sflag:s9] =	ssyncadd.s32 $0xFFFFF000  }
0x1a4: {  	_ =	swait.ge [sflag:s9], $0x1000  }
0x1a5: {  	[sflag:s9] =	ssyncset.done $0x0  }
0x1a6: {  	[sflag:s9] =	ssyncadd.s32 $0xFFFFF000  }
0x1a7: {  	_ =	swait.ge [sflag:s9], $0x1000  }
0x1a8: {  	[sflag:s9] =	ssyncset.done $0x0  }
0x1a9: {  	[sflag:s9] =	ssyncadd.s32 $0xFFFFF000  }
0x1aa: {  	_ =	swait.ge [sflag:s9], $0x1000  }
0x1ab: {  	[sflag:s9] =	ssyncset.done $0x0  }
0x1ac: {  	[sflag:s9] =	ssyncadd.s32 $0xFFFFF000  }
0x1ad: {  	_ =	swait.ge [sflag:s9], $0x1000  }
0x1ae: {  	[sflag:s9] =	ssyncset.done $0x0  }
0x1af: {  	[sflag:s9] =	ssyncadd.s32 $0xFFFFF000  }
0x1b0: {  	_ =	swait.ge [sflag:s9], $0x1000  }
0x1b1: {  	[sflag:s9] =	ssyncset.done $0x0  }
0x1b2: {  	[sflag:s9] =	ssyncadd.s32 $0xFFFFF000  }
0x1b3: {  	v16 =	vld.idx.msk [tilespmem:v10+s20+$0x0], $0xffff  }
0x1b4: {  	s18 =	simm.s32 $0x1D10;
	v17 =	vld.idx.msk [tilespmem:v12+s20+$0x0], $0xffff  }
0x1b5: {  	v20 =	vmov s19;
	v18 =	vld [tilespmem:s18+$0xFFFFFFF0]  }
0x1b6: {  	v20 =	vand.u32 $0x3FF, v20;
	s19 =	simm.s32 $0x1;
	v19 =	vld [tilespmem:s18+$0x0]  }
.LBB2_22:
0x1b7: {  	p1 =	sne.s32 s19, $0x3FF;
	v21 =	vadd.s32 v11, v20  }
0x1b8: {  	v20 =	vadd.s32 v15, v20;
	_ =	sdelay $0x1  }
0x1b9: {  	v18 =	vadd.f32 v18, v16  }
.Ltmp12:
0x1ba: {  	v19 =	vadd.f32 v19, v17;
	(pc) =	sbr.rel @p1 .LBB2_22-.Ltmp12, $4  }
0x1bb: {  	[tilespmem:v21+s11+$0x0] =	vst.idx.msk $0xffff, v18  }
0x1bc: {  	s18 =	sadd.s32 $0x20, s18;
	[tilespmem:v20+s11+$0x0] =	vst.idx.msk $0xffff, v19  }
0x1bd: {  	v20 =	vmov s19;
	v18 =	vld [tilespmem:s18+$0xFFFFFFF0]  }
0x1be: {  	s19 =	sadd.s32 $0x1, s19;
	v20 =	vand.u32 $0x3FF, v20;
	v19 =	vld [tilespmem:s18+$0x0]  }
0x1bf: {  	v21 =	vadd.s32 v11, v20  }
0x1c0: {  	v63 =	vadd.s32 v15, v20;
	_ =	sdelay $0x1  }
0x1c1: {  	v16 =	vadd.f32 v18, v16  }
0x1c2: {  	v17 =	vadd.f32 v19, v17  }
0x1c3: {  	s18 =	simm.s32 $0x9D00;
	[tilespmem:v21+s11+$0x0] =	vst.idx.msk $0xffff, v16  }
0x1c4: {  	s19 =	simm.s32 $0x80;
	s24 =	sadd.s32 $0x0, s15;
	s23 =	simm.s32 $0xA108;
	[tilespmem:v63+s11+$0x0] =	vst.idx.msk $0xffff, v17  }
.LBB2_24:
0x1c5: {  	[hbm4b:s24+s2] =	stream.linear.scatter [tilespmem:s18], [sflag:$0x2], $0x400, $0x38;
	[tilespmem:$0x11E00] =	vst v63  }
0x1c6: {  	s24 =	smov.u32 s19;
	s18 =	smov.u32 s23;
	p1 =	sne.s32 s19, $0xF80  }
.Ltmp13:
0x1c7: {  	s19 =	sadd.s32 $0x80, s19;
	(pc) =	sbr.rel @p1 .LBB2_24-.Ltmp13, $2  }
0x1c8: {  	_ =	sdelay $0x2  }
0x1c9: {  	s23 =	sadd.s32 $0x408, s23;
	s24 =	sadd.s32 s24, s15  }
.Ltmp14:
0x1ca: {  	(pc) =	sbr.rel @p0 .LBB2_31-.Ltmp14, $4  }
0x1cb: {  	[hbm4b:s24+s2] =	stream.linear.scatter [tilespmem:s18], [sflag:$0x2], $0x400, $0x38;
	[tilespmem:$0x11E00] =	vst v63  }
0x1cc: {  	_ =	swait.ge [sflag:s21], $0x8000  }
0x1cd: {  	[sflag:s21] =	ssyncset.done $0x0  }
0x1ce: {  	[sflag:s21] =	ssyncadd.s32 $0xFFFF8000  }
0x1cf: {  	s19 =	simm.s32 $0x0;
	s18 =	rddreg [dreg:$0x9]  }
0x1d0: {  	[tilespmem:s19], [sflag:$0x2] =	stream.linear.gather [hbm4b:s18+s19], $0x400, $0x38;
	[tilespmem:$0x11E00] =	vst v63  }
0x1d1: {  	_ =	swait.ge [sflag:s21], $0x400  }
0x1d2: {  	[sflag:s21] =	ssyncset.done $0x0  }
0x1d3: {  	s23 =	simm.s32 $0x1D00;
	[sflag:s21] =	ssyncadd.s32 $0xFFFFFC00  }
0x1d4: {  	[tilespmem:s23], [sflag:$0x1] =	stream.indirect.gather [hbm4b:s17+s22], $0x20, s19, s22, $0xb8;
	[tilespmem:$0x11E00] =	vst v63  }
0x1d5: {  	s24 =	simm.s32 $0x2D00  }
0x1d6: {  	[tilespmem:s24], [sflag:$0x1] =	stream.indirect.gather [hbm4b:s17+s22], $0x20, s22, s22, $0xb8;
	[tilespmem:$0x11E00] =	vst v63  }
0x1d7: {  	_ = 	snop  }
0x1d8: {  	[tilespmem:s26], [sflag:$0x1] =	stream.indirect.gather [hbm4b:s17+s22], $0x20, s25, s22, $0xb8;
	[tilespmem:$0x11E00] =	vst v63  }
0x1d9: {  	_ = 	snop  }
0x1da: {  	[tilespmem:s29], [sflag:$0x1] =	stream.indirect.gather [hbm4b:s17+s22], $0x20, s28, s22, $0xb8;
	[tilespmem:$0x11E00] =	vst v63  }
0x1db: {  	_ = 	snop  }
0x1dc: {  	[tilespmem:s31], [sflag:$0x1] =	stream.indirect.gather [hbm4b:s17+s22], $0x20, s30, s22, $0xb8;
	[tilespmem:$0x11E00] =	vst v63  }
0x1dd: {  	_ = 	snop  }
0x1de: {  	[tilespmem:s1], [sflag:$0x1] =	stream.indirect.gather [hbm4b:s17+s22], $0x20, s0, s22, $0xb8;
	[tilespmem:$0x11E00] =	vst v63  }
0x1df: {  	_ = 	snop  }
0x1e0: {  	[tilespmem:s3], [sflag:$0x1] =	stream.indirect.gather [hbm4b:s17+s22], $0x20, s14, s22, $0xb8;
	[tilespmem:$0x11E00] =	vst v63  }
0x1e1: {  	_ = 	snop  }
0x1e2: {  	[tilespmem:s7], [sflag:$0x1] =	stream.indirect.gather [hbm4b:s17+s22], $0x20, s5, s22, $0xb8;
	[tilespmem:$0x11E00] =	vst v63  }
0x1e3: {  	_ =	swait.ge [sflag:s9], $0x1000  }
0x1e4: {  	[sflag:s9] =	ssyncset.done $0x0  }
0x1e5: {  	[sflag:s9] =	ssyncadd.s32 $0xFFFFF000  }
0x1e6: {  	_ =	swait.ge [sflag:s9], $0x1000  }
0x1e7: {  	[sflag:s9] =	ssyncset.done $0x0  }
0x1e8: {  	[sflag:s9] =	ssyncadd.s32 $0xFFFFF000  }
0x1e9: {  	_ =	swait.ge [sflag:s9], $0x1000  }
0x1ea: {  	[sflag:s9] =	ssyncset.done $0x0  }
0x1eb: {  	[sflag:s9] =	ssyncadd.s32 $0xFFFFF000  }
0x1ec: {  	_ =	swait.ge [sflag:s9], $0x1000  }
0x1ed: {  	[sflag:s9] =	ssyncset.done $0x0  }
0x1ee: {  	[sflag:s9] =	ssyncadd.s32 $0xFFFFF000  }
0x1ef: {  	_ =	swait.ge [sflag:s9], $0x1000  }
0x1f0: {  	[sflag:s9] =	ssyncset.done $0x0  }
0x1f1: {  	[sflag:s9] =	ssyncadd.s32 $0xFFFFF000  }
0x1f2: {  	_ =	swait.ge [sflag:s9], $0x1000  }
0x1f3: {  	[sflag:s9] =	ssyncset.done $0x0  }
0x1f4: {  	[sflag:s9] =	ssyncadd.s32 $0xFFFFF000  }
0x1f5: {  	_ =	swait.ge [sflag:s9], $0x1000  }
0x1f6: {  	[sflag:s9] =	ssyncset.done $0x0  }
0x1f7: {  	[sflag:s9] =	ssyncadd.s32 $0xFFFFF000  }
0x1f8: {  	_ =	swait.ge [sflag:s9], $0x1000  }
0x1f9: {  	[sflag:s9] =	ssyncset.done $0x0  }
0x1fa: {  	[sflag:s9] =	ssyncadd.s32 $0xFFFFF000  }
0x1fb: {  	v16 =	vld.idx.msk [tilespmem:v13+s20+$0x0], $0xffff  }
0x1fc: {  	s18 =	simm.s32 $0x1D10;
	v17 =	vld.idx.msk [tilespmem:v14+s20+$0x0], $0xffff  }
0x1fd: {  	v20 =	vmov s19;
	v18 =	vld [tilespmem:s18+$0xFFFFFFF0]  }
0x1fe: {  	v20 =	vand.u32 $0x3FF, v20;
	s19 =	simm.s32 $0x1;
	v19 =	vld [tilespmem:s18+$0x0]  }
.LBB2_27:
0x1ff: {  	p1 =	sne.s32 s19, $0x3FF;
	v21 =	vadd.s32 v11, v20  }
0x200: {  	v20 =	vadd.s32 v15, v20;
	_ =	sdelay $0x1  }
0x201: {  	v18 =	vadd.f32 v18, v16  }
.Ltmp15:
0x202: {  	v19 =	vadd.f32 v19, v17;
	(pc) =	sbr.rel @p1 .LBB2_27-.Ltmp15, $4  }
0x203: {  	[tilespmem:v21+s11+$0x0] =	vst.idx.msk $0xffff, v18  }
0x204: {  	s18 =	sadd.s32 $0x20, s18;
	[tilespmem:v20+s11+$0x0] =	vst.idx.msk $0xffff, v19  }
0x205: {  	v20 =	vmov s19;
	v18 =	vld [tilespmem:s18+$0xFFFFFFF0]  }
0x206: {  	s19 =	sadd.s32 $0x1, s19;
	v20 =	vand.u32 $0x3FF, v20;
	v19 =	vld [tilespmem:s18+$0x0]  }
0x207: {  	v21 =	vadd.s32 v11, v20  }
0x208: {  	v63 =	vadd.s32 v15, v20;
	_ =	sdelay $0x1  }
0x209: {  	v16 =	vadd.f32 v18, v16  }
0x20a: {  	v17 =	vadd.f32 v19, v17  }
0x20b: {  	s18 =	simm.s32 $0x9D00;
	[tilespmem:v21+s11+$0x0] =	vst.idx.msk $0xffff, v16  }
0x20c: {  	s19 =	simm.s32 $0x80;
	s24 =	sadd.s32 $0x0, s16;
	s23 =	simm.s32 $0xA108;
	[tilespmem:v63+s11+$0x0] =	vst.idx.msk $0xffff, v17  }
.LBB2_29:
0x20d: {  	[hbm4b:s24+s2] =	stream.linear.scatter [tilespmem:s18], [sflag:$0x2], $0x400, $0x38;
	[tilespmem:$0x11E00] =	vst v63  }
0x20e: {  	s24 =	smov.u32 s19;
	s18 =	smov.u32 s23;
	p1 =	sne.s32 s19, $0xF80  }
.Ltmp16:
0x20f: {  	s19 =	sadd.s32 $0x80, s19;
	(pc) =	sbr.rel @p1 .LBB2_29-.Ltmp16, $2  }
0x210: {  	_ =	sdelay $0x2  }
0x211: {  	s23 =	sadd.s32 $0x408, s23;
	s24 =	sadd.s32 s24, s16  }
.Ltmp17:
0x212: {  	_ = 	snop;
	(pc) =	sbr.rel .LBB2_30-.Ltmp17, $1  }
0x213: {  	_ =	sdelay $0x3  }
.LBB2_32:
0x214: {  	_ =	sfence.sel $0x180000  }
0x215: {  	[bflag:$0x0] =	sbarrier.arrive $0xFFFF  }
0x216: {  	_ =	strace $0x90000047  }
0x217: {  	s0 =	stileid.u32;
	[bflag:$0x2] =	sbarrier.arrive $0xFFFF  }
0x218: {  	p0 =	sne.s32 s0, $0x0;
	s0 =	rddreg [dreg:$0x2]  }
0x219: {  	s0 =	sadd.s32 @!p0 $0x100000, s0  }
0x21a: {  	[sflag:s0] =	ssyncadd.tile.s32 @!p0 $0x1;
	_ =	shalt  }
.Lfunc_end2:
_tile_overlayer_lowered:
.L_overlay_start_2:
0x21b: {  	(tag) =	ssettag $0x2  }
0x21c: {  	s0 =	rddreg [dreg:$0x0];
	s2 =	stileid.u32  }
0x21d: {  	s1 =	rddreg [dreg:$0x1];
	p0 =	sne.s32 s2, $0x0  }
0x21e: {  	s3 =	rddreg [dreg:$0x2];
	[bflag:$0x3] =	sbarrier.arrive $0xFFFF;
	s2 =	simm.s32 @!p0 $0x1C02  }
0x21f: {  	[timem:s3], [sflag:s2] =	dma.local @!p0 [hbm:s0], s1  }
0x220: {  	s0 =	simm.s32 @!p0 $0x2  }
0x221: {  	_ =	swait.ge @!p0 [sflag:s0], s1  }
0x222: {  	s1 =	ssub.s32 @!p0 $0x0, s1;
	[sflag:s0] =	ssyncset.done @!p0 $0x0  }
0x223: {  	[sflag:s0] =	ssyncadd.s32 @!p0 s1  }
0x224: {  	[bflag:$0x3] =	sbarrier.arrive $0xFFFF  }
0x225: {  	_ =	shalt  }

</sc_bundles>
